<compile_context>
chip_gen: v7x
topology: tpu7x:2x2x1
jax: 0.10.2.dev20260603
libtpu: 0.0.44.dev20260713+nightly
codegen_flags: <defaults>
</compile_context>

<pallas_src>
import functools

import jax
import jax.numpy as jnp
from jax import lax
from jax.experimental import pallas as pl
from jax.experimental.pallas import tpu as pltpu
import jax.experimental.pallas.tpu_sc as plsc

B_CELLS = 64


def _stage_a_body(x_ref, wa_ref, wc_ref, ca_ref, a_ref, c_ref):
    xb = x_ref[...]
    nrm = jnp.sqrt(jnp.sum(xb * xb, axis=1, keepdims=True)) + 1e-12
    h = xb / nrm
    a_ref[...] = (
        jnp.dot(h, wa_ref[...], preferred_element_type=jnp.float32) + ca_ref[...]
    )
    c_ref[...] = jnp.dot(h, wc_ref[...], preferred_element_type=jnp.float32)


def _stage_a(x, wa, wc, ca, blk):
    n, d = x.shape
    grid = n // blk
    return pl.pallas_call(
        _stage_a_body,
        grid=(grid,),
        in_specs=[
            pl.BlockSpec((blk, d), lambda i: (i, 0)),
            pl.BlockSpec((d, d), lambda i: (0, 0)),
            pl.BlockSpec((d, d), lambda i: (0, 0)),
            pl.BlockSpec((1, d), lambda i: (0, 0)),
        ],
        out_specs=[
            pl.BlockSpec((blk, d), lambda i: (i, 0)),
            pl.BlockSpec((blk, d), lambda i: (i, 0)),
        ],
        out_shape=[
            jax.ShapeDtypeStruct((n, d), jnp.float32),
            jax.ShapeDtypeStruct((n, d), jnp.float32),
        ],
    )(x, wa, wc, ca)


def _stage_b(a2, c2, batch, dst, src, *, epw, ch):
    n, d = a2.shape
    e = dst.shape[0]
    nch = epw // ch
    mesh = plsc.VectorSubcoreMesh(core_axis_name="c", subcore_axis_name="s")

    @functools.partial(
        pl.kernel,
        out_type=[
            jax.ShapeDtypeStruct((e, d), jnp.float32),
            jax.ShapeDtypeStruct((e,), jnp.int32),
        ],
        mesh=mesh,
        scratch_types=[
            pltpu.VMEM((epw,), jnp.int32),
            pltpu.VMEM((epw,), jnp.int32),
            pltpu.VMEM((ch, d), jnp.float32),
            pltpu.VMEM((ch, d), jnp.float32),
            pltpu.VMEM((ch,), jnp.int32),
            pltpu.SemaphoreType.DMA,
            pltpu.SemaphoreType.DMA,
            pltpu.SemaphoreType.DMA,
        ],
    )
    def k(a2_h, c2_h, batch_h, dst_h, src_h, r_h, cb_h,
          idx_d, idx_s, abuf, cbuf, cbv, sem0, sem1, sem2):
        wid = lax.axis_index("s") * 2 + lax.axis_index("c")
        ebase = wid * epw
        pltpu.sync_copy(dst_h.at[pl.ds(ebase, epw)], idx_d)
        pltpu.sync_copy(src_h.at[pl.ds(ebase, epw)], idx_s)

        @pl.loop(0, nch)
        def _chunk(kk):
            i0 = kk * ch
            di = idx_d.at[pl.ds(i0, ch)]
            si = idx_s.at[pl.ds(i0, ch)]
            d1 = pltpu.async_copy(a2_h.at[di], abuf, sem0)
            d2 = pltpu.async_copy(c2_h.at[si], cbuf, sem1)
            d3 = pltpu.async_copy(batch_h.at[di], cbv, sem2)
            d1.wait()
            d2.wait()

            @pl.loop(0, ch)
            def _edge(ee):
                for cc in range(d // 16):
                    av = abuf[ee, pl.ds(cc * 16, 16)]
                    cv = cbuf[ee, pl.ds(cc * 16, 16)]
                    abuf[ee, pl.ds(cc * 16, 16)] = jnp.maximum(av + cv, 0.0)

            d3.wait()
            pltpu.sync_copy(abuf, r_h.at[pl.ds(ebase + i0, ch)])
            pltpu.sync_copy(cbv, cb_h.at[pl.ds(ebase + i0, ch)])

    return k(a2, c2, batch, dst, src)


def _stage_c_body(r_ref, w_ref, b_ref, s_ref):
    s_ref[...] = jnp.maximum(
        jnp.dot(r_ref[...], w_ref[...], preferred_element_type=jnp.float32)
        + b_ref[...],
        0.0,
    )


def _stage_c(r, w2p, b2p, blk):
    e, d = r.shape
    grid = e // blk
    return pl.pallas_call(
        _stage_c_body,
        grid=(grid,),
        in_specs=[
            pl.BlockSpec((blk, d), lambda i: (i, 0)),
            pl.BlockSpec((d, d), lambda i: (0, 0)),
            pl.BlockSpec((1, d), lambda i: (0, 0)),
        ],
        out_specs=pl.BlockSpec((blk, d), lambda i: (i, 0)),
        out_shape=jax.ShapeDtypeStruct((e, d), jnp.float32),
    )(r, w2p, b2p)


def _stage_d(s, cb, *, epw, ch):
    e, d = s.shape
    nch = epw // ch
    nw = 32
    mesh = plsc.VectorSubcoreMesh(core_axis_name="c", subcore_axis_name="s")

    @functools.partial(
        pl.kernel,
        out_type=jax.ShapeDtypeStruct((nw, B_CELLS, d), jnp.float32),
        mesh=mesh,
        compiler_params=pltpu.CompilerParams(needs_layout_passes=False),
        scratch_types=[
            pltpu.VMEM((ch, d), jnp.float32),
            pltpu.VMEM((ch,), jnp.int32),
            pltpu.VMEM((B_CELLS, d), jnp.float32),
        ],
    )
    def k(s_h, cb_h, out_h, sbuf, cbv, acc):
        lane = lax.iota(jnp.int32, 16)
        wid = lax.axis_index("s") * 2 + lax.axis_index("c")
        ebase = wid * epw

        @pl.loop(0, B_CELLS)
        def _zrow(rr):
            for cc in range(d // 16):
                acc[rr, pl.ds(cc * 16, 16)] = jnp.zeros((16,), jnp.float32)

        @pl.loop(0, nch)
        def _chunk(kk):
            i0 = ebase + kk * ch
            pltpu.sync_copy(s_h.at[pl.ds(i0, ch)], sbuf)
            pltpu.sync_copy(cb_h.at[pl.ds(i0, ch)], cbv)

            @pl.loop(0, ch // 16)
            def _grp(gg):
                cb16 = cbv[pl.ds(gg * 16, 16)]
                for j in range(16):
                    cj = jnp.sum(jnp.where(lane == j, cb16, 0))
                    ee = gg * 16 + j
                    for cc in range(d // 16):
                        sv = sbuf[ee, pl.ds(cc * 16, 16)]
                        av = acc[cj, pl.ds(cc * 16, 16)]
                        acc[cj, pl.ds(cc * 16, 16)] = jnp.maximum(av, sv)

        pltpu.sync_copy(acc, out_h.at[wid])

    return k(s, cb)


def _stage_e_body(p_ref, wl1_ref, bl1_ref, wl2_ref, bl2_ref, y_ref):
    pooled = jnp.max(p_ref[...], axis=0)
    y1 = jnp.maximum(
        jnp.dot(pooled, wl1_ref[...], preferred_element_type=jnp.float32)
        + bl1_ref[...],
        0.0,
    )
    y2 = (
        jnp.dot(y1, wl2_ref[...], preferred_element_type=jnp.float32) + bl2_ref[...]
    )
    nrm = jnp.sqrt(jnp.sum(y2 * y2, axis=1, keepdims=True)) + 1e-12
    y_ref[...] = y2 / nrm


def _stage_e(partials, wl1t, bl1, wl2t, bl2):
    nw, b, d = partials.shape
    return pl.pallas_call(
        _stage_e_body,
        in_specs=[
            pl.BlockSpec((nw, b, d), lambda: (0, 0, 0)),
            pl.BlockSpec((d, d), lambda: (0, 0)),
            pl.BlockSpec((1, d), lambda: (0, 0)),
            pl.BlockSpec((d, d), lambda: (0, 0)),
            pl.BlockSpec((1, d), lambda: (0, 0)),
        ],
        out_specs=pl.BlockSpec((b, d), lambda: (0, 0)),
        out_shape=jax.ShapeDtypeStruct((b, d), jnp.float32),
    )(partials, wl1t, bl1, wl2t, bl2)


def kernel(x, edge_index, batch, W1, b1, g1, be1, W2, b2, g2, be2,
           Wl1, bl1, Wl2, bl2):
    n, d = x.shape
    e = edge_index.shape[1]
    nw = 32
    epw = e // nw
    assert e % nw == 0 and n % 8 == 0

    w1a = W1[:, :d]
    w1b = W1[:, d:]
    wa = (w1a - w1b).T * g1[None, :]
    wc = w1b.T * g1[None, :]
    ca = (g1 * b1 + be1)[None, :]
    w2p = (W2 * g2[:, None]).T
    b2p = (g2 * b2 + be2)[None, :]

    a2, c2 = _stage_a(x, wa, wc, ca, blk=400)
    dst = edge_index[1]
    src = edge_index[0]
    r, cb = _stage_b(a2, c2, batch, dst, src, epw=epw, ch=80)
    s = _stage_c(r, w2p, b2p, blk=2000)
    partials = _stage_d(s, cb, epw=epw, ch=400)
    y = _stage_e(partials, Wl1.T, bl1[None, :], Wl2.T, bl2[None, :])
    return y

# --- scband reference (transcript-rebuilt; emitter-appended) ---
"""Pipeline reference for scband-cell-retrieval-network-26817775796680 (READ-ONLY COPY).

The authoritative reference and input builder live on the scoring server;
editing this copy changes nothing except your own understanding.
"""

import jax, jax.numpy as jnp
import numpy as np

N = 10000   # total objects across the batch of cells
E = 320000  # edges (static kNN graph standing in for DynamicEdgeConv's per-batch knn, k~32)
D = 128     # embed_dim
B = 64      # number of cells (graphs) in the batch


def setup_inputs(seed: int = 0) -> dict:
    key = jax.random.key(seed)
    ks = jax.random.split(key, 8)
    s = 0.05
    inp = {}
    inp["x"] = jax.random.normal(ks[0], (N, D), dtype=jnp.float32)
    inp["edge_index"] = jax.random.randint(ks[1], (2, E), 0, N, dtype=jnp.int32)
    inp["batch"] = jnp.sort(jax.random.randint(ks[2], (N,), 0, B, dtype=jnp.int32))
    # DynamicEdgeConv nn = get_mlp([2*D, D, D], add_batchnorm=True): Linear->BN->ReLU->Linear->BN->ReLU
    inp["W1"] = jax.random.normal(ks[3], (D, 2 * D), dtype=jnp.float32) * s
    inp["b1"] = jnp.zeros((D,), dtype=jnp.float32)
    inp["g1"] = jnp.ones((D,), dtype=jnp.float32)
    inp["be1"] = jnp.zeros((D,), dtype=jnp.float32)
    inp["W2"] = jax.random.normal(ks[4], (D, D), dtype=jnp.float32) * s
    inp["b2"] = jnp.zeros((D,), dtype=jnp.float32)
    inp["g2"] = jnp.ones((D,), dtype=jnp.float32)
    inp["be2"] = jnp.zeros((D,), dtype=jnp.float32)
    # self.lin = get_mlp([D, D, D]): Linear->ReLU->Linear
    inp["Wl1"] = jax.random.normal(ks[5], (D, D), dtype=jnp.float32) * s
    inp["bl1"] = jnp.zeros((D,), dtype=jnp.float32)
    inp["Wl2"] = jax.random.normal(ks[6], (D, D), dtype=jnp.float32) * s
    inp["bl2"] = jnp.zeros((D,), dtype=jnp.float32)
    return inp


def _forward(x, edge_index, batch, W1, b1, g1, be1, W2, b2, g2, be2, Wl1, bl1, Wl2, bl2):
    # embeddings = F.normalize(object_encoder(...), dim=-1)
    h = x / (jnp.linalg.norm(x, axis=-1, keepdims=True) + 1e-12)
    src = edge_index[0]
    dst = edge_index[1]
    # EdgeConv message: nn(cat[x_i, x_j - x_i]) with i = center (dst), j = neighbor (src)
    x_i = jnp.take(h, dst, axis=0)
    x_j = jnp.take(h, src, axis=0)
    m = jnp.concatenate([x_i, x_j - x_i], axis=-1)
    m = m @ W1.T + b1
    m = jax.nn.relu(g1 * m + be1)  # BatchNorm in eval mode (running_mean=0, running_var=1)
    m = m @ W2.T + b2
    m = jax.nn.relu(g2 * m + be2)
    # aggr='max' over incoming edges per node (variation 0)
    node_out = jax.ops.segment_max(m, dst, num_segments=N)
    node_out = jnp.where(jnp.isfinite(node_out), node_out, 0.0)
    # gnn.global_max_pool over batch (cell) ids
    pooled = jax.ops.segment_max(node_out, batch, num_segments=B)
    pooled = jnp.where(jnp.isfinite(pooled), pooled, 0.0)
    # x = self.lin(x)
    y = jax.nn.relu(pooled @ Wl1.T + bl1) @ Wl2.T + bl2
    # F.normalize(x)
    return y / (jnp.linalg.norm(y, axis=-1, keepdims=True) + 1e-12)


def reference(x, edge_index, batch, W1, b1, g1, be1, W2, b2, g2, be2, Wl1, bl1, Wl2, bl2):
    return _forward(x, edge_index, batch, W1, b1, g1, be1, W2, b2, g2, be2, Wl1, bl1, Wl2, bl2)

if __name__ == "__main__":
    import jax
    _d = setup_inputs()
    print(jax.jit(kernel)(*tuple(_d.values())))

</pallas_src>

<mosaic_0001>
#map = affine_map<(d0, d1) -> (0, 0)>
#map1 = affine_map<(d0, d1) -> (0)>
module attributes {stable_mosaic.version = 14 : i64} {
  func.func @k(%arg0: i32, %arg1: i32, %arg2: memref<10000x128xf32, #tpu.memory_space<hbm>>, %arg3: memref<10000x128xf32, #tpu.memory_space<hbm>>, %arg4: memref<10000xi32, #tpu.memory_space<hbm>>, %arg5: memref<320000xi32, #tpu.memory_space<hbm>>, %arg6: memref<320000xi32, #tpu.memory_space<hbm>>, %arg7: memref<320000x128xf32, #tpu.memory_space<hbm>>, %arg8: memref<320000xi32, #tpu.memory_space<hbm>>, %arg9: memref<10000xi32, #tpu.memory_space<vmem>>, %arg10: memref<10000xi32, #tpu.memory_space<vmem>>, %arg11: memref<80x128xf32, #tpu.memory_space<vmem>>, %arg12: memref<80x128xf32, #tpu.memory_space<vmem>>, %arg13: memref<80xi32, #tpu.memory_space<vmem>>, %arg14: memref<!tpu.dma_semaphore, #tpu.memory_space<semaphore_mem>>, %arg15: memref<!tpu.dma_semaphore, #tpu.memory_space<semaphore_mem>>, %arg16: memref<!tpu.dma_semaphore, #tpu.memory_space<semaphore_mem>>) attributes {dimension_semantics = [#tpu.dimension_semantics<core_parallel>, #tpu.dimension_semantics<subcore_parallel>], iteration_bounds = array<i64: 2, 16>, scalar_prefetch = 0 : i64, scratch_operands = 8 : i64, tpu.core_type = #tpu.core_type<sc_vector_subcore>, window_params = [{transform_indices = #map}, {transform_indices = #map}, {transform_indices = #map1}, {transform_indices = #map1}, {transform_indices = #map1}, {transform_indices = #map}, {transform_indices = #map1}]} {
    %mul3A = arith.constant 2 : i32
    %mul3A_0 = arith.muli %arg1, %mul3A : i32
    %add3A = arith.addi %mul3A_0, %arg0 : i32
    %mul3A_1 = arith.constant 10000 : i32
    %mul3A_2 = arith.muli %add3A, %mul3A_1 : i32
    "tpu.region"() ({
      %run_scoped3A = tpu.sem_alloc : memref<!tpu.dma_semaphore, #tpu.memory_space<semaphore_mem>>
      %dma_start3A = tpu.memref_slice %arg5[%mul3A_2] : memref<320000xi32, #tpu.memory_space<hbm>> -> memref<10000xi32, #tpu.memory_space<hbm>>
      %dma_start3A_7 = tpu.memref_slice %arg5[%mul3A_2] : memref<320000xi32, #tpu.memory_space<hbm>> -> memref<10000xi32, #tpu.memory_space<hbm>>
      tpu.enqueue_dma source(%dma_start3A_7 : memref<10000xi32, #tpu.memory_space<hbm>>) target(%arg9 : memref<10000xi32, #tpu.memory_space<vmem>>) target_semaphore(%run_scoped3A : memref<!tpu.dma_semaphore, #tpu.memory_space<semaphore_mem>>)
      %dma_wait3A = tpu.memref_slice %arg5[%mul3A_2] : memref<320000xi32, #tpu.memory_space<hbm>> -> memref<10000xi32, #tpu.memory_space<hbm>>
      %dma_wait3A_8 = tpu.memref_slice %arg5[%mul3A_2] : memref<320000xi32, #tpu.memory_space<hbm>> -> memref<10000xi32, #tpu.memory_space<hbm>>
      tpu.wait_dma2 semaphore(%run_scoped3A : memref<!tpu.dma_semaphore, #tpu.memory_space<semaphore_mem>>) src(%dma_wait3A_8 : memref<10000xi32, #tpu.memory_space<hbm>>) dst(%arg9 : memref<10000xi32, #tpu.memory_space<vmem>>)
      tpu.yield
    }) : () -> ()
    "tpu.region"() ({
      %run_scoped3A = tpu.sem_alloc : memref<!tpu.dma_semaphore, #tpu.memory_space<semaphore_mem>>
      %dma_start3A = tpu.memref_slice %arg6[%mul3A_2] : memref<320000xi32, #tpu.memory_space<hbm>> -> memref<10000xi32, #tpu.memory_space<hbm>>
      %dma_start3A_7 = tpu.memref_slice %arg6[%mul3A_2] : memref<320000xi32, #tpu.memory_space<hbm>> -> memref<10000xi32, #tpu.memory_space<hbm>>
      tpu.enqueue_dma source(%dma_start3A_7 : memref<10000xi32, #tpu.memory_space<hbm>>) target(%arg10 : memref<10000xi32, #tpu.memory_space<vmem>>) target_semaphore(%run_scoped3A : memref<!tpu.dma_semaphore, #tpu.memory_space<semaphore_mem>>)
      %dma_wait3A = tpu.memref_slice %arg6[%mul3A_2] : memref<320000xi32, #tpu.memory_space<hbm>> -> memref<10000xi32, #tpu.memory_space<hbm>>
      %dma_wait3A_8 = tpu.memref_slice %arg6[%mul3A_2] : memref<320000xi32, #tpu.memory_space<hbm>> -> memref<10000xi32, #tpu.memory_space<hbm>>
      tpu.wait_dma2 semaphore(%run_scoped3A : memref<!tpu.dma_semaphore, #tpu.memory_space<semaphore_mem>>) src(%dma_wait3A_8 : memref<10000xi32, #tpu.memory_space<hbm>>) dst(%arg10 : memref<10000xi32, #tpu.memory_space<vmem>>)
      tpu.yield
    }) : () -> ()
    %scan3A = arith.constant 0 : i32
    %scan3A_3 = arith.constant 125 : i32
    %scan3A_4 = arith.addi %scan3A, %scan3A_3 : i32
    %scan3A_5 = arith.constant 1 : i32
    scf.for %scan3A_7 = %scan3A to %scan3A_4 step %scan3A_5  : i32 {
      %mul3A_8 = arith.constant 1 : i32
      %mul3A_9 = arith.muli %scan3A_7, %mul3A_8 : i32
      %add3A_10 = arith.constant 0 : i32
      %add3A_11 = arith.addi %add3A_10, %mul3A_9 : i32
      %mul3A_12 = arith.constant 80 : i32
      %mul3A_13 = arith.muli %add3A_11, %mul3A_12 : i32
      %dma_start3A = tpu.memref_slice %arg9[%mul3A_13] : memref<10000xi32, #tpu.memory_space<vmem>> -> memref<80xi32, #tpu.memory_space<vmem>>
      %dma_start3A_14 = arith.constant 0 : i32
      %dma_start3A_15 = arith.constant 0 : i32
      %dma_start3A_16 = tpu.memref_slice %arg2[%dma_start3A_14, %dma_start3A_15] : memref<10000x128xf32, #tpu.memory_space<hbm>> -> memref<10000x128xf32, #tpu.memory_space<hbm>>
      tpu.enqueue_indirect_dma source(%dma_start3A_16 : memref<10000x128xf32, #tpu.memory_space<hbm>>) target(%arg11 : memref<80x128xf32, #tpu.memory_space<vmem>>) offsets(%dma_start3A : memref<80xi32, #tpu.memory_space<vmem>>) semaphore(%arg14 : memref<!tpu.dma_semaphore, #tpu.memory_space<semaphore_mem>>)
      %dma_start3A_17 = tpu.memref_slice %arg10[%mul3A_13] : memref<10000xi32, #tpu.memory_space<vmem>> -> memref<80xi32, #tpu.memory_space<vmem>>
      %dma_start3A_18 = arith.constant 0 : i32
      %dma_start3A_19 = arith.constant 0 : i32
      %dma_start3A_20 = tpu.memref_slice %arg3[%dma_start3A_18, %dma_start3A_19] : memref<10000x128xf32, #tpu.memory_space<hbm>> -> memref<10000x128xf32, #tpu.memory_space<hbm>>
      tpu.enqueue_indirect_dma source(%dma_start3A_20 : memref<10000x128xf32, #tpu.memory_space<hbm>>) target(%arg12 : memref<80x128xf32, #tpu.memory_space<vmem>>) offsets(%dma_start3A_17 : memref<80xi32, #tpu.memory_space<vmem>>) semaphore(%arg15 : memref<!tpu.dma_semaphore, #tpu.memory_space<semaphore_mem>>)
      %dma_start3A_21 = tpu.memref_slice %arg9[%mul3A_13] : memref<10000xi32, #tpu.memory_space<vmem>> -> memref<80xi32, #tpu.memory_space<vmem>>
      %dma_start3A_22 = arith.constant 0 : i32
      %dma_start3A_23 = tpu.memref_slice %arg4[%dma_start3A_22] : memref<10000xi32, #tpu.memory_space<hbm>> -> memref<10000xi32, #tpu.memory_space<hbm>>
      tpu.enqueue_indirect_dma source(%dma_start3A_23 : memref<10000xi32, #tpu.memory_space<hbm>>) target(%arg13 : memref<80xi32, #tpu.memory_space<vmem>>) offsets(%dma_start3A_21 : memref<80xi32, #tpu.memory_space<vmem>>) semaphore(%arg16 : memref<!tpu.dma_semaphore, #tpu.memory_space<semaphore_mem>>)
      %dma_wait3A = tpu.memref_slice %arg9[%mul3A_13] : memref<10000xi32, #tpu.memory_space<vmem>> -> memref<80xi32, #tpu.memory_space<vmem>>
      %dma_wait3A_24 = arith.constant 0 : i32
      %dma_wait3A_25 = arith.constant 0 : i32
      %dma_wait3A_26 = tpu.memref_slice %arg2[%dma_wait3A_24, %dma_wait3A_25] : memref<10000x128xf32, #tpu.memory_space<hbm>> -> memref<10000x128xf32, #tpu.memory_space<hbm>>
      tpu.wait_indirect_dma semaphore(%arg14 : memref<!tpu.dma_semaphore, #tpu.memory_space<semaphore_mem>>) src(%dma_wait3A_26 : memref<10000x128xf32, #tpu.memory_space<hbm>>) dst(%arg11 : memref<80x128xf32, #tpu.memory_space<vmem>>)
      %dma_wait3A_27 = tpu.memref_slice %arg10[%mul3A_13] : memref<10000xi32, #tpu.memory_space<vmem>> -> memref<80xi32, #tpu.memory_space<vmem>>
      %dma_wait3A_28 = arith.constant 0 : i32
      %dma_wait3A_29 = arith.constant 0 : i32
      %dma_wait3A_30 = tpu.memref_slice %arg3[%dma_wait3A_28, %dma_wait3A_29] : memref<10000x128xf32, #tpu.memory_space<hbm>> -> memref<10000x128xf32, #tpu.memory_space<hbm>>
      tpu.wait_indirect_dma semaphore(%arg15 : memref<!tpu.dma_semaphore, #tpu.memory_space<semaphore_mem>>) src(%dma_wait3A_30 : memref<10000x128xf32, #tpu.memory_space<hbm>>) dst(%arg12 : memref<80x128xf32, #tpu.memory_space<vmem>>)
      %scan3A_31 = arith.constant 0 : i32
      %scan3A_32 = arith.constant 80 : i32
      %scan3A_33 = arith.addi %scan3A_31, %scan3A_32 : i32
      %scan3A_34 = arith.constant 1 : i32
      scf.for %scan3A_41 = %scan3A_31 to %scan3A_33 step %scan3A_34  : i32 {
        %mul3A_42 = arith.constant 1 : i32
        %mul3A_43 = arith.muli %scan3A_41, %mul3A_42 : i32
        %add3A_44 = arith.constant 0 : i32
        %add3A_45 = arith.addi %add3A_44, %mul3A_43 : i32
        %get3A = arith.index_cast %add3A_45 : i32 to index
        %get3A_46 = arith.constant 0 : index
        %get3A_47 = tpu.vector_load %arg11[%get3A, %get3A_46] {strides = array<i32>} : memref<80x128xf32, #tpu.memory_space<vmem>>, vector<1x16xf32>,
        %get3A_48 = vector.shape_cast %get3A_47 : vector<1x16xf32> to vector<16xf32>
        %get3A_49 = arith.index_cast %add3A_45 : i32 to index
        %get3A_50 = arith.constant 0 : index
        %get3A_51 = tpu.vector_load %arg12[%get3A_49, %get3A_50] {strides = array<i32>} : memref<80x128xf32, #tpu.memory_space<vmem>>, vector<1x16xf32>,
        %get3A_52 = vector.shape_cast %get3A_51 : vector<1x16xf32> to vector<16xf32>
        %add3A_53 = arith.addf %get3A_48, %get3A_52 : vector<16xf32>
        %max3A = arith.constant 0.000000e+00 : f32
        %max3A_54 = vector.broadcast %max3A : f32 to vector<16xf32>
        %max3A_55 = arith.maximumf %add3A_53, %max3A_54 : vector<16xf32>
        %swap3A = arith.index_cast %add3A_45 : i32 to index
        %swap3A_56 = arith.constant 0 : index
        %swap3A_57 = tpu.vector_load %arg11[%swap3A, %swap3A_56] {strides = array<i32>} : memref<80x128xf32, #tpu.memory_space<vmem>>, vector<1x16xf32>,
        %swap3A_58 = vector.shape_cast %swap3A_57 : vector<1x16xf32> to vector<16xf32>
        %swap3A_59 = vector.shape_cast %max3A_55 : vector<16xf32> to vector<1x16xf32>
        tpu.vector_store %arg11[%swap3A, %swap3A_56], %swap3A_59 {strides = array<i32>} : memref<80x128xf32, #tpu.memory_space<vmem>>, vector<1x16xf32>,
        %get3A_60 = arith.index_cast %add3A_45 : i32 to index
        %get3A_61 = arith.constant 16 : index
        %get3A_62 = tpu.vector_load %arg11[%get3A_60, %get3A_61] {strides = array<i32>} : memref<80x128xf32, #tpu.memory_space<vmem>>, vector<1x16xf32>,
        %get3A_63 = vector.shape_cast %get3A_62 : vector<1x16xf32> to vector<16xf32>
        %get3A_64 = arith.index_cast %add3A_45 : i32 to index
        %get3A_65 = arith.constant 16 : index
        %get3A_66 = tpu.vector_load %arg12[%get3A_64, %get3A_65] {strides = array<i32>} : memref<80x128xf32, #tpu.memory_space<vmem>>, vector<1x16xf32>,
        %get3A_67 = vector.shape_cast %get3A_66 : vector<1x16xf32> to vector<16xf32>
        %add3A_68 = arith.addf %get3A_63, %get3A_67 : vector<16xf32>
        %max3A_69 = arith.constant 0.000000e+00 : f32
        %max3A_70 = vector.broadcast %max3A_69 : f32 to vector<16xf32>
        %max3A_71 = arith.maximumf %add3A_68, %max3A_70 : vector<16xf32>
        %swap3A_72 = arith.index_cast %add3A_45 : i32 to index
        %swap3A_73 = arith.constant 16 : index
        %swap3A_74 = tpu.vector_load %arg11[%swap3A_72, %swap3A_73] {strides = array<i32>} : memref<80x128xf32, #tpu.memory_space<vmem>>, vector<1x16xf32>,
        %swap3A_75 = vector.shape_cast %swap3A_74 : vector<1x16xf32> to vector<16xf32>
        %swap3A_76 = vector.shape_cast %max3A_71 : vector<16xf32> to vector<1x16xf32>
        tpu.vector_store %arg11[%swap3A_72, %swap3A_73], %swap3A_76 {strides = array<i32>} : memref<80x128xf32, #tpu.memory_space<vmem>>, vector<1x16xf32>,
        %get3A_77 = arith.index_cast %add3A_45 : i32 to index
        %get3A_78 = arith.constant 32 : index
        %get3A_79 = tpu.vector_load %arg11[%get3A_77, %get3A_78] {strides = array<i32>} : memref<80x128xf32, #tpu.memory_space<vmem>>, vector<1x16xf32>,
        %get3A_80 = vector.shape_cast %get3A_79 : vector<1x16xf32> to vector<16xf32>
        %get3A_81 = arith.index_cast %add3A_45 : i32 to index
        %get3A_82 = arith.constant 32 : index
        %get3A_83 = tpu.vector_load %arg12[%get3A_81, %get3A_82] {strides = array<i32>} : memref<80x128xf32, #tpu.memory_space<vmem>>, vector<1x16xf32>,
        %get3A_84 = vector.shape_cast %get3A_83 : vector<1x16xf32> to vector<16xf32>
        %add3A_85 = arith.addf %get3A_80, %get3A_84 : vector<16xf32>
        %max3A_86 = arith.constant 0.000000e+00 : f32
        %max3A_87 = vector.broadcast %max3A_86 : f32 to vector<16xf32>
        %max3A_88 = arith.maximumf %add3A_85, %max3A_87 : vector<16xf32>
        %swap3A_89 = arith.index_cast %add3A_45 : i32 to index
        %swap3A_90 = arith.constant 32 : index
        %swap3A_91 = tpu.vector_load %arg11[%swap3A_89, %swap3A_90] {strides = array<i32>} : memref<80x128xf32, #tpu.memory_space<vmem>>, vector<1x16xf32>,
        %swap3A_92 = vector.shape_cast %swap3A_91 : vector<1x16xf32> to vector<16xf32>
        %swap3A_93 = vector.shape_cast %max3A_88 : vector<16xf32> to vector<1x16xf32>
        tpu.vector_store %arg11[%swap3A_89, %swap3A_90], %swap3A_93 {strides = array<i32>} : memref<80x128xf32, #tpu.memory_space<vmem>>, vector<1x16xf32>,
        %get3A_94 = arith.index_cast %add3A_45 : i32 to index
        %get3A_95 = arith.constant 48 : index
        %get3A_96 = tpu.vector_load %arg11[%get3A_94, %get3A_95] {strides = array<i32>} : memref<80x128xf32, #tpu.memory_space<vmem>>, vector<1x16xf32>,
        %get3A_97 = vector.shape_cast %get3A_96 : vector<1x16xf32> to vector<16xf32>
        %get3A_98 = arith.index_cast %add3A_45 : i32 to index
        %get3A_99 = arith.constant 48 : index
        %get3A_100 = tpu.vector_load %arg12[%get3A_98, %get3A_99] {strides = array<i32>} : memref<80x128xf32, #tpu.memory_space<vmem>>, vector<1x16xf32>,
        %get3A_101 = vector.shape_cast %get3A_100 : vector<1x16xf32> to vector<16xf32>
        %add3A_102 = arith.addf %get3A_97, %get3A_101 : vector<16xf32>
        %max3A_103 = arith.constant 0.000000e+00 : f32
        %max3A_104 = vector.broadcast %max3A_103 : f32 to vector<16xf32>
        %max3A_105 = arith.maximumf %add3A_102, %max3A_104 : vector<16xf32>
        %swap3A_106 = arith.index_cast %add3A_45 : i32 to index
        %swap3A_107 = arith.constant 48 : index
        %swap3A_108 = tpu.vector_load %arg11[%swap3A_106, %swap3A_107] {strides = array<i32>} : memref<80x128xf32, #tpu.memory_space<vmem>>, vector<1x16xf32>,
        %swap3A_109 = vector.shape_cast %swap3A_108 : vector<1x16xf32> to vector<16xf32>
        %swap3A_110 = vector.shape_cast %max3A_105 : vector<16xf32> to vector<1x16xf32>
        tpu.vector_store %arg11[%swap3A_106, %swap3A_107], %swap3A_110 {strides = array<i32>} : memref<80x128xf32, #tpu.memory_space<vmem>>, vector<1x16xf32>,
        %get3A_111 = arith.index_cast %add3A_45 : i32 to index
        %get3A_112 = arith.constant 64 : index
        %get3A_113 = tpu.vector_load %arg11[%get3A_111, %get3A_112] {strides = array<i32>} : memref<80x128xf32, #tpu.memory_space<vmem>>, vector<1x16xf32>,
        %get3A_114 = vector.shape_cast %get3A_113 : vector<1x16xf32> to vector<16xf32>
        %get3A_115 = arith.index_cast %add3A_45 : i32 to index
        %get3A_116 = arith.constant 64 : index
        %get3A_117 = tpu.vector_load %arg12[%get3A_115, %get3A_116] {strides = array<i32>} : memref<80x128xf32, #tpu.memory_space<vmem>>, vector<1x16xf32>,
        %get3A_118 = vector.shape_cast %get3A_117 : vector<1x16xf32> to vector<16xf32>
        %add3A_119 = arith.addf %get3A_114, %get3A_118 : vector<16xf32>
        %max3A_120 = arith.constant 0.000000e+00 : f32
        %max3A_121 = vector.broadcast %max3A_120 : f32 to vector<16xf32>
        %max3A_122 = arith.maximumf %add3A_119, %max3A_121 : vector<16xf32>
        %swap3A_123 = arith.index_cast %add3A_45 : i32 to index
        %swap3A_124 = arith.constant 64 : index
        %swap3A_125 = tpu.vector_load %arg11[%swap3A_123, %swap3A_124] {strides = array<i32>} : memref<80x128xf32, #tpu.memory_space<vmem>>, vector<1x16xf32>,
        %swap3A_126 = vector.shape_cast %swap3A_125 : vector<1x16xf32> to vector<16xf32>
        %swap3A_127 = vector.shape_cast %max3A_122 : vector<16xf32> to vector<1x16xf32>
        tpu.vector_store %arg11[%swap3A_123, %swap3A_124], %swap3A_127 {strides = array<i32>} : memref<80x128xf32, #tpu.memory_space<vmem>>, vector<1x16xf32>,
        %get3A_128 = arith.index_cast %add3A_45 : i32 to index
        %get3A_129 = arith.constant 80 : index
        %get3A_130 = tpu.vector_load %arg11[%get3A_128, %get3A_129] {strides = array<i32>} : memref<80x128xf32, #tpu.memory_space<vmem>>, vector<1x16xf32>,
        %get3A_131 = vector.shape_cast %get3A_130 : vector<1x16xf32> to vector<16xf32>
        %get3A_132 = arith.index_cast %add3A_45 : i32 to index
        %get3A_133 = arith.constant 80 : index
        %get3A_134 = tpu.vector_load %arg12[%get3A_132, %get3A_133] {strides = array<i32>} : memref<80x128xf32, #tpu.memory_space<vmem>>, vector<1x16xf32>,
        %get3A_135 = vector.shape_cast %get3A_134 : vector<1x16xf32> to vector<16xf32>
        %add3A_136 = arith.addf %get3A_131, %get3A_135 : vector<16xf32>
        %max3A_137 = arith.constant 0.000000e+00 : f32
        %max3A_138 = vector.broadcast %max3A_137 : f32 to vector<16xf32>
        %max3A_139 = arith.maximumf %add3A_136, %max3A_138 : vector<16xf32>
        %swap3A_140 = arith.index_cast %add3A_45 : i32 to index
        %swap3A_141 = arith.constant 80 : index
        %swap3A_142 = tpu.vector_load %arg11[%swap3A_140, %swap3A_141] {strides = array<i32>} : memref<80x128xf32, #tpu.memory_space<vmem>>, vector<1x16xf32>,
        %swap3A_143 = vector.shape_cast %swap3A_142 : vector<1x16xf32> to vector<16xf32>
        %swap3A_144 = vector.shape_cast %max3A_139 : vector<16xf32> to vector<1x16xf32>
        tpu.vector_store %arg11[%swap3A_140, %swap3A_141], %swap3A_144 {strides = array<i32>} : memref<80x128xf32, #tpu.memory_space<vmem>>, vector<1x16xf32>,
        %get3A_145 = arith.index_cast %add3A_45 : i32 to index
        %get3A_146 = arith.constant 96 : index
        %get3A_147 = tpu.vector_load %arg11[%get3A_145, %get3A_146] {strides = array<i32>} : memref<80x128xf32, #tpu.memory_space<vmem>>, vector<1x16xf32>,
        %get3A_148 = vector.shape_cast %get3A_147 : vector<1x16xf32> to vector<16xf32>
        %get3A_149 = arith.index_cast %add3A_45 : i32 to index
        %get3A_150 = arith.constant 96 : index
        %get3A_151 = tpu.vector_load %arg12[%get3A_149, %get3A_150] {strides = array<i32>} : memref<80x128xf32, #tpu.memory_space<vmem>>, vector<1x16xf32>,
        %get3A_152 = vector.shape_cast %get3A_151 : vector<1x16xf32> to vector<16xf32>
        %add3A_153 = arith.addf %get3A_148, %get3A_152 : vector<16xf32>
        %max3A_154 = arith.constant 0.000000e+00 : f32
        %max3A_155 = vector.broadcast %max3A_154 : f32 to vector<16xf32>
        %max3A_156 = arith.maximumf %add3A_153, %max3A_155 : vector<16xf32>
        %swap3A_157 = arith.index_cast %add3A_45 : i32 to index
        %swap3A_158 = arith.constant 96 : index
        %swap3A_159 = tpu.vector_load %arg11[%swap3A_157, %swap3A_158] {strides = array<i32>} : memref<80x128xf32, #tpu.memory_space<vmem>>, vector<1x16xf32>,
        %swap3A_160 = vector.shape_cast %swap3A_159 : vector<1x16xf32> to vector<16xf32>
        %swap3A_161 = vector.shape_cast %max3A_156 : vector<16xf32> to vector<1x16xf32>
        tpu.vector_store %arg11[%swap3A_157, %swap3A_158], %swap3A_161 {strides = array<i32>} : memref<80x128xf32, #tpu.memory_space<vmem>>, vector<1x16xf32>,
        %get3A_162 = arith.index_cast %add3A_45 : i32 to index
        %get3A_163 = arith.constant 112 : index
        %get3A_164 = tpu.vector_load %arg11[%get3A_162, %get3A_163] {strides = array<i32>} : memref<80x128xf32, #tpu.memory_space<vmem>>, vector<1x16xf32>,
        %get3A_165 = vector.shape_cast %get3A_164 : vector<1x16xf32> to vector<16xf32>
        %get3A_166 = arith.index_cast %add3A_45 : i32 to index
        %get3A_167 = arith.constant 112 : index
        %get3A_168 = tpu.vector_load %arg12[%get3A_166, %get3A_167] {strides = array<i32>} : memref<80x128xf32, #tpu.memory_space<vmem>>, vector<1x16xf32>,
        %get3A_169 = vector.shape_cast %get3A_168 : vector<1x16xf32> to vector<16xf32>
        %add3A_170 = arith.addf %get3A_165, %get3A_169 : vector<16xf32>
        %max3A_171 = arith.constant 0.000000e+00 : f32
        %max3A_172 = vector.broadcast %max3A_171 : f32 to vector<16xf32>
        %max3A_173 = arith.maximumf %add3A_170, %max3A_172 : vector<16xf32>
        %swap3A_174 = arith.index_cast %add3A_45 : i32 to index
        %swap3A_175 = arith.constant 112 : index
        %swap3A_176 = tpu.vector_load %arg11[%swap3A_174, %swap3A_175] {strides = array<i32>} : memref<80x128xf32, #tpu.memory_space<vmem>>, vector<1x16xf32>,
        %swap3A_177 = vector.shape_cast %swap3A_176 : vector<1x16xf32> to vector<16xf32>
        %swap3A_178 = vector.shape_cast %max3A_173 : vector<16xf32> to vector<1x16xf32>
        tpu.vector_store %arg11[%swap3A_174, %swap3A_175], %swap3A_178 {strides = array<i32>} : memref<80x128xf32, #tpu.memory_space<vmem>>, vector<1x16xf32>,
      }
      %scan3A_35 = arith.constant 80 : i32
      %dma_wait3A_36 = tpu.memref_slice %arg9[%mul3A_13] : memref<10000xi32, #tpu.memory_space<vmem>> -> memref<80xi32, #tpu.memory_space<vmem>>
      %dma_wait3A_37 = arith.constant 0 : i32
      %dma_wait3A_38 = tpu.memref_slice %arg4[%dma_wait3A_37] : memref<10000xi32, #tpu.memory_space<hbm>> -> memref<10000xi32, #tpu.memory_space<hbm>>
      tpu.wait_indirect_dma semaphore(%arg16 : memref<!tpu.dma_semaphore, #tpu.memory_space<semaphore_mem>>) src(%dma_wait3A_38 : memref<10000xi32, #tpu.memory_space<hbm>>) dst(%arg13 : memref<80xi32, #tpu.memory_space<vmem>>)
      %add3A_39 = arith.addi %mul3A_2, %mul3A_13 : i32
      "tpu.region"() ({
        %run_scoped3A = tpu.sem_alloc : memref<!tpu.dma_semaphore, #tpu.memory_space<semaphore_mem>>
        %dma_start3A_41 = arith.constant 0 : i32
        %dma_start3A_42 = tpu.memref_slice %arg7[%add3A_39, %dma_start3A_41] : memref<320000x128xf32, #tpu.memory_space<hbm>> -> memref<80x128xf32, #tpu.memory_space<hbm>>
        %dma_start3A_43 = arith.constant 0 : i32
        %dma_start3A_44 = tpu.memref_slice %arg7[%add3A_39, %dma_start3A_43] : memref<320000x128xf32, #tpu.memory_space<hbm>> -> memref<80x128xf32, #tpu.memory_space<hbm>>
        tpu.enqueue_dma source(%arg11 : memref<80x128xf32, #tpu.memory_space<vmem>>) target(%dma_start3A_44 : memref<80x128xf32, #tpu.memory_space<hbm>>) target_semaphore(%run_scoped3A : memref<!tpu.dma_semaphore, #tpu.memory_space<semaphore_mem>>)
        %dma_wait3A_45 = arith.constant 0 : i32
        %dma_wait3A_46 = tpu.memref_slice %arg7[%add3A_39, %dma_wait3A_45] : memref<320000x128xf32, #tpu.memory_space<hbm>> -> memref<80x128xf32, #tpu.memory_space<hbm>>
        %dma_wait3A_47 = arith.constant 0 : i32
        %dma_wait3A_48 = tpu.memref_slice %arg7[%add3A_39, %dma_wait3A_47] : memref<320000x128xf32, #tpu.memory_space<hbm>> -> memref<80x128xf32, #tpu.memory_space<hbm>>
        tpu.wait_dma2 semaphore(%run_scoped3A : memref<!tpu.dma_semaphore, #tpu.memory_space<semaphore_mem>>) src(%arg11 : memref<80x128xf32, #tpu.memory_space<vmem>>) dst(%dma_wait3A_48 : memref<80x128xf32, #tpu.memory_space<hbm>>)
        tpu.yield
      }) : () -> ()
      %add3A_40 = arith.addi %mul3A_2, %mul3A_13 : i32
      "tpu.region"() ({
        %run_scoped3A = tpu.sem_alloc : memref<!tpu.dma_semaphore, #tpu.memory_space<semaphore_mem>>
        %dma_start3A_41 = tpu.memref_slice %arg8[%add3A_40] : memref<320000xi32, #tpu.memory_space<hbm>> -> memref<80xi32, #tpu.memory_space<hbm>>
        %dma_start3A_42 = tpu.memref_slice %arg8[%add3A_40] : memref<320000xi32, #tpu.memory_space<hbm>> -> memref<80xi32, #tpu.memory_space<hbm>>
        tpu.enqueue_dma source(%arg13 : memref<80xi32, #tpu.memory_space<vmem>>) target(%dma_start3A_42 : memref<80xi32, #tpu.memory_space<hbm>>) target_semaphore(%run_scoped3A : memref<!tpu.dma_semaphore, #tpu.memory_space<semaphore_mem>>)
        %dma_wait3A_43 = tpu.memref_slice %arg8[%add3A_40] : memref<320000xi32, #tpu.memory_space<hbm>> -> memref<80xi32, #tpu.memory_space<hbm>>
        %dma_wait3A_44 = tpu.memref_slice %arg8[%add3A_40] : memref<320000xi32, #tpu.memory_space<hbm>> -> memref<80xi32, #tpu.memory_space<hbm>>
        tpu.wait_dma2 semaphore(%run_scoped3A : memref<!tpu.dma_semaphore, #tpu.memory_space<semaphore_mem>>) src(%arg13 : memref<80xi32, #tpu.memory_space<vmem>>) dst(%dma_wait3A_44 : memref<80xi32, #tpu.memory_space<hbm>>)
        tpu.yield
      }) : () -> ()
    }
    %scan3A_6 = arith.constant 125 : i32
    return
  }
}

#map = affine_map<(d0, d1) -> (0, 0)>
#map1 = affine_map<(d0, d1) -> (0)>
#map2 = affine_map<(d0, d1) -> (0, 0, 0)>
module attributes {stable_mosaic.version = 14 : i64} {
  func.func @k(%arg0: i32, %arg1: i32, %arg2: memref<320000x128xf32, #tpu.memory_space<hbm>>, %arg3: memref<320000xi32, #tpu.memory_space<hbm>>, %arg4: memref<32x64x128xf32, #tpu.memory_space<hbm>>, %arg5: memref<400x128xf32, #tpu.memory_space<vmem>>, %arg6: memref<400xi32, #tpu.memory_space<vmem>>, %arg7: memref<64x128xf32, #tpu.memory_space<vmem>>) attributes {dimension_semantics = [#tpu.dimension_semantics<core_parallel>, #tpu.dimension_semantics<subcore_parallel>], iteration_bounds = array<i64: 2, 16>, scalar_prefetch = 0 : i64, scratch_operands = 3 : i64, tpu.core_type = #tpu.core_type<sc_vector_subcore>, window_params = [{transform_indices = #map}, {transform_indices = #map1}, {transform_indices = #map2}]} {
    %iota3A = tpu.iota {dimensions = array<i32: 0>} : vector<16xi32>
    %mul3A = arith.constant 2 : i32
    %mul3A_0 = arith.muli %arg1, %mul3A : i32
    %add3A = arith.addi %mul3A_0, %arg0 : i32
    %mul3A_1 = arith.constant 10000 : i32
    %mul3A_2 = arith.muli %add3A, %mul3A_1 : i32
    %scan3A = arith.constant 0 : i32
    %scan3A_3 = arith.constant 64 : i32
    %scan3A_4 = arith.addi %scan3A, %scan3A_3 : i32
    %scan3A_5 = arith.constant 1 : i32
    scf.for %scan3A_12 = %scan3A to %scan3A_4 step %scan3A_5  : i32 {
      %mul3A_13 = arith.constant 1 : i32
      %mul3A_14 = arith.muli %scan3A_12, %mul3A_13 : i32
      %add3A_15 = arith.constant 0 : i32
      %add3A_16 = arith.addi %add3A_15, %mul3A_14 : i32
      %broadcast_in_dim3A = arith.constant 0.000000e+00 : f32
      %broadcast_in_dim3A_17 = vector.broadcast %broadcast_in_dim3A : f32 to vector<16xf32>
      %swap3A = arith.index_cast %add3A_16 : i32 to index
      %swap3A_18 = arith.constant 0 : index
      %swap3A_19 = tpu.vector_load %arg7[%swap3A, %swap3A_18] {strides = array<i32>} : memref<64x128xf32, #tpu.memory_space<vmem>>, vector<16xf32>,
      tpu.vector_store %arg7[%swap3A, %swap3A_18], %broadcast_in_dim3A_17 {strides = array<i32>} : memref<64x128xf32, #tpu.memory_space<vmem>>, vector<16xf32>,
      %broadcast_in_dim3A_20 = arith.constant 0.000000e+00 : f32
      %broadcast_in_dim3A_21 = vector.broadcast %broadcast_in_dim3A_20 : f32 to vector<16xf32>
      %swap3A_22 = arith.index_cast %add3A_16 : i32 to index
      %swap3A_23 = arith.constant 16 : index
      %swap3A_24 = tpu.vector_load %arg7[%swap3A_22, %swap3A_23] {strides = array<i32>} : memref<64x128xf32, #tpu.memory_space<vmem>>, vector<16xf32>,
      tpu.vector_store %arg7[%swap3A_22, %swap3A_23], %broadcast_in_dim3A_21 {strides = array<i32>} : memref<64x128xf32, #tpu.memory_space<vmem>>, vector<16xf32>,
      %broadcast_in_dim3A_25 = arith.constant 0.000000e+00 : f32
      %broadcast_in_dim3A_26 = vector.broadcast %broadcast_in_dim3A_25 : f32 to vector<16xf32>
      %swap3A_27 = arith.index_cast %add3A_16 : i32 to index
      %swap3A_28 = arith.constant 32 : index
      %swap3A_29 = tpu.vector_load %arg7[%swap3A_27, %swap3A_28] {strides = array<i32>} : memref<64x128xf32, #tpu.memory_space<vmem>>, vector<16xf32>,
      tpu.vector_store %arg7[%swap3A_27, %swap3A_28], %broadcast_in_dim3A_26 {strides = array<i32>} : memref<64x128xf32, #tpu.memory_space<vmem>>, vector<16xf32>,
      %broadcast_in_dim3A_30 = arith.constant 0.000000e+00 : f32
      %broadcast_in_dim3A_31 = vector.broadcast %broadcast_in_dim3A_30 : f32 to vector<16xf32>
      %swap3A_32 = arith.index_cast %add3A_16 : i32 to index
      %swap3A_33 = arith.constant 48 : index
      %swap3A_34 = tpu.vector_load %arg7[%swap3A_32, %swap3A_33] {strides = array<i32>} : memref<64x128xf32, #tpu.memory_space<vmem>>, vector<16xf32>,
      tpu.vector_store %arg7[%swap3A_32, %swap3A_33], %broadcast_in_dim3A_31 {strides = array<i32>} : memref<64x128xf32, #tpu.memory_space<vmem>>, vector<16xf32>,
      %broadcast_in_dim3A_35 = arith.constant 0.000000e+00 : f32
      %broadcast_in_dim3A_36 = vector.broadcast %broadcast_in_dim3A_35 : f32 to vector<16xf32>
      %swap3A_37 = arith.index_cast %add3A_16 : i32 to index
      %swap3A_38 = arith.constant 64 : index
      %swap3A_39 = tpu.vector_load %arg7[%swap3A_37, %swap3A_38] {strides = array<i32>} : memref<64x128xf32, #tpu.memory_space<vmem>>, vector<16xf32>,
      tpu.vector_store %arg7[%swap3A_37, %swap3A_38], %broadcast_in_dim3A_36 {strides = array<i32>} : memref<64x128xf32, #tpu.memory_space<vmem>>, vector<16xf32>,
      %broadcast_in_dim3A_40 = arith.constant 0.000000e+00 : f32
      %broadcast_in_dim3A_41 = vector.broadcast %broadcast_in_dim3A_40 : f32 to vector<16xf32>
      %swap3A_42 = arith.index_cast %add3A_16 : i32 to index
      %swap3A_43 = arith.constant 80 : index
      %swap3A_44 = tpu.vector_load %arg7[%swap3A_42, %swap3A_43] {strides = array<i32>} : memref<64x128xf32, #tpu.memory_space<vmem>>, vector<16xf32>,
      tpu.vector_store %arg7[%swap3A_42, %swap3A_43], %broadcast_in_dim3A_41 {strides = array<i32>} : memref<64x128xf32, #tpu.memory_space<vmem>>, vector<16xf32>,
      %broadcast_in_dim3A_45 = arith.constant 0.000000e+00 : f32
      %broadcast_in_dim3A_46 = vector.broadcast %broadcast_in_dim3A_45 : f32 to vector<16xf32>
      %swap3A_47 = arith.index_cast %add3A_16 : i32 to index
      %swap3A_48 = arith.constant 96 : index
      %swap3A_49 = tpu.vector_load %arg7[%swap3A_47, %swap3A_48] {strides = array<i32>} : memref<64x128xf32, #tpu.memory_space<vmem>>, vector<16xf32>,
      tpu.vector_store %arg7[%swap3A_47, %swap3A_48], %broadcast_in_dim3A_46 {strides = array<i32>} : memref<64x128xf32, #tpu.memory_space<vmem>>, vector<16xf32>,
      %broadcast_in_dim3A_50 = arith.constant 0.000000e+00 : f32
      %broadcast_in_dim3A_51 = vector.broadcast %broadcast_in_dim3A_50 : f32 to vector<16xf32>
      %swap3A_52 = arith.index_cast %add3A_16 : i32 to index
      %swap3A_53 = arith.constant 112 : index
      %swap3A_54 = tpu.vector_load %arg7[%swap3A_52, %swap3A_53] {strides = array<i32>} : memref<64x128xf32, #tpu.memory_space<vmem>>, vector<16xf32>,
      tpu.vector_store %arg7[%swap3A_52, %swap3A_53], %broadcast_in_dim3A_51 {strides = array<i32>} : memref<64x128xf32, #tpu.memory_space<vmem>>, vector<16xf32>,
    }
    %scan3A_6 = arith.constant 64 : i32
    %scan3A_7 = arith.constant 0 : i32
    %scan3A_8 = arith.constant 25 : i32
    %scan3A_9 = arith.addi %scan3A_7, %scan3A_8 : i32
    %scan3A_10 = arith.constant 1 : i32
    scf.for %scan3A_12 = %scan3A_7 to %scan3A_9 step %scan3A_10  : i32 {
      %mul3A_13 = arith.constant 1 : i32
      %mul3A_14 = arith.muli %scan3A_12, %mul3A_13 : i32
      %add3A_15 = arith.constant 0 : i32
      %add3A_16 = arith.addi %add3A_15, %mul3A_14 : i32
      %mul3A_17 = arith.constant 400 : i32
      %mul3A_18 = arith.muli %add3A_16, %mul3A_17 : i32
      %add3A_19 = arith.addi %mul3A_2, %mul3A_18 : i32
      "tpu.region"() ({
        %run_scoped3A = tpu.sem_alloc : memref<!tpu.dma_semaphore, #tpu.memory_space<semaphore_mem>>
        %dma_start3A = arith.constant 0 : i32
        %dma_start3A_25 = tpu.memref_slice %arg2[%add3A_19, %dma_start3A] : memref<320000x128xf32, #tpu.memory_space<hbm>> -> memref<400x128xf32, #tpu.memory_space<hbm>>
        %dma_start3A_26 = arith.constant 0 : i32
        %dma_start3A_27 = tpu.memref_slice %arg2[%add3A_19, %dma_start3A_26] : memref<320000x128xf32, #tpu.memory_space<hbm>> -> memref<400x128xf32, #tpu.memory_space<hbm>>
        tpu.enqueue_dma source(%dma_start3A_27 : memref<400x128xf32, #tpu.memory_space<hbm>>) target(%arg5 : memref<400x128xf32, #tpu.memory_space<vmem>>) target_semaphore(%run_scoped3A : memref<!tpu.dma_semaphore, #tpu.memory_space<semaphore_mem>>)
        %dma_wait3A = arith.constant 0 : i32
        %dma_wait3A_28 = tpu.memref_slice %arg2[%add3A_19, %dma_wait3A] : memref<320000x128xf32, #tpu.memory_space<hbm>> -> memref<400x128xf32, #tpu.memory_space<hbm>>
        %dma_wait3A_29 = arith.constant 0 : i32
        %dma_wait3A_30 = tpu.memref_slice %arg2[%add3A_19, %dma_wait3A_29] : memref<320000x128xf32, #tpu.memory_space<hbm>> -> memref<400x128xf32, #tpu.memory_space<hbm>>
        tpu.wait_dma2 semaphore(%run_scoped3A : memref<!tpu.dma_semaphore, #tpu.memory_space<semaphore_mem>>) src(%dma_wait3A_30 : memref<400x128xf32, #tpu.memory_space<hbm>>) dst(%arg5 : memref<400x128xf32, #tpu.memory_space<vmem>>)
        tpu.yield
      }) : () -> ()
      "tpu.region"() ({
        %run_scoped3A = tpu.sem_alloc : memref<!tpu.dma_semaphore, #tpu.memory_space<semaphore_mem>>
        %dma_start3A = tpu.memref_slice %arg3[%add3A_19] : memref<320000xi32, #tpu.memory_space<hbm>> -> memref<400xi32, #tpu.memory_space<hbm>>
        %dma_start3A_25 = tpu.memref_slice %arg3[%add3A_19] : memref<320000xi32, #tpu.memory_space<hbm>> -> memref<400xi32, #tpu.memory_space<hbm>>
        tpu.enqueue_dma source(%dma_start3A_25 : memref<400xi32, #tpu.memory_space<hbm>>) target(%arg6 : memref<400xi32, #tpu.memory_space<vmem>>) target_semaphore(%run_scoped3A : memref<!tpu.dma_semaphore, #tpu.memory_space<semaphore_mem>>)
        %dma_wait3A = tpu.memref_slice %arg3[%add3A_19] : memref<320000xi32, #tpu.memory_space<hbm>> -> memref<400xi32, #tpu.memory_space<hbm>>
        %dma_wait3A_26 = tpu.memref_slice %arg3[%add3A_19] : memref<320000xi32, #tpu.memory_space<hbm>> -> memref<400xi32, #tpu.memory_space<hbm>>
        tpu.wait_dma2 semaphore(%run_scoped3A : memref<!tpu.dma_semaphore, #tpu.memory_space<semaphore_mem>>) src(%dma_wait3A_26 : memref<400xi32, #tpu.memory_space<hbm>>) dst(%arg6 : memref<400xi32, #tpu.memory_space<vmem>>)
        tpu.yield
      }) : () -> ()
      %scan3A_20 = arith.constant 0 : i32
      %scan3A_21 = arith.constant 25 : i32
      %scan3A_22 = arith.addi %scan3A_20, %scan3A_21 : i32
      %scan3A_23 = arith.constant 1 : i32
      scf.for %scan3A_25 = %scan3A_20 to %scan3A_22 step %scan3A_23  : i32 {
        %mul3A_26 = arith.constant 1 : i32
        %mul3A_27 = arith.muli %scan3A_25, %mul3A_26 : i32
        %add3A_28 = arith.constant 0 : i32
        %add3A_29 = arith.addi %add3A_28, %mul3A_27 : i32
        %mul3A_30 = arith.constant 16 : i32
        %mul3A_31 = arith.muli %add3A_29, %mul3A_30 : i32
        %get3A = arith.index_cast %mul3A_31 : i32 to index
        %get3A_32 = tpu.vector_load %arg6[%get3A] {strides = array<i32>} : memref<400xi32, #tpu.memory_space<vmem>>, vector<16xi32>,
        %eq3A = arith.constant 0 : i32
        %eq3A_33 = vector.broadcast %eq3A : i32 to vector<16xi32>
        %eq3A_34 = arith.cmpi eq, %iota3A, %eq3A_33 : vector<16xi32>
        %jit3A = arith.constant 0 : i32
        %broadcast_in_dim3A = vector.broadcast %jit3A : i32 to vector<16xi32>
        %select_n3A = arith.select %eq3A_34, %get3A_32, %broadcast_in_dim3A : vector<16xi1>, vector<16xi32>
        %reduce_sum3A = arith.constant true
        %reduce_sum3A_35 = vector.broadcast %reduce_sum3A : i1 to vector<16xi1>
        %reduce_sum3A_36 = tpu.scan <sum>, %select_n3A masked %reduce_sum3A_35 : vector<16xi32>, vector<16xi1> -> vector<16xi32>
        %reduce_sum3A_37 = vector.extract %reduce_sum3A_36[15] : i32 from vector<16xi32>
        %mul3A_38 = arith.constant 16 : i32
        %mul3A_39 = arith.muli %add3A_29, %mul3A_38 : i32
        %add3A_40 = arith.constant 0 : i32
        %add3A_41 = arith.addi %mul3A_39, %add3A_40 : i32
        %get3A_42 = arith.index_cast %add3A_41 : i32 to index
        %get3A_43 = arith.constant 0 : index
        %get3A_44 = tpu.vector_load %arg5[%get3A_42, %get3A_43] {strides = array<i32>} : memref<400x128xf32, #tpu.memory_space<vmem>>, vector<16xf32>,
        %get3A_45 = arith.index_cast %reduce_sum3A_37 : i32 to index
        %get3A_46 = arith.constant 0 : index
        %get3A_47 = tpu.vector_load %arg7[%get3A_45, %get3A_46] {strides = array<i32>} : memref<64x128xf32, #tpu.memory_space<vmem>>, vector<16xf32>,
        %max3A = arith.maximumf %get3A_47, %get3A_44 : vector<16xf32>
        %swap3A = arith.index_cast %reduce_sum3A_37 : i32 to index
        %swap3A_48 = arith.constant 0 : index
        %swap3A_49 = tpu.vector_load %arg7[%swap3A, %swap3A_48] {strides = array<i32>} : memref<64x128xf32, #tpu.memory_space<vmem>>, vector<16xf32>,
        tpu.vector_store %arg7[%swap3A, %swap3A_48], %max3A {strides = array<i32>} : memref<64x128xf32, #tpu.memory_space<vmem>>, vector<16xf32>,
        %get3A_50 = arith.index_cast %add3A_41 : i32 to index
        %get3A_51 = arith.constant 16 : index
        %get3A_52 = tpu.vector_load %arg5[%get3A_50, %get3A_51] {strides = array<i32>} : memref<400x128xf32, #tpu.memory_space<vmem>>, vector<16xf32>,
        %get3A_53 = arith.index_cast %reduce_sum3A_37 : i32 to index
        %get3A_54 = arith.constant 16 : index
        %get3A_55 = tpu.vector_load %arg7[%get3A_53, %get3A_54] {strides = array<i32>} : memref<64x128xf32, #tpu.memory_space<vmem>>, vector<16xf32>,
        %max3A_56 = arith.maximumf %get3A_55, %get3A_52 : vector<16xf32>
        %swap3A_57 = arith.index_cast %reduce_sum3A_37 : i32 to index
        %swap3A_58 = arith.constant 16 : index
        %swap3A_59 = tpu.vector_load %arg7[%swap3A_57, %swap3A_58] {strides = array<i32>} : memref<64x128xf32, #tpu.memory_space<vmem>>, vector<16xf32>,
        tpu.vector_store %arg7[%swap3A_57, %swap3A_58], %max3A_56 {strides = array<i32>} : memref<64x128xf32, #tpu.memory_space<vmem>>, vector<16xf32>,
        %get3A_60 = arith.index_cast %add3A_41 : i32 to index
        %get3A_61 = arith.constant 32 : index
        %get3A_62 = tpu.vector_load %arg5[%get3A_60, %get3A_61] {strides = array<i32>} : memref<400x128xf32, #tpu.memory_space<vmem>>, vector<16xf32>,
        %get3A_63 = arith.index_cast %reduce_sum3A_37 : i32 to index
        %get3A_64 = arith.constant 32 : index
        %get3A_65 = tpu.vector_load %arg7[%get3A_63, %get3A_64] {strides = array<i32>} : memref<64x128xf32, #tpu.memory_space<vmem>>, vector<16xf32>,
        %max3A_66 = arith.maximumf %get3A_65, %get3A_62 : vector<16xf32>
        %swap3A_67 = arith.index_cast %reduce_sum3A_37 : i32 to index
        %swap3A_68 = arith.constant 32 : index
        %swap3A_69 = tpu.vector_load %arg7[%swap3A_67, %swap3A_68] {strides = array<i32>} : memref<64x128xf32, #tpu.memory_space<vmem>>, vector<16xf32>,
        tpu.vector_store %arg7[%swap3A_67, %swap3A_68], %max3A_66 {strides = array<i32>} : memref<64x128xf32, #tpu.memory_space<vmem>>, vector<16xf32>,
        %get3A_70 = arith.index_cast %add3A_41 : i32 to index
        %get3A_71 = arith.constant 48 : index
        %get3A_72 = tpu.vector_load %arg5[%get3A_70, %get3A_71] {strides = array<i32>} : memref<400x128xf32, #tpu.memory_space<vmem>>, vector<16xf32>,
        %get3A_73 = arith.index_cast %reduce_sum3A_37 : i32 to index
        %get3A_74 = arith.constant 48 : index
        %get3A_75 = tpu.vector_load %arg7[%get3A_73, %get3A_74] {strides = array<i32>} : memref<64x128xf32, #tpu.memory_space<vmem>>, vector<16xf32>,
        %max3A_76 = arith.maximumf %get3A_75, %get3A_72 : vector<16xf32>
        %swap3A_77 = arith.index_cast %reduce_sum3A_37 : i32 to index
        %swap3A_78 = arith.constant 48 : index
        %swap3A_79 = tpu.vector_load %arg7[%swap3A_77, %swap3A_78] {strides = array<i32>} : memref<64x128xf32, #tpu.memory_space<vmem>>, vector<16xf32>,
        tpu.vector_store %arg7[%swap3A_77, %swap3A_78], %max3A_76 {strides = array<i32>} : memref<64x128xf32, #tpu.memory_space<vmem>>, vector<16xf32>,
        %get3A_80 = arith.index_cast %add3A_41 : i32 to index
        %get3A_81 = arith.constant 64 : index
        %get3A_82 = tpu.vector_load %arg5[%get3A_80, %get3A_81] {strides = array<i32>} : memref<400x128xf32, #tpu.memory_space<vmem>>, vector<16xf32>,
        %get3A_83 = arith.index_cast %reduce_sum3A_37 : i32 to index
        %get3A_84 = arith.constant 64 : index
        %get3A_85 = tpu.vector_load %arg7[%get3A_83, %get3A_84] {strides = array<i32>} : memref<64x128xf32, #tpu.memory_space<vmem>>, vector<16xf32>,
        %max3A_86 = arith.maximumf %get3A_85, %get3A_82 : vector<16xf32>
        %swap3A_87 = arith.index_cast %reduce_sum3A_37 : i32 to index
        %swap3A_88 = arith.constant 64 : index
        %swap3A_89 = tpu.vector_load %arg7[%swap3A_87, %swap3A_88] {strides = array<i32>} : memref<64x128xf32, #tpu.memory_space<vmem>>, vector<16xf32>,
        tpu.vector_store %arg7[%swap3A_87, %swap3A_88], %max3A_86 {strides = array<i32>} : memref<64x128xf32, #tpu.memory_space<vmem>>, vector<16xf32>,
        %get3A_90 = arith.index_cast %add3A_41 : i32 to index
        %get3A_91 = arith.constant 80 : index
        %get3A_92 = tpu.vector_load %arg5[%get3A_90, %get3A_91] {strides = array<i32>} : memref<400x128xf32, #tpu.memory_space<vmem>>, vector<16xf32>,
        %get3A_93 = arith.index_cast %reduce_sum3A_37 : i32 to index
        %get3A_94 = arith.constant 80 : index
        %get3A_95 = tpu.vector_load %arg7[%get3A_93, %get3A_94] {strides = array<i32>} : memref<64x128xf32, #tpu.memory_space<vmem>>, vector<16xf32>,
        %max3A_96 = arith.maximumf %get3A_95, %get3A_92 : vector<16xf32>
        %swap3A_97 = arith.index_cast %reduce_sum3A_37 : i32 to index
        %swap3A_98 = arith.constant 80 : index
        %swap3A_99 = tpu.vector_load %arg7[%swap3A_97, %swap3A_98] {strides = array<i32>} : memref<64x128xf32, #tpu.memory_space<vmem>>, vector<16xf32>,
        tpu.vector_store %arg7[%swap3A_97, %swap3A_98], %max3A_96 {strides = array<i32>} : memref<64x128xf32, #tpu.memory_space<vmem>>, vector<16xf32>,
        %get3A_100 = arith.index_cast %add3A_41 : i32 to index
        %get3A_101 = arith.constant 96 : index
        %get3A_102 = tpu.vector_load %arg5[%get3A_100, %get3A_101] {strides = array<i32>} : memref<400x128xf32, #tpu.memory_space<vmem>>, vector<16xf32>,
        %get3A_103 = arith.index_cast %reduce_sum3A_37 : i32 to index
        %get3A_104 = arith.constant 96 : index
        %get3A_105 = tpu.vector_load %arg7[%get3A_103, %get3A_104] {strides = array<i32>} : memref<64x128xf32, #tpu.memory_space<vmem>>, vector<16xf32>,
        %max3A_106 = arith.maximumf %get3A_105, %get3A_102 : vector<16xf32>
        %swap3A_107 = arith.index_cast %reduce_sum3A_37 : i32 to index
        %swap3A_108 = arith.constant 96 : index
        %swap3A_109 = tpu.vector_load %arg7[%swap3A_107, %swap3A_108] {strides = array<i32>} : memref<64x128xf32, #tpu.memory_space<vmem>>, vector<16xf32>,
        tpu.vector_store %arg7[%swap3A_107, %swap3A_108], %max3A_106 {strides = array<i32>} : memref<64x128xf32, #tpu.memory_space<vmem>>, vector<16xf32>,
        %get3A_110 = arith.index_cast %add3A_41 : i32 to index
        %get3A_111 = arith.constant 112 : index
        %get3A_112 = tpu.vector_load %arg5[%get3A_110, %get3A_111] {strides = array<i32>} : memref<400x128xf32, #tpu.memory_space<vmem>>, vector<16xf32>,
        %get3A_113 = arith.index_cast %reduce_sum3A_37 : i32 to index
        %get3A_114 = arith.constant 112 : index
        %get3A_115 = tpu.vector_load %arg7[%get3A_113, %get3A_114] {strides = array<i32>} : memref<64x128xf32, #tpu.memory_space<vmem>>, vector<16xf32>,
        %max3A_116 = arith.maximumf %get3A_115, %get3A_112 : vector<16xf32>
        %swap3A_117 = arith.index_cast %reduce_sum3A_37 : i32 to index
        %swap3A_118 = arith.constant 112 : index
        %swap3A_119 = tpu.vector_load %arg7[%swap3A_117, %swap3A_118] {strides = array<i32>} : memref<64x128xf32, #tpu.memory_space<vmem>>, vector<16xf32>,
        tpu.vector_store %arg7[%swap3A_117, %swap3A_118], %max3A_116 {strides = array<i32>} : memref<64x128xf32, #tpu.memory_space<vmem>>, vector<16xf32>,
        %eq3A_120 = arith.constant 1 : i32
        %eq3A_121 = vector.broadcast %eq3A_120 : i32 to vector<16xi32>
        %eq3A_122 = arith.cmpi eq, %iota3A, %eq3A_121 : vector<16xi32>
        %jit3A_123 = arith.constant 0 : i32
        %broadcast_in_dim3A_124 = vector.broadcast %jit3A_123 : i32 to vector<16xi32>
        %select_n3A_125 = arith.select %eq3A_122, %get3A_32, %broadcast_in_dim3A_124 : vector<16xi1>, vector<16xi32>
        %reduce_sum3A_126 = arith.constant true
        %reduce_sum3A_127 = vector.broadcast %reduce_sum3A_126 : i1 to vector<16xi1>
        %reduce_sum3A_128 = tpu.scan <sum>, %select_n3A_125 masked %reduce_sum3A_127 : vector<16xi32>, vector<16xi1> -> vector<16xi32>
        %reduce_sum3A_129 = vector.extract %reduce_sum3A_128[15] : i32 from vector<16xi32>
        %mul3A_130 = arith.constant 16 : i32
        %mul3A_131 = arith.muli %add3A_29, %mul3A_130 : i32
        %add3A_132 = arith.constant 1 : i32
        %add3A_133 = arith.addi %mul3A_131, %add3A_132 : i32
        %get3A_134 = arith.index_cast %add3A_133 : i32 to index
        %get3A_135 = arith.constant 0 : index
        %get3A_136 = tpu.vector_load %arg5[%get3A_134, %get3A_135] {strides = array<i32>} : memref<400x128xf32, #tpu.memory_space<vmem>>, vector<16xf32>,
        %get3A_137 = arith.index_cast %reduce_sum3A_129 : i32 to index
        %get3A_138 = arith.constant 0 : index
        %get3A_139 = tpu.vector_load %arg7[%get3A_137, %get3A_138] {strides = array<i32>} : memref<64x128xf32, #tpu.memory_space<vmem>>, vector<16xf32>,
        %max3A_140 = arith.maximumf %get3A_139, %get3A_136 : vector<16xf32>
        %swap3A_141 = arith.index_cast %reduce_sum3A_129 : i32 to index
        %swap3A_142 = arith.constant 0 : index
        %swap3A_143 = tpu.vector_load %arg7[%swap3A_141, %swap3A_142] {strides = array<i32>} : memref<64x128xf32, #tpu.memory_space<vmem>>, vector<16xf32>,
        tpu.vector_store %arg7[%swap3A_141, %swap3A_142], %max3A_140 {strides = array<i32>} : memref<64x128xf32, #tpu.memory_space<vmem>>, vector<16xf32>,
        %get3A_144 = arith.index_cast %add3A_133 : i32 to index
        %get3A_145 = arith.constant 16 : index
        %get3A_146 = tpu.vector_load %arg5[%get3A_144, %get3A_145] {strides = array<i32>} : memref<400x128xf32, #tpu.memory_space<vmem>>, vector<16xf32>,
        %get3A_147 = arith.index_cast %reduce_sum3A_129 : i32 to index
        %get3A_148 = arith.constant 16 : index
        %get3A_149 = tpu.vector_load %arg7[%get3A_147, %get3A_148] {strides = array<i32>} : memref<64x128xf32, #tpu.memory_space<vmem>>, vector<16xf32>,
        %max3A_150 = arith.maximumf %get3A_149, %get3A_146 : vector<16xf32>
        %swap3A_151 = arith.index_cast %reduce_sum3A_129 : i32 to index
        %swap3A_152 = arith.constant 16 : index
        %swap3A_153 = tpu.vector_load %arg7[%swap3A_151, %swap3A_152] {strides = array<i32>} : memref<64x128xf32, #tpu.memory_space<vmem>>, vector<16xf32>,
        tpu.vector_store %arg7[%swap3A_151, %swap3A_152], %max3A_150 {strides = array<i32>} : memref<64x128xf32, #tpu.memory_space<vmem>>, vector<16xf32>,
        %get3A_154 = arith.index_cast %add3A_133 : i32 to index
        %get3A_155 = arith.constant 32 : index
        %get3A_156 = tpu.vector_load %arg5[%get3A_154, %get3A_155] {strides = array<i32>} : memref<400x128xf32, #tpu.memory_space<vmem>>, vector<16xf32>,
        %get3A_157 = arith.index_cast %reduce_sum3A_129 : i32 to index
        %get3A_158 = arith.constant 32 : index
        %get3A_159 = tpu.vector_load %arg7[%get3A_157, %get3A_158] {strides = array<i32>} : memref<64x128xf32, #tpu.memory_space<vmem>>, vector<16xf32>,
        %max3A_160 = arith.maximumf %get3A_159, %get3A_156 : vector<16xf32>
        %swap3A_161 = arith.index_cast %reduce_sum3A_129 : i32 to index
        %swap3A_162 = arith.constant 32 : index
        %swap3A_163 = tpu.vector_load %arg7[%swap3A_161, %swap3A_162] {strides = array<i32>} : memref<64x128xf32, #tpu.memory_space<vmem>>, vector<16xf32>,
        tpu.vector_store %arg7[%swap3A_161, %swap3A_162], %max3A_160 {strides = array<i32>} : memref<64x128xf32, #tpu.memory_space<vmem>>, vector<16xf32>,
        %get3A_164 = arith.index_cast %add3A_133 : i32 to index
        %get3A_165 = arith.constant 48 : index
        %get3A_166 = tpu.vector_load %arg5[%get3A_164, %get3A_165] {strides = array<i32>} : memref<400x128xf32, #tpu.memory_space<vmem>>, vector<16xf32>,
        %get3A_167 = arith.index_cast %reduce_sum3A_129 : i32 to index
        %get3A_168 = arith.constant 48 : index
        %get3A_169 = tpu.vector_load %arg7[%get3A_167, %get3A_168] {strides = array<i32>} : memref<64x128xf32, #tpu.memory_space<vmem>>, vector<16xf32>,
        %max3A_170 = arith.maximumf %get3A_169, %get3A_166 : vector<16xf32>
        %swap3A_171 = arith.index_cast %reduce_sum3A_129 : i32 to index
        %swap3A_172 = arith.constant 48 : index
        %swap3A_173 = tpu.vector_load %arg7[%swap3A_171, %swap3A_172] {strides = array<i32>} : memref<64x128xf32, #tpu.memory_space<vmem>>, vector<16xf32>,
        tpu.vector_store %arg7[%swap3A_171, %swap3A_172], %max3A_170 {strides = array<i32>} : memref<64x128xf32, #tpu.memory_space<vmem>>, vector<16xf32>,
        %get3A_174 = arith.index_cast %add3A_133 : i32 to index
        %get3A_175 = arith.constant 64 : index
        %get3A_176 = tpu.vector_load %arg5[%get3A_174, %get3A_175] {strides = array<i32>} : memref<400x128xf32, #tpu.memory_space<vmem>>, vector<16xf32>,
        %get3A_177 = arith.index_cast %reduce_sum3A_129 : i32 to index
        %get3A_178 = arith.constant 64 : index
        %get3A_179 = tpu.vector_load %arg7[%get3A_177, %get3A_178] {strides = array<i32>} : memref<64x128xf32, #tpu.memory_space<vmem>>, vector<16xf32>,
        %max3A_180 = arith.maximumf %get3A_179, %get3A_176 : vector<16xf32>
        %swap3A_181 = arith.index_cast %reduce_sum3A_129 : i32 to index
        %swap3A_182 = arith.constant 64 : index
        %swap3A_183 = tpu.vector_load %arg7[%swap3A_181, %swap3A_182] {strides = array<i32>} : memref<64x128xf32, #tpu.memory_space<vmem>>, vector<16xf32>,
        tpu.vector_store %arg7[%swap3A_181, %swap3A_182], %max3A_180 {strides = array<i32>} : memref<64x128xf32, #tpu.memory_space<vmem>>, vector<16xf32>,
        %get3A_184 = arith.index_cast %add3A_133 : i32 to index
        %get3A_185 = arith.constant 80 : index
        %get3A_186 = tpu.vector_load %arg5[%get3A_184, %get3A_185] {strides = array<i32>} : memref<400x128xf32, #tpu.memory_space<vmem>>, vector<16xf32>,
        %get3A_187 = arith.index_cast %reduce_sum3A_129 : i32 to index
        %get3A_188 = arith.constant 80 : index
        %get3A_189 = tpu.vector_load %arg7[%get3A_187, %get3A_188] {strides = array<i32>} : memref<64x128xf32, #tpu.memory_space<vmem>>, vector<16xf32>,
        %max3A_190 = arith.maximumf %get3A_189, %get3A_186 : vector<16xf32>
        %swap3A_191 = arith.index_cast %reduce_sum3A_129 : i32 to index
        %swap3A_192 = arith.constant 80 : index
        %swap3A_193 = tpu.vector_load %arg7[%swap3A_191, %swap3A_192] {strides = array<i32>} : memref<64x128xf32, #tpu.memory_space<vmem>>, vector<16xf32>,
        tpu.vector_store %arg7[%swap3A_191, %swap3A_192], %max3A_190 {strides = array<i32>} : memref<64x128xf32, #tpu.memory_space<vmem>>, vector<16xf32>,
        %get3A_194 = arith.index_cast %add3A_133 : i32 to index
        %get3A_195 = arith.constant 96 : index
        %get3A_196 = tpu.vector_load %arg5[%get3A_194, %get3A_195] {strides = array<i32>} : memref<400x128xf32, #tpu.memory_space<vmem>>, vector<16xf32>,
        %get3A_197 = arith.index_cast %reduce_sum3A_129 : i32 to index
        %get3A_198 = arith.constant 96 : index
        %get3A_199 = tpu.vector_load %arg7[%get3A_197, %get3A_198] {strides = array<i32>} : memref<64x128xf32, #tpu.memory_space<vmem>>, vector<16xf32>,
        %max3A_200 = arith.maximumf %get3A_199, %get3A_196 : vector<16xf32>
        %swap3A_201 = arith.index_cast %reduce_sum3A_129 : i32 to index
        %swap3A_202 = arith.constant 96 : index
        %swap3A_203 = tpu.vector_load %arg7[%swap3A_201, %swap3A_202] {strides = array<i32>} : memref<64x128xf32, #tpu.memory_space<vmem>>, vector<16xf32>,
        tpu.vector_store %arg7[%swap3A_201, %swap3A_202], %max3A_200 {strides = array<i32>} : memref<64x128xf32, #tpu.memory_space<vmem>>, vector<16xf32>,
        %get3A_204 = arith.index_cast %add3A_133 : i32 to index
        %get3A_205 = arith.constant 112 : index
        %get3A_206 = tpu.vector_load %arg5[%get3A_204, %get3A_205] {strides = array<i32>} : memref<400x128xf32, #tpu.memory_space<vmem>>, vector<16xf32>,
        %get3A_207 = arith.index_cast %reduce_sum3A_129 : i32 to index
        %get3A_208 = arith.constant 112 : index
        %get3A_209 = tpu.vector_load %arg7[%get3A_207, %get3A_208] {strides = array<i32>} : memref<64x128xf32, #tpu.memory_space<vmem>>, vector<16xf32>,
        %max3A_210 = arith.maximumf %get3A_209, %get3A_206 : vector<16xf32>
        %swap3A_211 = arith.index_cast %reduce_sum3A_129 : i32 to index
        %swap3A_212 = arith.constant 112 : index
        %swap3A_213 = tpu.vector_load %arg7[%swap3A_211, %swap3A_212] {strides = array<i32>} : memref<64x128xf32, #tpu.memory_space<vmem>>, vector<16xf32>,
        tpu.vector_store %arg7[%swap3A_211, %swap3A_212], %max3A_210 {strides = array<i32>} : memref<64x128xf32, #tpu.memory_space<vmem>>, vector<16xf32>,
        %eq3A_214 = arith.constant 2 : i32
        %eq3A_215 = vector.broadcast %eq3A_214 : i32 to vector<16xi32>
        %eq3A_216 = arith.cmpi eq, %iota3A, %eq3A_215 : vector<16xi32>
        %jit3A_217 = arith.constant 0 : i32
        %broadcast_in_dim3A_218 = vector.broadcast %jit3A_217 : i32 to vector<16xi32>
        %select_n3A_219 = arith.select %eq3A_216, %get3A_32, %broadcast_in_dim3A_218 : vector<16xi1>, vector<16xi32>
        %reduce_sum3A_220 = arith.constant true
        %reduce_sum3A_221 = vector.broadcast %reduce_sum3A_220 : i1 to vector<16xi1>
        %reduce_sum3A_222 = tpu.scan <sum>, %select_n3A_219 masked %reduce_sum3A_221 : vector<16xi32>, vector<16xi1> -> vector<16xi32>
        %reduce_sum3A_223 = vector.extract %reduce_sum3A_222[15] : i32 from vector<16xi32>
        %mul3A_224 = arith.constant 16 : i32
        %mul3A_225 = arith.muli %add3A_29, %mul3A_224 : i32
        %add3A_226 = arith.constant 2 : i32
        %add3A_227 = arith.addi %mul3A_225, %add3A_226 : i32
        %get3A_228 = arith.index_cast %add3A_227 : i32 to index
        %get3A_229 = arith.constant 0 : index
        %get3A_230 = tpu.vector_load %arg5[%get3A_228, %get3A_229] {strides = array<i32>} : memref<400x128xf32, #tpu.memory_space<vmem>>, vector<16xf32>,
        %get3A_231 = arith.index_cast %reduce_sum3A_223 : i32 to index
        %get3A_232 = arith.constant 0 : index
        %get3A_233 = tpu.vector_load %arg7[%get3A_231, %get3A_232] {strides = array<i32>} : memref<64x128xf32, #tpu.memory_space<vmem>>, vector<16xf32>,
        %max3A_234 = arith.maximumf %get3A_233, %get3A_230 : vector<16xf32>
        %swap3A_235 = arith.index_cast %reduce_sum3A_223 : i32 to index
        %swap3A_236 = arith.constant 0 : index
        %swap3A_237 = tpu.vector_load %arg7[%swap3A_235, %swap3A_236] {strides = array<i32>} : memref<64x128xf32, #tpu.memory_space<vmem>>, vector<16xf32>,
        tpu.vector_store %arg7[%swap3A_235, %swap3A_236], %max3A_234 {strides = array<i32>} : memref<64x128xf32, #tpu.memory_space<vmem>>, vector<16xf32>,
        %get3A_238 = arith.index_cast %add3A_227 : i32 to index
        %get3A_239 = arith.constant 16 : index
        %get3A_240 = tpu.vector_load %arg5[%get3A_238, %get3A_239] {strides = array<i32>} : memref<400x128xf32, #tpu.memory_space<vmem>>, vector<16xf32>,
        %get3A_241 = arith.index_cast %reduce_sum3A_223 : i32 to index
        %get3A_242 = arith.constant 16 : index
        %get3A_243 = tpu.vector_load %arg7[%get3A_241, %get3A_242] {strides = array<i32>} : memref<64x128xf32, #tpu.memory_space<vmem>>, vector<16xf32>,
        %max3A_244 = arith.maximumf %get3A_243, %get3A_240 : vector<16xf32>
        %swap3A_245 = arith.index_cast %reduce_sum3A_223 : i32 to index
        %swap3A_246 = arith.constant 16 : index
        %swap3A_247 = tpu.vector_load %arg7[%swap3A_245, %swap3A_246] {strides = array<i32>} : memref<64x128xf32, #tpu.memory_space<vmem>>, vector<16xf32>,
        tpu.vector_store %arg7[%swap3A_245, %swap3A_246], %max3A_244 {strides = array<i32>} : memref<64x128xf32, #tpu.memory_space<vmem>>, vector<16xf32>,
        %get3A_248 = arith.index_cast %add3A_227 : i32 to index
        %get3A_249 = arith.constant 32 : index
        %get3A_250 = tpu.vector_load %arg5[%get3A_248, %get3A_249] {strides = array<i32>} : memref<400x128xf32, #tpu.memory_space<vmem>>, vector<16xf32>,
        %get3A_251 = arith.index_cast %reduce_sum3A_223 : i32 to index
        %get3A_252 = arith.constant 32 : index
        %get3A_253 = tpu.vector_load %arg7[%get3A_251, %get3A_252] {strides = array<i32>} : memref<64x128xf32, #tpu.memory_space<vmem>>, vector<16xf32>,
        %max3A_254 = arith.maximumf %get3A_253, %get3A_250 : vector<16xf32>
        %swap3A_255 = arith.index_cast %reduce_sum3A_223 : i32 to index
        %swap3A_256 = arith.constant 32 : index
        %swap3A_257 = tpu.vector_load %arg7[%swap3A_255, %swap3A_256] {strides = array<i32>} : memref<64x128xf32, #tpu.memory_space<vmem>>, vector<16xf32>,
        tpu.vector_store %arg7[%swap3A_255, %swap3A_256], %max3A_254 {strides = array<i32>} : memref<64x128xf32, #tpu.memory_space<vmem>>, vector<16xf32>,
        %get3A_258 = arith.index_cast %add3A_227 : i32 to index
        %get3A_259 = arith.constant 48 : index
        %get3A_260 = tpu.vector_load %arg5[%get3A_258, %get3A_259] {strides = array<i32>} : memref<400x128xf32, #tpu.memory_space<vmem>>, vector<16xf32>,
        %get3A_261 = arith.index_cast %reduce_sum3A_223 : i32 to index
        %get3A_262 = arith.constant 48 : index
        %get3A_263 = tpu.vector_load %arg7[%get3A_261, %get3A_262] {strides = array<i32>} : memref<64x128xf32, #tpu.memory_space<vmem>>, vector<16xf32>,
        %max3A_264 = arith.maximumf %get3A_263, %get3A_260 : vector<16xf32>
        %swap3A_265 = arith.index_cast %reduce_sum3A_223 : i32 to index
        %swap3A_266 = arith.constant 48 : index
        %swap3A_267 = tpu.vector_load %arg7[%swap3A_265, %swap3A_266] {strides = array<i32>} : memref<64x128xf32, #tpu.memory_space<vmem>>, vector<16xf32>,
        tpu.vector_store %arg7[%swap3A_265, %swap3A_266], %max3A_264 {strides = array<i32>} : memref<64x128xf32, #tpu.memory_space<vmem>>, vector<16xf32>,
        %get3A_268 = arith.index_cast %add3A_227 : i32 to index
        %get3A_269 = arith.constant 64 : index
        %get3A_270 = tpu.vector_load %arg5[%get3A_268, %get3A_269] {strides = array<i32>} : memref<400x128xf32, #tpu.memory_space<vmem>>, vector<16xf32>,
        %get3A_271 = arith.index_cast %reduce_sum3A_223 : i32 to index
        %get3A_272 = arith.constant 64 : index
        %get3A_273 = tpu.vector_load %arg7[%get3A_271, %get3A_272] {strides = array<i32>} : memref<64x128xf32, #tpu.memory_space<vmem>>, vector<16xf32>,
        %max3A_274 = arith.maximumf %get3A_273, %get3A_270 : vector<16xf32>
        %swap3A_275 = arith.index_cast %reduce_sum3A_223 : i32 to index
        %swap3A_276 = arith.constant 64 : index
        %swap3A_277 = tpu.vector_load %arg7[%swap3A_275, %swap3A_276] {strides = array<i32>} : memref<64x128xf32, #tpu.memory_space<vmem>>, vector<16xf32>,
        tpu.vector_store %arg7[%swap3A_275, %swap3A_276], %max3A_274 {strides = array<i32>} : memref<64x128xf32, #tpu.memory_space<vmem>>, vector<16xf32>,
        %get3A_278 = arith.index_cast %add3A_227 : i32 to index
        %get3A_279 = arith.constant 80 : index
        %get3A_280 = tpu.vector_load %arg5[%get3A_278, %get3A_279] {strides = array<i32>} : memref<400x128xf32, #tpu.memory_space<vmem>>, vector<16xf32>,
        %get3A_281 = arith.index_cast %reduce_sum3A_223 : i32 to index
        %get3A_282 = arith.constant 80 : index
        %get3A_283 = tpu.vector_load %arg7[%get3A_281, %get3A_282] {strides = array<i32>} : memref<64x128xf32, #tpu.memory_space<vmem>>, vector<16xf32>,
        %max3A_284 = arith.maximumf %get3A_283, %get3A_280 : vector<16xf32>
        %swap3A_285 = arith.index_cast %reduce_sum3A_223 : i32 to index
        %swap3A_286 = arith.constant 80 : index
        %swap3A_287 = tpu.vector_load %arg7[%swap3A_285, %swap3A_286] {strides = array<i32>} : memref<64x128xf32, #tpu.memory_space<vmem>>, vector<16xf32>,
        tpu.vector_store %arg7[%swap3A_285, %swap3A_286], %max3A_284 {strides = array<i32>} : memref<64x128xf32, #tpu.memory_space<vmem>>, vector<16xf32>,
        %get3A_288 = arith.index_cast %add3A_227 : i32 to index
        %get3A_289 = arith.constant 96 : index
        %get3A_290 = tpu.vector_load %arg5[%get3A_288, %get3A_289] {strides = array<i32>} : memref<400x128xf32, #tpu.memory_space<vmem>>, vector<16xf32>,
        %get3A_291 = arith.index_cast %reduce_sum3A_223 : i32 to index
        %get3A_292 = arith.constant 96 : index
        %get3A_293 = tpu.vector_load %arg7[%get3A_291, %get3A_292] {strides = array<i32>} : memref<64x128xf32, #tpu.memory_space<vmem>>, vector<16xf32>,
        %max3A_294 = arith.maximumf %get3A_293, %get3A_290 : vector<16xf32>
        %swap3A_295 = arith.index_cast %reduce_sum3A_223 : i32 to index
        %swap3A_296 = arith.constant 96 : index
        %swap3A_297 = tpu.vector_load %arg7[%swap3A_295, %swap3A_296] {strides = array<i32>} : memref<64x128xf32, #tpu.memory_space<vmem>>, vector<16xf32>,
        tpu.vector_store %arg7[%swap3A_295, %swap3A_296], %max3A_294 {strides = array<i32>} : memref<64x128xf32, #tpu.memory_space<vmem>>, vector<16xf32>,
        %get3A_298 = arith.index_cast %add3A_227 : i32 to index
        %get3A_299 = arith.constant 112 : index
        %get3A_300 = tpu.vector_load %arg5[%get3A_298, %get3A_299] {strides = array<i32>} : memref<400x128xf32, #tpu.memory_space<vmem>>, vector<16xf32>,
        %get3A_301 = arith.index_cast %reduce_sum3A_223 : i32 to index
        %get3A_302 = arith.constant 112 : index
        %get3A_303 = tpu.vector_load %arg7[%get3A_301, %get3A_302] {strides = array<i32>} : memref<64x128xf32, #tpu.memory_space<vmem>>, vector<16xf32>,
        %max3A_304 = arith.maximumf %get3A_303, %get3A_300 : vector<16xf32>
        %swap3A_305 = arith.index_cast %reduce_sum3A_223 : i32 to index
        %swap3A_306 = arith.constant 112 : index
        %swap3A_307 = tpu.vector_load %arg7[%swap3A_305, %swap3A_306] {strides = array<i32>} : memref<64x128xf32, #tpu.memory_space<vmem>>, vector<16xf32>,
        tpu.vector_store %arg7[%swap3A_305, %swap3A_306], %max3A_304 {strides = array<i32>} : memref<64x128xf32, #tpu.memory_space<vmem>>, vector<16xf32>,
        %eq3A_308 = arith.constant 3 : i32
        %eq3A_309 = vector.broadcast %eq3A_308 : i32 to vector<16xi32>
        %eq3A_310 = arith.cmpi eq, %iota3A, %eq3A_309 : vector<16xi32>
        %jit3A_311 = arith.constant 0 : i32
        %broadcast_in_dim3A_312 = vector.broadcast %jit3A_311 : i32 to vector<16xi32>
        %select_n3A_313 = arith.select %eq3A_310, %get3A_32, %broadcast_in_dim3A_312 : vector<16xi1>, vector<16xi32>
        %reduce_sum3A_314 = arith.constant true
        %reduce_sum3A_315 = vector.broadcast %reduce_sum3A_314 : i1 to vector<16xi1>
        %reduce_sum3A_316 = tpu.scan <sum>, %select_n3A_313 masked %reduce_sum3A_315 : vector<16xi32>, vector<16xi1> -> vector<16xi32>
        %reduce_sum3A_317 = vector.extract %reduce_sum3A_316[15] : i32 from vector<16xi32>
        %mul3A_318 = arith.constant 16 : i32
        %mul3A_319 = arith.muli %add3A_29, %mul3A_318 : i32
        %add3A_320 = arith.constant 3 : i32
        %add3A_321 = arith.addi %mul3A_319, %add3A_320 : i32
        %get3A_322 = arith.index_cast %add3A_321 : i32 to index
        %get3A_323 = arith.constant 0 : index
        %get3A_324 = tpu.vector_load %arg5[%get3A_322, %get3A_323] {strides = array<i32>} : memref<400x128xf32, #tpu.memory_space<vmem>>, vector<16xf32>,
        %get3A_325 = arith.index_cast %reduce_sum3A_317 : i32 to index
        %get3A_326 = arith.constant 0 : index
        %get3A_327 = tpu.vector_load %arg7[%get3A_325, %get3A_326] {strides = array<i32>} : memref<64x128xf32, #tpu.memory_space<vmem>>, vector<16xf32>,
        %max3A_328 = arith.maximumf %get3A_327, %get3A_324 : vector<16xf32>
        %swap3A_329 = arith.index_cast %reduce_sum3A_317 : i32 to index
        %swap3A_330 = arith.constant 0 : index
        %swap3A_331 = tpu.vector_load %arg7[%swap3A_329, %swap3A_330] {strides = array<i32>} : memref<64x128xf32, #tpu.memory_space<vmem>>, vector<16xf32>,
        tpu.vector_store %arg7[%swap3A_329, %swap3A_330], %max3A_328 {strides = array<i32>} : memref<64x128xf32, #tpu.memory_space<vmem>>, vector<16xf32>,
        %get3A_332 = arith.index_cast %add3A_321 : i32 to index
        %get3A_333 = arith.constant 16 : index
        %get3A_334 = tpu.vector_load %arg5[%get3A_332, %get3A_333] {strides = array<i32>} : memref<400x128xf32, #tpu.memory_space<vmem>>, vector<16xf32>,
        %get3A_335 = arith.index_cast %reduce_sum3A_317 : i32 to index
        %get3A_336 = arith.constant 16 : index
        %get3A_337 = tpu.vector_load %arg7[%get3A_335, %get3A_336] {strides = array<i32>} : memref<64x128xf32, #tpu.memory_space<vmem>>, vector<16xf32>,
        %max3A_338 = arith.maximumf %get3A_337, %get3A_334 : vector<16xf32>
        %swap3A_339 = arith.index_cast %reduce_sum3A_317 : i32 to index
        %swap3A_340 = arith.constant 16 : index
        %swap3A_341 = tpu.vector_load %arg7[%swap3A_339, %swap3A_340] {strides = array<i32>} : memref<64x128xf32, #tpu.memory_space<vmem>>, vector<16xf32>,
        tpu.vector_store %arg7[%swap3A_339, %swap3A_340], %max3A_338 {strides = array<i32>} : memref<64x128xf32, #tpu.memory_space<vmem>>, vector<16xf32>,
        %get3A_342 = arith.index_cast %add3A_321 : i32 to index
        %get3A_343 = arith.constant 32 : index
        %get3A_344 = tpu.vector_load %arg5[%get3A_342, %get3A_343] {strides = array<i32>} : memref<400x128xf32, #tpu.memory_space<vmem>>, vector<16xf32>,
        %get3A_345 = arith.index_cast %reduce_sum3A_317 : i32 to index
        %get3A_346 = arith.constant 32 : index
        %get3A_347 = tpu.vector_load %arg7[%get3A_345, %get3A_346] {strides = array<i32>} : memref<64x128xf32, #tpu.memory_space<vmem>>, vector<16xf32>,
        %max3A_348 = arith.maximumf %get3A_347, %get3A_344 : vector<16xf32>
        %swap3A_349 = arith.index_cast %reduce_sum3A_317 : i32 to index
        %swap3A_350 = arith.constant 32 : index
        %swap3A_351 = tpu.vector_load %arg7[%swap3A_349, %swap3A_350] {strides = array<i32>} : memref<64x128xf32, #tpu.memory_space<vmem>>, vector<16xf32>,
        tpu.vector_store %arg7[%swap3A_349, %swap3A_350], %max3A_348 {strides = array<i32>} : memref<64x128xf32, #tpu.memory_space<vmem>>, vector<16xf32>,
        %get3A_352 = arith.index_cast %add3A_321 : i32 to index
        %get3A_353 = arith.constant 48 : index
        %get3A_354 = tpu.vector_load %arg5[%get3A_352, %get3A_353] {strides = array<i32>} : memref<400x128xf32, #tpu.memory_space<vmem>>, vector<16xf32>,
        %get3A_355 = arith.index_cast %reduce_sum3A_317 : i32 to index
        %get3A_356 = arith.constant 48 : index
        %get3A_357 = tpu.vector_load %arg7[%get3A_355, %get3A_356] {strides = array<i32>} : memref<64x128xf32, #tpu.memory_space<vmem>>, vector<16xf32>,
        %max3A_358 = arith.maximumf %get3A_357, %get3A_354 : vector<16xf32>
        %swap3A_359 = arith.index_cast %reduce_sum3A_317 : i32 to index
        %swap3A_360 = arith.constant 48 : index
        %swap3A_361 = tpu.vector_load %arg7[%swap3A_359, %swap3A_360] {strides = array<i32>} : memref<64x128xf32, #tpu.memory_space<vmem>>, vector<16xf32>,
        tpu.vector_store %arg7[%swap3A_359, %swap3A_360], %max3A_358 {strides = array<i32>} : memref<64x128xf32, #tpu.memory_space<vmem>>, vector<16xf32>,
        %get3A_362 = arith.index_cast %add3A_321 : i32 to index
        %get3A_363 = arith.constant 64 : index
        %get3A_364 = tpu.vector_load %arg5[%get3A_362, %get3A_363] {strides = array<i32>} : memref<400x128xf32, #tpu.memory_space<vmem>>, vector<16xf32>,
        %get3A_365 = arith.index_cast %reduce_sum3A_317 : i32 to index
        %get3A_366 = arith.constant 64 : index
        %get3A_367 = tpu.vector_load %arg7[%get3A_365, %get3A_366] {strides = array<i32>} : memref<64x128xf32, #tpu.memory_space<vmem>>, vector<16xf32>,
        %max3A_368 = arith.maximumf %get3A_367, %get3A_364 : vector<16xf32>
        %swap3A_369 = arith.index_cast %reduce_sum3A_317 : i32 to index
        %swap3A_370 = arith.constant 64 : index
        %swap3A_371 = tpu.vector_load %arg7[%swap3A_369, %swap3A_370] {strides = array<i32>} : memref<64x128xf32, #tpu.memory_space<vmem>>, vector<16xf32>,
        tpu.vector_store %arg7[%swap3A_369, %swap3A_370], %max3A_368 {strides = array<i32>} : memref<64x128xf32, #tpu.memory_space<vmem>>, vector<16xf32>,
        %get3A_372 = arith.index_cast %add3A_321 : i32 to index
        %get3A_373 = arith.constant 80 : index
        %get3A_374 = tpu.vector_load %arg5[%get3A_372, %get3A_373] {strides = array<i32>} : memref<400x128xf32, #tpu.memory_space<vmem>>, vector<16xf32>,
        %get3A_375 = arith.index_cast %reduce_sum3A_317 : i32 to index
        %get3A_376 = arith.constant 80 : index
        %get3A_377 = tpu.vector_load %arg7[%get3A_375, %get3A_376] {strides = array<i32>} : memref<64x128xf32, #tpu.memory_space<vmem>>, vector<16xf32>,
        %max3A_378 = arith.maximumf %get3A_377, %get3A_374 : vector<16xf32>
        %swap3A_379 = arith.index_cast %reduce_sum3A_317 : i32 to index
        %swap3A_380 = arith.constant 80 : index
        %swap3A_381 = tpu.vector_load %arg7[%swap3A_379, %swap3A_380] {strides = array<i32>} : memref<64x128xf32, #tpu.memory_space<vmem>>, vector<16xf32>,
        tpu.vector_store %arg7[%swap3A_379, %swap3A_380], %max3A_378 {strides = array<i32>} : memref<64x128xf32, #tpu.memory_space<vmem>>, vector<16xf32>,
        %get3A_382 = arith.index_cast %add3A_321 : i32 to index
        %get3A_383 = arith.constant 96 : index
        %get3A_384 = tpu.vector_load %arg5[%get3A_382, %get3A_383] {strides = array<i32>} : memref<400x128xf32, #tpu.memory_space<vmem>>, vector<16xf32>,
        %get3A_385 = arith.index_cast %reduce_sum3A_317 : i32 to index
        %get3A_386 = arith.constant 96 : index
        %get3A_387 = tpu.vector_load %arg7[%get3A_385, %get3A_386] {strides = array<i32>} : memref<64x128xf32, #tpu.memory_space<vmem>>, vector<16xf32>,
        %max3A_388 = arith.maximumf %get3A_387, %get3A_384 : vector<16xf32>
        %swap3A_389 = arith.index_cast %reduce_sum3A_317 : i32 to index
        %swap3A_390 = arith.constant 96 : index
        %swap3A_391 = tpu.vector_load %arg7[%swap3A_389, %swap3A_390] {strides = array<i32>} : memref<64x128xf32, #tpu.memory_space<vmem>>, vector<16xf32>,
        tpu.vector_store %arg7[%swap3A_389, %swap3A_390], %max3A_388 {strides = array<i32>} : memref<64x128xf32, #tpu.memory_space<vmem>>, vector<16xf32>,
        %get3A_392 = arith.index_cast %add3A_321 : i32 to index
        %get3A_393 = arith.constant 112 : index
        %get3A_394 = tpu.vector_load %arg5[%get3A_392, %get3A_393] {strides = array<i32>} : memref<400x128xf32, #tpu.memory_space<vmem>>, vector<16xf32>,
        %get3A_395 = arith.index_cast %reduce_sum3A_317 : i32 to index
        %get3A_396 = arith.constant 112 : index
        %get3A_397 = tpu.vector_load %arg7[%get3A_395, %get3A_396] {strides = array<i32>} : memref<64x128xf32, #tpu.memory_space<vmem>>, vector<16xf32>,
        %max3A_398 = arith.maximumf %get3A_397, %get3A_394 : vector<16xf32>
        %swap3A_399 = arith.index_cast %reduce_sum3A_317 : i32 to index
        %swap3A_400 = arith.constant 112 : index
        %swap3A_401 = tpu.vector_load %arg7[%swap3A_399, %swap3A_400] {strides = array<i32>} : memref<64x128xf32, #tpu.memory_space<vmem>>, vector<16xf32>,
        tpu.vector_store %arg7[%swap3A_399, %swap3A_400], %max3A_398 {strides = array<i32>} : memref<64x128xf32, #tpu.memory_space<vmem>>, vector<16xf32>,
        %eq3A_402 = arith.constant 4 : i32
        %eq3A_403 = vector.broadcast %eq3A_402 : i32 to vector<16xi32>
        %eq3A_404 = arith.cmpi eq, %iota3A, %eq3A_403 : vector<16xi32>
        %jit3A_405 = arith.constant 0 : i32
        %broadcast_in_dim3A_406 = vector.broadcast %jit3A_405 : i32 to vector<16xi32>
        %select_n3A_407 = arith.select %eq3A_404, %get3A_32, %broadcast_in_dim3A_406 : vector<16xi1>, vector<16xi32>
        %reduce_sum3A_408 = arith.constant true
        %reduce_sum3A_409 = vector.broadcast %reduce_sum3A_408 : i1 to vector<16xi1>
        %reduce_sum3A_410 = tpu.scan <sum>, %select_n3A_407 masked %reduce_sum3A_409 : vector<16xi32>, vector<16xi1> -> vector<16xi32>
        %reduce_sum3A_411 = vector.extract %reduce_sum3A_410[15] : i32 from vector<16xi32>
        %mul3A_412 = arith.constant 16 : i32
        %mul3A_413 = arith.muli %add3A_29, %mul3A_412 : i32
        %add3A_414 = arith.constant 4 : i32
        %add3A_415 = arith.addi %mul3A_413, %add3A_414 : i32
        %get3A_416 = arith.index_cast %add3A_415 : i32 to index
        %get3A_417 = arith.constant 0 : index
        %get3A_418 = tpu.vector_load %arg5[%get3A_416, %get3A_417] {strides = array<i32>} : memref<400x128xf32, #tpu.memory_space<vmem>>, vector<16xf32>,
        %get3A_419 = arith.index_cast %reduce_sum3A_411 : i32 to index
        %get3A_420 = arith.constant 0 : index
        %get3A_421 = tpu.vector_load %arg7[%get3A_419, %get3A_420] {strides = array<i32>} : memref<64x128xf32, #tpu.memory_space<vmem>>, vector<16xf32>,
        %max3A_422 = arith.maximumf %get3A_421, %get3A_418 : vector<16xf32>
        %swap3A_423 = arith.index_cast %reduce_sum3A_411 : i32 to index
        %swap3A_424 = arith.constant 0 : index
        %swap3A_425 = tpu.vector_load %arg7[%swap3A_423, %swap3A_424] {strides = array<i32>} : memref<64x128xf32, #tpu.memory_space<vmem>>, vector<16xf32>,
        tpu.vector_store %arg7[%swap3A_423, %swap3A_424], %max3A_422 {strides = array<i32>} : memref<64x128xf32, #tpu.memory_space<vmem>>, vector<16xf32>,
        %get3A_426 = arith.index_cast %add3A_415 : i32 to index
        %get3A_427 = arith.constant 16 : index
        %get3A_428 = tpu.vector_load %arg5[%get3A_426, %get3A_427] {strides = array<i32>} : memref<400x128xf32, #tpu.memory_space<vmem>>, vector<16xf32>,
        %get3A_429 = arith.index_cast %reduce_sum3A_411 : i32 to index
        %get3A_430 = arith.constant 16 : index
        %get3A_431 = tpu.vector_load %arg7[%get3A_429, %get3A_430] {strides = array<i32>} : memref<64x128xf32, #tpu.memory_space<vmem>>, vector<16xf32>,
        %max3A_432 = arith.maximumf %get3A_431, %get3A_428 : vector<16xf32>
        %swap3A_433 = arith.index_cast %reduce_sum3A_411 : i32 to index
        %swap3A_434 = arith.constant 16 : index
        %swap3A_435 = tpu.vector_load %arg7[%swap3A_433, %swap3A_434] {strides = array<i32>} : memref<64x128xf32, #tpu.memory_space<vmem>>, vector<16xf32>,
        tpu.vector_store %arg7[%swap3A_433, %swap3A_434], %max3A_432 {strides = array<i32>} : memref<64x128xf32, #tpu.memory_space<vmem>>, vector<16xf32>,
        %get3A_436 = arith.index_cast %add3A_415 : i32 to index
        %get3A_437 = arith.constant 32 : index
        %get3A_438 = tpu.vector_load %arg5[%get3A_436, %get3A_437] {strides = array<i32>} : memref<400x128xf32, #tpu.memory_space<vmem>>, vector<16xf32>,
        %get3A_439 = arith.index_cast %reduce_sum3A_411 : i32 to index
        %get3A_440 = arith.constant 32 : index
        %get3A_441 = tpu.vector_load %arg7[%get3A_439, %get3A_440] {strides = array<i32>} : memref<64x128xf32, #tpu.memory_space<vmem>>, vector<16xf32>,
        %max3A_442 = arith.maximumf %get3A_441, %get3A_438 : vector<16xf32>
        %swap3A_443 = arith.index_cast %reduce_sum3A_411 : i32 to index
        %swap3A_444 = arith.constant 32 : index
        %swap3A_445 = tpu.vector_load %arg7[%swap3A_443, %swap3A_444] {strides = array<i32>} : memref<64x128xf32, #tpu.memory_space<vmem>>, vector<16xf32>,
        tpu.vector_store %arg7[%swap3A_443, %swap3A_444], %max3A_442 {strides = array<i32>} : memref<64x128xf32, #tpu.memory_space<vmem>>, vector<16xf32>,
        %get3A_446 = arith.index_cast %add3A_415 : i32 to index
        %get3A_447 = arith.constant 48 : index
        %get3A_448 = tpu.vector_load %arg5[%get3A_446, %get3A_447] {strides = array<i32>} : memref<400x128xf32, #tpu.memory_space<vmem>>, vector<16xf32>,
        %get3A_449 = arith.index_cast %reduce_sum3A_411 : i32 to index
        %get3A_450 = arith.constant 48 : index
        %get3A_451 = tpu.vector_load %arg7[%get3A_449, %get3A_450] {strides = array<i32>} : memref<64x128xf32, #tpu.memory_space<vmem>>, vector<16xf32>,
        %max3A_452 = arith.maximumf %get3A_451, %get3A_448 : vector<16xf32>
        %swap3A_453 = arith.index_cast %reduce_sum3A_411 : i32 to index
        %swap3A_454 = arith.constant 48 : index
        %swap3A_455 = tpu.vector_load %arg7[%swap3A_453, %swap3A_454] {strides = array<i32>} : memref<64x128xf32, #tpu.memory_space<vmem>>, vector<16xf32>,
        tpu.vector_store %arg7[%swap3A_453, %swap3A_454], %max3A_452 {strides = array<i32>} : memref<64x128xf32, #tpu.memory_space<vmem>>, vector<16xf32>,
        %get3A_456 = arith.index_cast %add3A_415 : i32 to index
        %get3A_457 = arith.constant 64 : index
        %get3A_458 = tpu.vector_load %arg5[%get3A_456, %get3A_457] {strides = array<i32>} : memref<400x128xf32, #tpu.memory_space<vmem>>, vector<16xf32>,
        %get3A_459 = arith.index_cast %reduce_sum3A_411 : i32 to index
        %get3A_460 = arith.constant 64 : index
        %get3A_461 = tpu.vector_load %arg7[%get3A_459, %get3A_460] {strides = array<i32>} : memref<64x128xf32, #tpu.memory_space<vmem>>, vector<16xf32>,
        %max3A_462 = arith.maximumf %get3A_461, %get3A_458 : vector<16xf32>
        %swap3A_463 = arith.index_cast %reduce_sum3A_411 : i32 to index
        %swap3A_464 = arith.constant 64 : index
        %swap3A_465 = tpu.vector_load %arg7[%swap3A_463, %swap3A_464] {strides = array<i32>} : memref<64x128xf32, #tpu.memory_space<vmem>>, vector<16xf32>,
        tpu.vector_store %arg7[%swap3A_463, %swap3A_464], %max3A_462 {strides = array<i32>} : memref<64x128xf32, #tpu.memory_space<vmem>>, vector<16xf32>,
        %get3A_466 = arith.index_cast %add3A_415 : i32 to index
        %get3A_467 = arith.constant 80 : index
        %get3A_468 = tpu.vector_load %arg5[%get3A_466, %get3A_467] {strides = array<i32>} : memref<400x128xf32, #tpu.memory_space<vmem>>, vector<16xf32>,
        %get3A_469 = arith.index_cast %reduce_sum3A_411 : i32 to index
        %get3A_470 = arith.constant 80 : index
        %get3A_471 = tpu.vector_load %arg7[%get3A_469, %get3A_470] {strides = array<i32>} : memref<64x128xf32, #tpu.memory_space<vmem>>, vector<16xf32>,
        %max3A_472 = arith.maximumf %get3A_471, %get3A_468 : vector<16xf32>
        %swap3A_473 = arith.index_cast %reduce_sum3A_411 : i32 to index
        %swap3A_474 = arith.constant 80 : index
        %swap3A_475 = tpu.vector_load %arg7[%swap3A_473, %swap3A_474] {strides = array<i32>} : memref<64x128xf32, #tpu.memory_space<vmem>>, vector<16xf32>,
        tpu.vector_store %arg7[%swap3A_473, %swap3A_474], %max3A_472 {strides = array<i32>} : memref<64x128xf32, #tpu.memory_space<vmem>>, vector<16xf32>,
        %get3A_476 = arith.index_cast %add3A_415 : i32 to index
        %get3A_477 = arith.constant 96 : index
        %get3A_478 = tpu.vector_load %arg5[%get3A_476, %get3A_477] {strides = array<i32>} : memref<400x128xf32, #tpu.memory_space<vmem>>, vector<16xf32>,
        %get3A_479 = arith.index_cast %reduce_sum3A_411 : i32 to index
        %get3A_480 = arith.constant 96 : index
        %get3A_481 = tpu.vector_load %arg7[%get3A_479, %get3A_480] {strides = array<i32>} : memref<64x128xf32, #tpu.memory_space<vmem>>, vector<16xf32>,
        %max3A_482 = arith.maximumf %get3A_481, %get3A_478 : vector<16xf32>
        %swap3A_483 = arith.index_cast %reduce_sum3A_411 : i32 to index
        %swap3A_484 = arith.constant 96 : index
        %swap3A_485 = tpu.vector_load %arg7[%swap3A_483, %swap3A_484] {strides = array<i32>} : memref<64x128xf32, #tpu.memory_space<vmem>>, vector<16xf32>,
        tpu.vector_store %arg7[%swap3A_483, %swap3A_484], %max3A_482 {strides = array<i32>} : memref<64x128xf32, #tpu.memory_space<vmem>>, vector<16xf32>,
        %get3A_486 = arith.index_cast %add3A_415 : i32 to index
        %get3A_487 = arith.constant 112 : index
        %get3A_488 = tpu.vector_load %arg5[%get3A_486, %get3A_487] {strides = array<i32>} : memref<400x128xf32, #tpu.memory_space<vmem>>, vector<16xf32>,
        %get3A_489 = arith.index_cast %reduce_sum3A_411 : i32 to index
        %get3A_490 = arith.constant 112 : index
        %get3A_491 = tpu.vector_load %arg7[%get3A_489, %get3A_490] {strides = array<i32>} : memref<64x128xf32, #tpu.memory_space<vmem>>, vector<16xf32>,
        %max3A_492 = arith.maximumf %get3A_491, %get3A_488 : vector<16xf32>
        %swap3A_493 = arith.index_cast %reduce_sum3A_411 : i32 to index
        %swap3A_494 = arith.constant 112 : index
        %swap3A_495 = tpu.vector_load %arg7[%swap3A_493, %swap3A_494] {strides = array<i32>} : memref<64x128xf32, #tpu.memory_space<vmem>>, vector<16xf32>,
        tpu.vector_store %arg7[%swap3A_493, %swap3A_494], %max3A_492 {strides = array<i32>} : memref<64x128xf32, #tpu.memory_space<vmem>>, vector<16xf32>,
        %eq3A_496 = arith.constant 5 : i32
        %eq3A_497 = vector.broadcast %eq3A_496 : i32 to vector<16xi32>
        %eq3A_498 = arith.cmpi eq, %iota3A, %eq3A_497 : vector<16xi32>
        %jit3A_499 = arith.constant 0 : i32
        %broadcast_in_dim3A_500 = vector.broadcast %jit3A_499 : i32 to vector<16xi32>
        %select_n3A_501 = arith.select %eq3A_498, %get3A_32, %broadcast_in_dim3A_500 : vector<16xi1>, vector<16xi32>
        %reduce_sum3A_502 = arith.constant true
        %reduce_sum3A_503 = vector.broadcast %reduce_sum3A_502 : i1 to vector<16xi1>
        %reduce_sum3A_504 = tpu.scan <sum>, %select_n3A_501 masked %reduce_sum3A_503 : vector<16xi32>, vector<16xi1> -> vector<16xi32>
        %reduce_sum3A_505 = vector.extract %reduce_sum3A_504[15] : i32 from vector<16xi32>
        %mul3A_506 = arith.constant 16 : i32
        %mul3A_507 = arith.muli %add3A_29, %mul3A_506 : i32
        %add3A_508 = arith.constant 5 : i32
        %add3A_509 = arith.addi %mul3A_507, %add3A_508 : i32
        %get3A_510 = arith.index_cast %add3A_509 : i32 to index
        %get3A_511 = arith.constant 0 : index
        %get3A_512 = tpu.vector_load %arg5[%get3A_510, %get3A_511] {strides = array<i32>} : memref<400x128xf32, #tpu.memory_space<vmem>>, vector<16xf32>,
        %get3A_513 = arith.index_cast %reduce_sum3A_505 : i32 to index
        %get3A_514 = arith.constant 0 : index
        %get3A_515 = tpu.vector_load %arg7[%get3A_513, %get3A_514] {strides = array<i32>} : memref<64x128xf32, #tpu.memory_space<vmem>>, vector<16xf32>,
        %max3A_516 = arith.maximumf %get3A_515, %get3A_512 : vector<16xf32>
        %swap3A_517 = arith.index_cast %reduce_sum3A_505 : i32 to index
        %swap3A_518 = arith.constant 0 : index
        %swap3A_519 = tpu.vector_load %arg7[%swap3A_517, %swap3A_518] {strides = array<i32>} : memref<64x128xf32, #tpu.memory_space<vmem>>, vector<16xf32>,
        tpu.vector_store %arg7[%swap3A_517, %swap3A_518], %max3A_516 {strides = array<i32>} : memref<64x128xf32, #tpu.memory_space<vmem>>, vector<16xf32>,
        %get3A_520 = arith.index_cast %add3A_509 : i32 to index
        %get3A_521 = arith.constant 16 : index
        %get3A_522 = tpu.vector_load %arg5[%get3A_520, %get3A_521] {strides = array<i32>} : memref<400x128xf32, #tpu.memory_space<vmem>>, vector<16xf32>,
        %get3A_523 = arith.index_cast %reduce_sum3A_505 : i32 to index
        %get3A_524 = arith.constant 16 : index
        %get3A_525 = tpu.vector_load %arg7[%get3A_523, %get3A_524] {strides = array<i32>} : memref<64x128xf32, #tpu.memory_space<vmem>>, vector<16xf32>,
        %max3A_526 = arith.maximumf %get3A_525, %get3A_522 : vector<16xf32>
        %swap3A_527 = arith.index_cast %reduce_sum3A_505 : i32 to index
        %swap3A_528 = arith.constant 16 : index
        %swap3A_529 = tpu.vector_load %arg7[%swap3A_527, %swap3A_528] {strides = array<i32>} : memref<64x128xf32, #tpu.memory_space<vmem>>, vector<16xf32>,
        tpu.vector_store %arg7[%swap3A_527, %swap3A_528], %max3A_526 {strides = array<i32>} : memref<64x128xf32, #tpu.memory_space<vmem>>, vector<16xf32>,
        %get3A_530 = arith.index_cast %add3A_509 : i32 to index
        %get3A_531 = arith.constant 32 : index
        %get3A_532 = tpu.vector_load %arg5[%get3A_530, %get3A_531] {strides = array<i32>} : memref<400x128xf32, #tpu.memory_space<vmem>>, vector<16xf32>,
        %get3A_533 = arith.index_cast %reduce_sum3A_505 : i32 to index
        %get3A_534 = arith.constant 32 : index
        %get3A_535 = tpu.vector_load %arg7[%get3A_533, %get3A_534] {strides = array<i32>} : memref<64x128xf32, #tpu.memory_space<vmem>>, vector<16xf32>,
        %max3A_536 = arith.maximumf %get3A_535, %get3A_532 : vector<16xf32>
        %swap3A_537 = arith.index_cast %reduce_sum3A_505 : i32 to index
        %swap3A_538 = arith.constant 32 : index
        %swap3A_539 = tpu.vector_load %arg7[%swap3A_537, %swap3A_538] {strides = array<i32>} : memref<64x128xf32, #tpu.memory_space<vmem>>, vector<16xf32>,
        tpu.vector_store %arg7[%swap3A_537, %swap3A_538], %max3A_536 {strides = array<i32>} : memref<64x128xf32, #tpu.memory_space<vmem>>, vector<16xf32>,
        %get3A_540 = arith.index_cast %add3A_509 : i32 to index
        %get3A_541 = arith.constant 48 : index
        %get3A_542 = tpu.vector_load %arg5[%get3A_540, %get3A_541] {strides = array<i32>} : memref<400x128xf32, #tpu.memory_space<vmem>>, vector<16xf32>,
        %get3A_543 = arith.index_cast %reduce_sum3A_505 : i32 to index
        %get3A_544 = arith.constant 48 : index
        %get3A_545 = tpu.vector_load %arg7[%get3A_543, %get3A_544] {strides = array<i32>} : memref<64x128xf32, #tpu.memory_space<vmem>>, vector<16xf32>,
        %max3A_546 = arith.maximumf %get3A_545, %get3A_542 : vector<16xf32>
        %swap3A_547 = arith.index_cast %reduce_sum3A_505 : i32 to index
        %swap3A_548 = arith.constant 48 : index
        %swap3A_549 = tpu.vector_load %arg7[%swap3A_547, %swap3A_548] {strides = array<i32>} : memref<64x128xf32, #tpu.memory_space<vmem>>, vector<16xf32>,
        tpu.vector_store %arg7[%swap3A_547, %swap3A_548], %max3A_546 {strides = array<i32>} : memref<64x128xf32, #tpu.memory_space<vmem>>, vector<16xf32>,
        %get3A_550 = arith.index_cast %add3A_509 : i32 to index
        %get3A_551 = arith.constant 64 : index
        %get3A_552 = tpu.vector_load %arg5[%get3A_550, %get3A_551] {strides = array<i32>} : memref<400x128xf32, #tpu.memory_space<vmem>>, vector<16xf32>,
        %get3A_553 = arith.index_cast %reduce_sum3A_505 : i32 to index
        %get3A_554 = arith.constant 64 : index
        %get3A_555 = tpu.vector_load %arg7[%get3A_553, %get3A_554] {strides = array<i32>} : memref<64x128xf32, #tpu.memory_space<vmem>>, vector<16xf32>,
        %max3A_556 = arith.maximumf %get3A_555, %get3A_552 : vector<16xf32>
        %swap3A_557 = arith.index_cast %reduce_sum3A_505 : i32 to index
        %swap3A_558 = arith.constant 64 : index
        %swap3A_559 = tpu.vector_load %arg7[%swap3A_557, %swap3A_558] {strides = array<i32>} : memref<64x128xf32, #tpu.memory_space<vmem>>, vector<16xf32>,
        tpu.vector_store %arg7[%swap3A_557, %swap3A_558], %max3A_556 {strides = array<i32>} : memref<64x128xf32, #tpu.memory_space<vmem>>, vector<16xf32>,
        %get3A_560 = arith.index_cast %add3A_509 : i32 to index
        %get3A_561 = arith.constant 80 : index
        %get3A_562 = tpu.vector_load %arg5[%get3A_560, %get3A_561] {strides = array<i32>} : memref<400x128xf32, #tpu.memory_space<vmem>>, vector<16xf32>,
        %get3A_563 = arith.index_cast %reduce_sum3A_505 : i32 to index
        %get3A_564 = arith.constant 80 : index
        %get3A_565 = tpu.vector_load %arg7[%get3A_563, %get3A_564] {strides = array<i32>} : memref<64x128xf32, #tpu.memory_space<vmem>>, vector<16xf32>,
        %max3A_566 = arith.maximumf %get3A_565, %get3A_562 : vector<16xf32>
        %swap3A_567 = arith.index_cast %reduce_sum3A_505 : i32 to index
        %swap3A_568 = arith.constant 80 : index
        %swap3A_569 = tpu.vector_load %arg7[%swap3A_567, %swap3A_568] {strides = array<i32>} : memref<64x128xf32, #tpu.memory_space<vmem>>, vector<16xf32>,
        tpu.vector_store %arg7[%swap3A_567, %swap3A_568], %max3A_566 {strides = array<i32>} : memref<64x128xf32, #tpu.memory_space<vmem>>, vector<16xf32>,
        %get3A_570 = arith.index_cast %add3A_509 : i32 to index
        %get3A_571 = arith.constant 96 : index
        %get3A_572 = tpu.vector_load %arg5[%get3A_570, %get3A_571] {strides = array<i32>} : memref<400x128xf32, #tpu.memory_space<vmem>>, vector<16xf32>,
        %get3A_573 = arith.index_cast %reduce_sum3A_505 : i32 to index
        %get3A_574 = arith.constant 96 : index
        %get3A_575 = tpu.vector_load %arg7[%get3A_573, %get3A_574] {strides = array<i32>} : memref<64x128xf32, #tpu.memory_space<vmem>>, vector<16xf32>,
        %max3A_576 = arith.maximumf %get3A_575, %get3A_572 : vector<16xf32>
        %swap3A_577 = arith.index_cast %reduce_sum3A_505 : i32 to index
        %swap3A_578 = arith.constant 96 : index
        %swap3A_579 = tpu.vector_load %arg7[%swap3A_577, %swap3A_578] {strides = array<i32>} : memref<64x128xf32, #tpu.memory_space<vmem>>, vector<16xf32>,
        tpu.vector_store %arg7[%swap3A_577, %swap3A_578], %max3A_576 {strides = array<i32>} : memref<64x128xf32, #tpu.memory_space<vmem>>, vector<16xf32>,
        %get3A_580 = arith.index_cast %add3A_509 : i32 to index
        %get3A_581 = arith.constant 112 : index
        %get3A_582 = tpu.vector_load %arg5[%get3A_580, %get3A_581] {strides = array<i32>} : memref<400x128xf32, #tpu.memory_space<vmem>>, vector<16xf32>,
        %get3A_583 = arith.index_cast %reduce_sum3A_505 : i32 to index
        %get3A_584 = arith.constant 112 : index
        %get3A_585 = tpu.vector_load %arg7[%get3A_583, %get3A_584] {strides = array<i32>} : memref<64x128xf32, #tpu.memory_space<vmem>>, vector<16xf32>,
        %max3A_586 = arith.maximumf %get3A_585, %get3A_582 : vector<16xf32>
        %swap3A_587 = arith.index_cast %reduce_sum3A_505 : i32 to index
        %swap3A_588 = arith.constant 112 : index
        %swap3A_589 = tpu.vector_load %arg7[%swap3A_587, %swap3A_588] {strides = array<i32>} : memref<64x128xf32, #tpu.memory_space<vmem>>, vector<16xf32>,
        tpu.vector_store %arg7[%swap3A_587, %swap3A_588], %max3A_586 {strides = array<i32>} : memref<64x128xf32, #tpu.memory_space<vmem>>, vector<16xf32>,
        %eq3A_590 = arith.constant 6 : i32
        %eq3A_591 = vector.broadcast %eq3A_590 : i32 to vector<16xi32>
        %eq3A_592 = arith.cmpi eq, %iota3A, %eq3A_591 : vector<16xi32>
        %jit3A_593 = arith.constant 0 : i32
        %broadcast_in_dim3A_594 = vector.broadcast %jit3A_593 : i32 to vector<16xi32>
        %select_n3A_595 = arith.select %eq3A_592, %get3A_32, %broadcast_in_dim3A_594 : vector<16xi1>, vector<16xi32>
        %reduce_sum3A_596 = arith.constant true
        %reduce_sum3A_597 = vector.broadcast %reduce_sum3A_596 : i1 to vector<16xi1>
        %reduce_sum3A_598 = tpu.scan <sum>, %select_n3A_595 masked %reduce_sum3A_597 : vector<16xi32>, vector<16xi1> -> vector<16xi32>
        %reduce_sum3A_599 = vector.extract %reduce_sum3A_598[15] : i32 from vector<16xi32>
        %mul3A_600 = arith.constant 16 : i32
        %mul3A_601 = arith.muli %add3A_29, %mul3A_600 : i32
        %add3A_602 = arith.constant 6 : i32
        %add3A_603 = arith.addi %mul3A_601, %add3A_602 : i32
        %get3A_604 = arith.index_cast %add3A_603 : i32 to index
        %get3A_605 = arith.constant 0 : index
        %get3A_606 = tpu.vector_load %arg5[%get3A_604, %get3A_605] {strides = array<i32>} : memref<400x128xf32, #tpu.memory_space<vmem>>, vector<16xf32>,
        %get3A_607 = arith.index_cast %reduce_sum3A_599 : i32 to index
        %get3A_608 = arith.constant 0 : index
        %get3A_609 = tpu.vector_load %arg7[%get3A_607, %get3A_608] {strides = array<i32>} : memref<64x128xf32, #tpu.memory_space<vmem>>, vector<16xf32>,
        %max3A_610 = arith.maximumf %get3A_609, %get3A_606 : vector<16xf32>
        %swap3A_611 = arith.index_cast %reduce_sum3A_599 : i32 to index
        %swap3A_612 = arith.constant 0 : index
        %swap3A_613 = tpu.vector_load %arg7[%swap3A_611, %swap3A_612] {strides = array<i32>} : memref<64x128xf32, #tpu.memory_space<vmem>>, vector<16xf32>,
        tpu.vector_store %arg7[%swap3A_611, %swap3A_612], %max3A_610 {strides = array<i32>} : memref<64x128xf32, #tpu.memory_space<vmem>>, vector<16xf32>,
        %get3A_614 = arith.index_cast %add3A_603 : i32 to index
        %get3A_615 = arith.constant 16 : index
        %get3A_616 = tpu.vector_load %arg5[%get3A_614, %get3A_615] {strides = array<i32>} : memref<400x128xf32, #tpu.memory_space<vmem>>, vector<16xf32>,
        %get3A_617 = arith.index_cast %reduce_sum3A_599 : i32 to index
        %get3A_618 = arith.constant 16 : index
        %get3A_619 = tpu.vector_load %arg7[%get3A_617, %get3A_618] {strides = array<i32>} : memref<64x128xf32, #tpu.memory_space<vmem>>, vector<16xf32>,
        %max3A_620 = arith.maximumf %get3A_619, %get3A_616 : vector<16xf32>
        %swap3A_621 = arith.index_cast %reduce_sum3A_599 : i32 to index
        %swap3A_622 = arith.constant 16 : index
        %swap3A_623 = tpu.vector_load %arg7[%swap3A_621, %swap3A_622] {strides = array<i32>} : memref<64x128xf32, #tpu.memory_space<vmem>>, vector<16xf32>,
        tpu.vector_store %arg7[%swap3A_621, %swap3A_622], %max3A_620 {strides = array<i32>} : memref<64x128xf32, #tpu.memory_space<vmem>>, vector<16xf32>,
        %get3A_624 = arith.index_cast %add3A_603 : i32 to index
        %get3A_625 = arith.constant 32 : index
        %get3A_626 = tpu.vector_load %arg5[%get3A_624, %get3A_625] {strides = array<i32>} : memref<400x128xf32, #tpu.memory_space<vmem>>, vector<16xf32>,
        %get3A_627 = arith.index_cast %reduce_sum3A_599 : i32 to index
        %get3A_628 = arith.constant 32 : index
        %get3A_629 = tpu.vector_load %arg7[%get3A_627, %get3A_628] {strides = array<i32>} : memref<64x128xf32, #tpu.memory_space<vmem>>, vector<16xf32>,
        %max3A_630 = arith.maximumf %get3A_629, %get3A_626 : vector<16xf32>
        %swap3A_631 = arith.index_cast %reduce_sum3A_599 : i32 to index
        %swap3A_632 = arith.constant 32 : index
        %swap3A_633 = tpu.vector_load %arg7[%swap3A_631, %swap3A_632] {strides = array<i32>} : memref<64x128xf32, #tpu.memory_space<vmem>>, vector<16xf32>,
        tpu.vector_store %arg7[%swap3A_631, %swap3A_632], %max3A_630 {strides = array<i32>} : memref<64x128xf32, #tpu.memory_space<vmem>>, vector<16xf32>,
        %get3A_634 = arith.index_cast %add3A_603 : i32 to index
        %get3A_635 = arith.constant 48 : index
        %get3A_636 = tpu.vector_load %arg5[%get3A_634, %get3A_635] {strides = array<i32>} : memref<400x128xf32, #tpu.memory_space<vmem>>, vector<16xf32>,
        %get3A_637 = arith.index_cast %reduce_sum3A_599 : i32 to index
        %get3A_638 = arith.constant 48 : index
        %get3A_639 = tpu.vector_load %arg7[%get3A_637, %get3A_638] {strides = array<i32>} : memref<64x128xf32, #tpu.memory_space<vmem>>, vector<16xf32>,
        %max3A_640 = arith.maximumf %get3A_639, %get3A_636 : vector<16xf32>
        %swap3A_641 = arith.index_cast %reduce_sum3A_599 : i32 to index
        %swap3A_642 = arith.constant 48 : index
        %swap3A_643 = tpu.vector_load %arg7[%swap3A_641, %swap3A_642] {strides = array<i32>} : memref<64x128xf32, #tpu.memory_space<vmem>>, vector<16xf32>,
        tpu.vector_store %arg7[%swap3A_641, %swap3A_642], %max3A_640 {strides = array<i32>} : memref<64x128xf32, #tpu.memory_space<vmem>>, vector<16xf32>,
        %get3A_644 = arith.index_cast %add3A_603 : i32 to index
        %get3A_645 = arith.constant 64 : index
        %get3A_646 = tpu.vector_load %arg5[%get3A_644, %get3A_645] {strides = array<i32>} : memref<400x128xf32, #tpu.memory_space<vmem>>, vector<16xf32>,
        %get3A_647 = arith.index_cast %reduce_sum3A_599 : i32 to index
        %get3A_648 = arith.constant 64 : index
        %get3A_649 = tpu.vector_load %arg7[%get3A_647, %get3A_648] {strides = array<i32>} : memref<64x128xf32, #tpu.memory_space<vmem>>, vector<16xf32>,
        %max3A_650 = arith.maximumf %get3A_649, %get3A_646 : vector<16xf32>
        %swap3A_651 = arith.index_cast %reduce_sum3A_599 : i32 to index
        %swap3A_652 = arith.constant 64 : index
        %swap3A_653 = tpu.vector_load %arg7[%swap3A_651, %swap3A_652] {strides = array<i32>} : memref<64x128xf32, #tpu.memory_space<vmem>>, vector<16xf32>,
        tpu.vector_store %arg7[%swap3A_651, %swap3A_652], %max3A_650 {strides = array<i32>} : memref<64x128xf32, #tpu.memory_space<vmem>>, vector<16xf32>,
        %get3A_654 = arith.index_cast %add3A_603 : i32 to index
        %get3A_655 = arith.constant 80 : index
        %get3A_656 = tpu.vector_load %arg5[%get3A_654, %get3A_655] {strides = array<i32>} : memref<400x128xf32, #tpu.memory_space<vmem>>, vector<16xf32>,
        %get3A_657 = arith.index_cast %reduce_sum3A_599 : i32 to index
        %get3A_658 = arith.constant 80 : index
        %get3A_659 = tpu.vector_load %arg7[%get3A_657, %get3A_658] {strides = array<i32>} : memref<64x128xf32, #tpu.memory_space<vmem>>, vector<16xf32>,
        %max3A_660 = arith.maximumf %get3A_659, %get3A_656 : vector<16xf32>
        %swap3A_661 = arith.index_cast %reduce_sum3A_599 : i32 to index
        %swap3A_662 = arith.constant 80 : index
        %swap3A_663 = tpu.vector_load %arg7[%swap3A_661, %swap3A_662] {strides = array<i32>} : memref<64x128xf32, #tpu.memory_space<vmem>>, vector<16xf32>,
        tpu.vector_store %arg7[%swap3A_661, %swap3A_662], %max3A_660 {strides = array<i32>} : memref<64x128xf32, #tpu.memory_space<vmem>>, vector<16xf32>,
        %get3A_664 = arith.index_cast %add3A_603 : i32 to index
        %get3A_665 = arith.constant 96 : index
        %get3A_666 = tpu.vector_load %arg5[%get3A_664, %get3A_665] {strides = array<i32>} : memref<400x128xf32, #tpu.memory_space<vmem>>, vector<16xf32>,
        %get3A_667 = arith.index_cast %reduce_sum3A_599 : i32 to index
        %get3A_668 = arith.constant 96 : index
        %get3A_669 = tpu.vector_load %arg7[%get3A_667, %get3A_668] {strides = array<i32>} : memref<64x128xf32, #tpu.memory_space<vmem>>, vector<16xf32>,
        %max3A_670 = arith.maximumf %get3A_669, %get3A_666 : vector<16xf32>
        %swap3A_671 = arith.index_cast %reduce_sum3A_599 : i32 to index
        %swap3A_672 = arith.constant 96 : index
        %swap3A_673 = tpu.vector_load %arg7[%swap3A_671, %swap3A_672] {strides = array<i32>} : memref<64x128xf32, #tpu.memory_space<vmem>>, vector<16xf32>,
        tpu.vector_store %arg7[%swap3A_671, %swap3A_672], %max3A_670 {strides = array<i32>} : memref<64x128xf32, #tpu.memory_space<vmem>>, vector<16xf32>,
        %get3A_674 = arith.index_cast %add3A_603 : i32 to index
        %get3A_675 = arith.constant 112 : index
        %get3A_676 = tpu.vector_load %arg5[%get3A_674, %get3A_675] {strides = array<i32>} : memref<400x128xf32, #tpu.memory_space<vmem>>, vector<16xf32>,
        %get3A_677 = arith.index_cast %reduce_sum3A_599 : i32 to index
        %get3A_678 = arith.constant 112 : index
        %get3A_679 = tpu.vector_load %arg7[%get3A_677, %get3A_678] {strides = array<i32>} : memref<64x128xf32, #tpu.memory_space<vmem>>, vector<16xf32>,
        %max3A_680 = arith.maximumf %get3A_679, %get3A_676 : vector<16xf32>
        %swap3A_681 = arith.index_cast %reduce_sum3A_599 : i32 to index
        %swap3A_682 = arith.constant 112 : index
        %swap3A_683 = tpu.vector_load %arg7[%swap3A_681, %swap3A_682] {strides = array<i32>} : memref<64x128xf32, #tpu.memory_space<vmem>>, vector<16xf32>,
        tpu.vector_store %arg7[%swap3A_681, %swap3A_682], %max3A_680 {strides = array<i32>} : memref<64x128xf32, #tpu.memory_space<vmem>>, vector<16xf32>,
        %eq3A_684 = arith.constant 7 : i32
        %eq3A_685 = vector.broadcast %eq3A_684 : i32 to vector<16xi32>
        %eq3A_686 = arith.cmpi eq, %iota3A, %eq3A_685 : vector<16xi32>
        %jit3A_687 = arith.constant 0 : i32
        %broadcast_in_dim3A_688 = vector.broadcast %jit3A_687 : i32 to vector<16xi32>
        %select_n3A_689 = arith.select %eq3A_686, %get3A_32, %broadcast_in_dim3A_688 : vector<16xi1>, vector<16xi32>
        %reduce_sum3A_690 = arith.constant true
        %reduce_sum3A_691 = vector.broadcast %reduce_sum3A_690 : i1 to vector<16xi1>
        %reduce_sum3A_692 = tpu.scan <sum>, %select_n3A_689 masked %reduce_sum3A_691 : vector<16xi32>, vector<16xi1> -> vector<16xi32>
        %reduce_sum3A_693 = vector.extract %reduce_sum3A_692[15] : i32 from vector<16xi32>
        %mul3A_694 = arith.constant 16 : i32
        %mul3A_695 = arith.muli %add3A_29, %mul3A_694 : i32
        %add3A_696 = arith.constant 7 : i32
        %add3A_697 = arith.addi %mul3A_695, %add3A_696 : i32
        %get3A_698 = arith.index_cast %add3A_697 : i32 to index
        %get3A_699 = arith.constant 0 : index
        %get3A_700 = tpu.vector_load %arg5[%get3A_698, %get3A_699] {strides = array<i32>} : memref<400x128xf32, #tpu.memory_space<vmem>>, vector<16xf32>,
        %get3A_701 = arith.index_cast %reduce_sum3A_693 : i32 to index
        %get3A_702 = arith.constant 0 : index
        %get3A_703 = tpu.vector_load %arg7[%get3A_701, %get3A_702] {strides = array<i32>} : memref<64x128xf32, #tpu.memory_space<vmem>>, vector<16xf32>,
        %max3A_704 = arith.maximumf %get3A_703, %get3A_700 : vector<16xf32>
        %swap3A_705 = arith.index_cast %reduce_sum3A_693 : i32 to index
        %swap3A_706 = arith.constant 0 : index
        %swap3A_707 = tpu.vector_load %arg7[%swap3A_705, %swap3A_706] {strides = array<i32>} : memref<64x128xf32, #tpu.memory_space<vmem>>, vector<16xf32>,
        tpu.vector_store %arg7[%swap3A_705, %swap3A_706], %max3A_704 {strides = array<i32>} : memref<64x128xf32, #tpu.memory_space<vmem>>, vector<16xf32>,
        %get3A_708 = arith.index_cast %add3A_697 : i32 to index
        %get3A_709 = arith.constant 16 : index
        %get3A_710 = tpu.vector_load %arg5[%get3A_708, %get3A_709] {strides = array<i32>} : memref<400x128xf32, #tpu.memory_space<vmem>>, vector<16xf32>,
        %get3A_711 = arith.index_cast %reduce_sum3A_693 : i32 to index
        %get3A_712 = arith.constant 16 : index
        %get3A_713 = tpu.vector_load %arg7[%get3A_711, %get3A_712] {strides = array<i32>} : memref<64x128xf32, #tpu.memory_space<vmem>>, vector<16xf32>,
        %max3A_714 = arith.maximumf %get3A_713, %get3A_710 : vector<16xf32>
        %swap3A_715 = arith.index_cast %reduce_sum3A_693 : i32 to index
        %swap3A_716 = arith.constant 16 : index
        %swap3A_717 = tpu.vector_load %arg7[%swap3A_715, %swap3A_716] {strides = array<i32>} : memref<64x128xf32, #tpu.memory_space<vmem>>, vector<16xf32>,
        tpu.vector_store %arg7[%swap3A_715, %swap3A_716], %max3A_714 {strides = array<i32>} : memref<64x128xf32, #tpu.memory_space<vmem>>, vector<16xf32>,
        %get3A_718 = arith.index_cast %add3A_697 : i32 to index
        %get3A_719 = arith.constant 32 : index
        %get3A_720 = tpu.vector_load %arg5[%get3A_718, %get3A_719] {strides = array<i32>} : memref<400x128xf32, #tpu.memory_space<vmem>>, vector<16xf32>,
        %get3A_721 = arith.index_cast %reduce_sum3A_693 : i32 to index
        %get3A_722 = arith.constant 32 : index
        %get3A_723 = tpu.vector_load %arg7[%get3A_721, %get3A_722] {strides = array<i32>} : memref<64x128xf32, #tpu.memory_space<vmem>>, vector<16xf32>,
        %max3A_724 = arith.maximumf %get3A_723, %get3A_720 : vector<16xf32>
        %swap3A_725 = arith.index_cast %reduce_sum3A_693 : i32 to index
        %swap3A_726 = arith.constant 32 : index
        %swap3A_727 = tpu.vector_load %arg7[%swap3A_725, %swap3A_726] {strides = array<i32>} : memref<64x128xf32, #tpu.memory_space<vmem>>, vector<16xf32>,
        tpu.vector_store %arg7[%swap3A_725, %swap3A_726], %max3A_724 {strides = array<i32>} : memref<64x128xf32, #tpu.memory_space<vmem>>, vector<16xf32>,
        %get3A_728 = arith.index_cast %add3A_697 : i32 to index
        %get3A_729 = arith.constant 48 : index
        %get3A_730 = tpu.vector_load %arg5[%get3A_728, %get3A_729] {strides = array<i32>} : memref<400x128xf32, #tpu.memory_space<vmem>>, vector<16xf32>,
        %get3A_731 = arith.index_cast %reduce_sum3A_693 : i32 to index
        %get3A_732 = arith.constant 48 : index
        %get3A_733 = tpu.vector_load %arg7[%get3A_731, %get3A_732] {strides = array<i32>} : memref<64x128xf32, #tpu.memory_space<vmem>>, vector<16xf32>,
        %max3A_734 = arith.maximumf %get3A_733, %get3A_730 : vector<16xf32>
        %swap3A_735 = arith.index_cast %reduce_sum3A_693 : i32 to index
        %swap3A_736 = arith.constant 48 : index
        %swap3A_737 = tpu.vector_load %arg7[%swap3A_735, %swap3A_736] {strides = array<i32>} : memref<64x128xf32, #tpu.memory_space<vmem>>, vector<16xf32>,
        tpu.vector_store %arg7[%swap3A_735, %swap3A_736], %max3A_734 {strides = array<i32>} : memref<64x128xf32, #tpu.memory_space<vmem>>, vector<16xf32>,
        %get3A_738 = arith.index_cast %add3A_697 : i32 to index
        %get3A_739 = arith.constant 64 : index
        %get3A_740 = tpu.vector_load %arg5[%get3A_738, %get3A_739] {strides = array<i32>} : memref<400x128xf32, #tpu.memory_space<vmem>>, vector<16xf32>,
        %get3A_741 = arith.index_cast %reduce_sum3A_693 : i32 to index
        %get3A_742 = arith.constant 64 : index
        %get3A_743 = tpu.vector_load %arg7[%get3A_741, %get3A_742] {strides = array<i32>} : memref<64x128xf32, #tpu.memory_space<vmem>>, vector<16xf32>,
        %max3A_744 = arith.maximumf %get3A_743, %get3A_740 : vector<16xf32>
        %swap3A_745 = arith.index_cast %reduce_sum3A_693 : i32 to index
        %swap3A_746 = arith.constant 64 : index
        %swap3A_747 = tpu.vector_load %arg7[%swap3A_745, %swap3A_746] {strides = array<i32>} : memref<64x128xf32, #tpu.memory_space<vmem>>, vector<16xf32>,
        tpu.vector_store %arg7[%swap3A_745, %swap3A_746], %max3A_744 {strides = array<i32>} : memref<64x128xf32, #tpu.memory_space<vmem>>, vector<16xf32>,
        %get3A_748 = arith.index_cast %add3A_697 : i32 to index
        %get3A_749 = arith.constant 80 : index
        %get3A_750 = tpu.vector_load %arg5[%get3A_748, %get3A_749] {strides = array<i32>} : memref<400x128xf32, #tpu.memory_space<vmem>>, vector<16xf32>,
        %get3A_751 = arith.index_cast %reduce_sum3A_693 : i32 to index
        %get3A_752 = arith.constant 80 : index
        %get3A_753 = tpu.vector_load %arg7[%get3A_751, %get3A_752] {strides = array<i32>} : memref<64x128xf32, #tpu.memory_space<vmem>>, vector<16xf32>,
        %max3A_754 = arith.maximumf %get3A_753, %get3A_750 : vector<16xf32>
        %swap3A_755 = arith.index_cast %reduce_sum3A_693 : i32 to index
        %swap3A_756 = arith.constant 80 : index
        %swap3A_757 = tpu.vector_load %arg7[%swap3A_755, %swap3A_756] {strides = array<i32>} : memref<64x128xf32, #tpu.memory_space<vmem>>, vector<16xf32>,
        tpu.vector_store %arg7[%swap3A_755, %swap3A_756], %max3A_754 {strides = array<i32>} : memref<64x128xf32, #tpu.memory_space<vmem>>, vector<16xf32>,
        %get3A_758 = arith.index_cast %add3A_697 : i32 to index
        %get3A_759 = arith.constant 96 : index
        %get3A_760 = tpu.vector_load %arg5[%get3A_758, %get3A_759] {strides = array<i32>} : memref<400x128xf32, #tpu.memory_space<vmem>>, vector<16xf32>,
        %get3A_761 = arith.index_cast %reduce_sum3A_693 : i32 to index
        %get3A_762 = arith.constant 96 : index
        %get3A_763 = tpu.vector_load %arg7[%get3A_761, %get3A_762] {strides = array<i32>} : memref<64x128xf32, #tpu.memory_space<vmem>>, vector<16xf32>,
        %max3A_764 = arith.maximumf %get3A_763, %get3A_760 : vector<16xf32>
        %swap3A_765 = arith.index_cast %reduce_sum3A_693 : i32 to index
        %swap3A_766 = arith.constant 96 : index
        %swap3A_767 = tpu.vector_load %arg7[%swap3A_765, %swap3A_766] {strides = array<i32>} : memref<64x128xf32, #tpu.memory_space<vmem>>, vector<16xf32>,
        tpu.vector_store %arg7[%swap3A_765, %swap3A_766], %max3A_764 {strides = array<i32>} : memref<64x128xf32, #tpu.memory_space<vmem>>, vector<16xf32>,
        %get3A_768 = arith.index_cast %add3A_697 : i32 to index
        %get3A_769 = arith.constant 112 : index
        %get3A_770 = tpu.vector_load %arg5[%get3A_768, %get3A_769] {strides = array<i32>} : memref<400x128xf32, #tpu.memory_space<vmem>>, vector<16xf32>,
        %get3A_771 = arith.index_cast %reduce_sum3A_693 : i32 to index
        %get3A_772 = arith.constant 112 : index
        %get3A_773 = tpu.vector_load %arg7[%get3A_771, %get3A_772] {strides = array<i32>} : memref<64x128xf32, #tpu.memory_space<vmem>>, vector<16xf32>,
        %max3A_774 = arith.maximumf %get3A_773, %get3A_770 : vector<16xf32>
        %swap3A_775 = arith.index_cast %reduce_sum3A_693 : i32 to index
        %swap3A_776 = arith.constant 112 : index
        %swap3A_777 = tpu.vector_load %arg7[%swap3A_775, %swap3A_776] {strides = array<i32>} : memref<64x128xf32, #tpu.memory_space<vmem>>, vector<16xf32>,
        tpu.vector_store %arg7[%swap3A_775, %swap3A_776], %max3A_774 {strides = array<i32>} : memref<64x128xf32, #tpu.memory_space<vmem>>, vector<16xf32>,
        %eq3A_778 = arith.constant 8 : i32
        %eq3A_779 = vector.broadcast %eq3A_778 : i32 to vector<16xi32>
        %eq3A_780 = arith.cmpi eq, %iota3A, %eq3A_779 : vector<16xi32>
        %jit3A_781 = arith.constant 0 : i32
        %broadcast_in_dim3A_782 = vector.broadcast %jit3A_781 : i32 to vector<16xi32>
        %select_n3A_783 = arith.select %eq3A_780, %get3A_32, %broadcast_in_dim3A_782 : vector<16xi1>, vector<16xi32>
        %reduce_sum3A_784 = arith.constant true
        %reduce_sum3A_785 = vector.broadcast %reduce_sum3A_784 : i1 to vector<16xi1>
        %reduce_sum3A_786 = tpu.scan <sum>, %select_n3A_783 masked %reduce_sum3A_785 : vector<16xi32>, vector<16xi1> -> vector<16xi32>
        %reduce_sum3A_787 = vector.extract %reduce_sum3A_786[15] : i32 from vector<16xi32>
        %mul3A_788 = arith.constant 16 : i32
        %mul3A_789 = arith.muli %add3A_29, %mul3A_788 : i32
        %add3A_790 = arith.constant 8 : i32
        %add3A_791 = arith.addi %mul3A_789, %add3A_790 : i32
        %get3A_792 = arith.index_cast %add3A_791 : i32 to index
        %get3A_793 = arith.constant 0 : index
        %get3A_794 = tpu.vector_load %arg5[%get3A_792, %get3A_793] {strides = array<i32>} : memref<400x128xf32, #tpu.memory_space<vmem>>, vector<16xf32>,
        %get3A_795 = arith.index_cast %reduce_sum3A_787 : i32 to index
        %get3A_796 = arith.constant 0 : index
        %get3A_797 = tpu.vector_load %arg7[%get3A_795, %get3A_796] {strides = array<i32>} : memref<64x128xf32, #tpu.memory_space<vmem>>, vector<16xf32>,
        %max3A_798 = arith.maximumf %get3A_797, %get3A_794 : vector<16xf32>
        %swap3A_799 = arith.index_cast %reduce_sum3A_787 : i32 to index
        %swap3A_800 = arith.constant 0 : index
        %swap3A_801 = tpu.vector_load %arg7[%swap3A_799, %swap3A_800] {strides = array<i32>} : memref<64x128xf32, #tpu.memory_space<vmem>>, vector<16xf32>,
        tpu.vector_store %arg7[%swap3A_799, %swap3A_800], %max3A_798 {strides = array<i32>} : memref<64x128xf32, #tpu.memory_space<vmem>>, vector<16xf32>,
        %get3A_802 = arith.index_cast %add3A_791 : i32 to index
        %get3A_803 = arith.constant 16 : index
        %get3A_804 = tpu.vector_load %arg5[%get3A_802, %get3A_803] {strides = array<i32>} : memref<400x128xf32, #tpu.memory_space<vmem>>, vector<16xf32>,
        %get3A_805 = arith.index_cast %reduce_sum3A_787 : i32 to index
        %get3A_806 = arith.constant 16 : index
        %get3A_807 = tpu.vector_load %arg7[%get3A_805, %get3A_806] {strides = array<i32>} : memref<64x128xf32, #tpu.memory_space<vmem>>, vector<16xf32>,
        %max3A_808 = arith.maximumf %get3A_807, %get3A_804 : vector<16xf32>
        %swap3A_809 = arith.index_cast %reduce_sum3A_787 : i32 to index
        %swap3A_810 = arith.constant 16 : index
        %swap3A_811 = tpu.vector_load %arg7[%swap3A_809, %swap3A_810] {strides = array<i32>} : memref<64x128xf32, #tpu.memory_space<vmem>>, vector<16xf32>,
        tpu.vector_store %arg7[%swap3A_809, %swap3A_810], %max3A_808 {strides = array<i32>} : memref<64x128xf32, #tpu.memory_space<vmem>>, vector<16xf32>,
        %get3A_812 = arith.index_cast %add3A_791 : i32 to index
        %get3A_813 = arith.constant 32 : index
        %get3A_814 = tpu.vector_load %arg5[%get3A_812, %get3A_813] {strides = array<i32>} : memref<400x128xf32, #tpu.memory_space<vmem>>, vector<16xf32>,
        %get3A_815 = arith.index_cast %reduce_sum3A_787 : i32 to index
        %get3A_816 = arith.constant 32 : index
        %get3A_817 = tpu.vector_load %arg7[%get3A_815, %get3A_816] {strides = array<i32>} : memref<64x128xf32, #tpu.memory_space<vmem>>, vector<16xf32>,
        %max3A_818 = arith.maximumf %get3A_817, %get3A_814 : vector<16xf32>
        %swap3A_819 = arith.index_cast %reduce_sum3A_787 : i32 to index
        %swap3A_820 = arith.constant 32 : index
        %swap3A_821 = tpu.vector_load %arg7[%swap3A_819, %swap3A_820] {strides = array<i32>} : memref<64x128xf32, #tpu.memory_space<vmem>>, vector<16xf32>,
        tpu.vector_store %arg7[%swap3A_819, %swap3A_820], %max3A_818 {strides = array<i32>} : memref<64x128xf32, #tpu.memory_space<vmem>>, vector<16xf32>,
        %get3A_822 = arith.index_cast %add3A_791 : i32 to index
        %get3A_823 = arith.constant 48 : index
        %get3A_824 = tpu.vector_load %arg5[%get3A_822, %get3A_823] {strides = array<i32>} : memref<400x128xf32, #tpu.memory_space<vmem>>, vector<16xf32>,
        %get3A_825 = arith.index_cast %reduce_sum3A_787 : i32 to index
        %get3A_826 = arith.constant 48 : index
        %get3A_827 = tpu.vector_load %arg7[%get3A_825, %get3A_826] {strides = array<i32>} : memref<64x128xf32, #tpu.memory_space<vmem>>, vector<16xf32>,
        %max3A_828 = arith.maximumf %get3A_827, %get3A_824 : vector<16xf32>
        %swap3A_829 = arith.index_cast %reduce_sum3A_787 : i32 to index
        %swap3A_830 = arith.constant 48 : index
        %swap3A_831 = tpu.vector_load %arg7[%swap3A_829, %swap3A_830] {strides = array<i32>} : memref<64x128xf32, #tpu.memory_space<vmem>>, vector<16xf32>,
        tpu.vector_store %arg7[%swap3A_829, %swap3A_830], %max3A_828 {strides = array<i32>} : memref<64x128xf32, #tpu.memory_space<vmem>>, vector<16xf32>,
        %get3A_832 = arith.index_cast %add3A_791 : i32 to index
        %get3A_833 = arith.constant 64 : index
        %get3A_834 = tpu.vector_load %arg5[%get3A_832, %get3A_833] {strides = array<i32>} : memref<400x128xf32, #tpu.memory_space<vmem>>, vector<16xf32>,
        %get3A_835 = arith.index_cast %reduce_sum3A_787 : i32 to index
        %get3A_836 = arith.constant 64 : index
        %get3A_837 = tpu.vector_load %arg7[%get3A_835, %get3A_836] {strides = array<i32>} : memref<64x128xf32, #tpu.memory_space<vmem>>, vector<16xf32>,
        %max3A_838 = arith.maximumf %get3A_837, %get3A_834 : vector<16xf32>
        %swap3A_839 = arith.index_cast %reduce_sum3A_787 : i32 to index
        %swap3A_840 = arith.constant 64 : index
        %swap3A_841 = tpu.vector_load %arg7[%swap3A_839, %swap3A_840] {strides = array<i32>} : memref<64x128xf32, #tpu.memory_space<vmem>>, vector<16xf32>,
        tpu.vector_store %arg7[%swap3A_839, %swap3A_840], %max3A_838 {strides = array<i32>} : memref<64x128xf32, #tpu.memory_space<vmem>>, vector<16xf32>,
        %get3A_842 = arith.index_cast %add3A_791 : i32 to index
        %get3A_843 = arith.constant 80 : index
        %get3A_844 = tpu.vector_load %arg5[%get3A_842, %get3A_843] {strides = array<i32>} : memref<400x128xf32, #tpu.memory_space<vmem>>, vector<16xf32>,
        %get3A_845 = arith.index_cast %reduce_sum3A_787 : i32 to index
        %get3A_846 = arith.constant 80 : index
        %get3A_847 = tpu.vector_load %arg7[%get3A_845, %get3A_846] {strides = array<i32>} : memref<64x128xf32, #tpu.memory_space<vmem>>, vector<16xf32>,
        %max3A_848 = arith.maximumf %get3A_847, %get3A_844 : vector<16xf32>
        %swap3A_849 = arith.index_cast %reduce_sum3A_787 : i32 to index
        %swap3A_850 = arith.constant 80 : index
        %swap3A_851 = tpu.vector_load %arg7[%swap3A_849, %swap3A_850] {strides = array<i32>} : memref<64x128xf32, #tpu.memory_space<vmem>>, vector<16xf32>,
        tpu.vector_store %arg7[%swap3A_849, %swap3A_850], %max3A_848 {strides = array<i32>} : memref<64x128xf32, #tpu.memory_space<vmem>>, vector<16xf32>,
        %get3A_852 = arith.index_cast %add3A_791 : i32 to index
        %get3A_853 = arith.constant 96 : index
        %get3A_854 = tpu.vector_load %arg5[%get3A_852, %get3A_853] {strides = array<i32>} : memref<400x128xf32, #tpu.memory_space<vmem>>, vector<16xf32>,
        %get3A_855 = arith.index_cast %reduce_sum3A_787 : i32 to index
        %get3A_856 = arith.constant 96 : index
        %get3A_857 = tpu.vector_load %arg7[%get3A_855, %get3A_856] {strides = array<i32>} : memref<64x128xf32, #tpu.memory_space<vmem>>, vector<16xf32>,
        %max3A_858 = arith.maximumf %get3A_857, %get3A_854 : vector<16xf32>
        %swap3A_859 = arith.index_cast %reduce_sum3A_787 : i32 to index
        %swap3A_860 = arith.constant 96 : index
        %swap3A_861 = tpu.vector_load %arg7[%swap3A_859, %swap3A_860] {strides = array<i32>} : memref<64x128xf32, #tpu.memory_space<vmem>>, vector<16xf32>,
        tpu.vector_store %arg7[%swap3A_859, %swap3A_860], %max3A_858 {strides = array<i32>} : memref<64x128xf32, #tpu.memory_space<vmem>>, vector<16xf32>,
        %get3A_862 = arith.index_cast %add3A_791 : i32 to index
        %get3A_863 = arith.constant 112 : index
        %get3A_864 = tpu.vector_load %arg5[%get3A_862, %get3A_863] {strides = array<i32>} : memref<400x128xf32, #tpu.memory_space<vmem>>, vector<16xf32>,
        %get3A_865 = arith.index_cast %reduce_sum3A_787 : i32 to index
        %get3A_866 = arith.constant 112 : index
        %get3A_867 = tpu.vector_load %arg7[%get3A_865, %get3A_866] {strides = array<i32>} : memref<64x128xf32, #tpu.memory_space<vmem>>, vector<16xf32>,
        %max3A_868 = arith.maximumf %get3A_867, %get3A_864 : vector<16xf32>
        %swap3A_869 = arith.index_cast %reduce_sum3A_787 : i32 to index
        %swap3A_870 = arith.constant 112 : index
        %swap3A_871 = tpu.vector_load %arg7[%swap3A_869, %swap3A_870] {strides = array<i32>} : memref<64x128xf32, #tpu.memory_space<vmem>>, vector<16xf32>,
        tpu.vector_store %arg7[%swap3A_869, %swap3A_870], %max3A_868 {strides = array<i32>} : memref<64x128xf32, #tpu.memory_space<vmem>>, vector<16xf32>,
        %eq3A_872 = arith.constant 9 : i32
        %eq3A_873 = vector.broadcast %eq3A_872 : i32 to vector<16xi32>
        %eq3A_874 = arith.cmpi eq, %iota3A, %eq3A_873 : vector<16xi32>
        %jit3A_875 = arith.constant 0 : i32
        %broadcast_in_dim3A_876 = vector.broadcast %jit3A_875 : i32 to vector<16xi32>
        %select_n3A_877 = arith.select %eq3A_874, %get3A_32, %broadcast_in_dim3A_876 : vector<16xi1>, vector<16xi32>
        %reduce_sum3A_878 = arith.constant true
        %reduce_sum3A_879 = vector.broadcast %reduce_sum3A_878 : i1 to vector<16xi1>
        %reduce_sum3A_880 = tpu.scan <sum>, %select_n3A_877 masked %reduce_sum3A_879 : vector<16xi32>, vector<16xi1> -> vector<16xi32>
        %reduce_sum3A_881 = vector.extract %reduce_sum3A_880[15] : i32 from vector<16xi32>
        %mul3A_882 = arith.constant 16 : i32
        %mul3A_883 = arith.muli %add3A_29, %mul3A_882 : i32
        %add3A_884 = arith.constant 9 : i32
        %add3A_885 = arith.addi %mul3A_883, %add3A_884 : i32
        %get3A_886 = arith.index_cast %add3A_885 : i32 to index
        %get3A_887 = arith.constant 0 : index
        %get3A_888 = tpu.vector_load %arg5[%get3A_886, %get3A_887] {strides = array<i32>} : memref<400x128xf32, #tpu.memory_space<vmem>>, vector<16xf32>,
        %get3A_889 = arith.index_cast %reduce_sum3A_881 : i32 to index
        %get3A_890 = arith.constant 0 : index
        %get3A_891 = tpu.vector_load %arg7[%get3A_889, %get3A_890] {strides = array<i32>} : memref<64x128xf32, #tpu.memory_space<vmem>>, vector<16xf32>,
        %max3A_892 = arith.maximumf %get3A_891, %get3A_888 : vector<16xf32>
        %swap3A_893 = arith.index_cast %reduce_sum3A_881 : i32 to index
        %swap3A_894 = arith.constant 0 : index
        %swap3A_895 = tpu.vector_load %arg7[%swap3A_893, %swap3A_894] {strides = array<i32>} : memref<64x128xf32, #tpu.memory_space<vmem>>, vector<16xf32>,
        tpu.vector_store %arg7[%swap3A_893, %swap3A_894], %max3A_892 {strides = array<i32>} : memref<64x128xf32, #tpu.memory_space<vmem>>, vector<16xf32>,
        %get3A_896 = arith.index_cast %add3A_885 : i32 to index
        %get3A_897 = arith.constant 16 : index
        %get3A_898 = tpu.vector_load %arg5[%get3A_896, %get3A_897] {strides = array<i32>} : memref<400x128xf32, #tpu.memory_space<vmem>>, vector<16xf32>,
        %get3A_899 = arith.index_cast %reduce_sum3A_881 : i32 to index
        %get3A_900 = arith.constant 16 : index
        %get3A_901 = tpu.vector_load %arg7[%get3A_899, %get3A_900] {strides = array<i32>} : memref<64x128xf32, #tpu.memory_space<vmem>>, vector<16xf32>,
        %max3A_902 = arith.maximumf %get3A_901, %get3A_898 : vector<16xf32>
        %swap3A_903 = arith.index_cast %reduce_sum3A_881 : i32 to index
        %swap3A_904 = arith.constant 16 : index
        %swap3A_905 = tpu.vector_load %arg7[%swap3A_903, %swap3A_904] {strides = array<i32>} : memref<64x128xf32, #tpu.memory_space<vmem>>, vector<16xf32>,
        tpu.vector_store %arg7[%swap3A_903, %swap3A_904], %max3A_902 {strides = array<i32>} : memref<64x128xf32, #tpu.memory_space<vmem>>, vector<16xf32>,
        %get3A_906 = arith.index_cast %add3A_885 : i32 to index
        %get3A_907 = arith.constant 32 : index
        %get3A_908 = tpu.vector_load %arg5[%get3A_906, %get3A_907] {strides = array<i32>} : memref<400x128xf32, #tpu.memory_space<vmem>>, vector<16xf32>,
        %get3A_909 = arith.index_cast %reduce_sum3A_881 : i32 to index
        %get3A_910 = arith.constant 32 : index
        %get3A_911 = tpu.vector_load %arg7[%get3A_909, %get3A_910] {strides = array<i32>} : memref<64x128xf32, #tpu.memory_space<vmem>>, vector<16xf32>,
        %max3A_912 = arith.maximumf %get3A_911, %get3A_908 : vector<16xf32>
        %swap3A_913 = arith.index_cast %reduce_sum3A_881 : i32 to index
        %swap3A_914 = arith.constant 32 : index
        %swap3A_915 = tpu.vector_load %arg7[%swap3A_913, %swap3A_914] {strides = array<i32>} : memref<64x128xf32, #tpu.memory_space<vmem>>, vector<16xf32>,
        tpu.vector_store %arg7[%swap3A_913, %swap3A_914], %max3A_912 {strides = array<i32>} : memref<64x128xf32, #tpu.memory_space<vmem>>, vector<16xf32>,
        %get3A_916 = arith.index_cast %add3A_885 : i32 to index
        %get3A_917 = arith.constant 48 : index
        %get3A_918 = tpu.vector_load %arg5[%get3A_916, %get3A_917] {strides = array<i32>} : memref<400x128xf32, #tpu.memory_space<vmem>>, vector<16xf32>,
        %get3A_919 = arith.index_cast %reduce_sum3A_881 : i32 to index
        %get3A_920 = arith.constant 48 : index
        %get3A_921 = tpu.vector_load %arg7[%get3A_919, %get3A_920] {strides = array<i32>} : memref<64x128xf32, #tpu.memory_space<vmem>>, vector<16xf32>,
        %max3A_922 = arith.maximumf %get3A_921, %get3A_918 : vector<16xf32>
        %swap3A_923 = arith.index_cast %reduce_sum3A_881 : i32 to index
        %swap3A_924 = arith.constant 48 : index
        %swap3A_925 = tpu.vector_load %arg7[%swap3A_923, %swap3A_924] {strides = array<i32>} : memref<64x128xf32, #tpu.memory_space<vmem>>, vector<16xf32>,
        tpu.vector_store %arg7[%swap3A_923, %swap3A_924], %max3A_922 {strides = array<i32>} : memref<64x128xf32, #tpu.memory_space<vmem>>, vector<16xf32>,
        %get3A_926 = arith.index_cast %add3A_885 : i32 to index
        %get3A_927 = arith.constant 64 : index
        %get3A_928 = tpu.vector_load %arg5[%get3A_926, %get3A_927] {strides = array<i32>} : memref<400x128xf32, #tpu.memory_space<vmem>>, vector<16xf32>,
        %get3A_929 = arith.index_cast %reduce_sum3A_881 : i32 to index
        %get3A_930 = arith.constant 64 : index
        %get3A_931 = tpu.vector_load %arg7[%get3A_929, %get3A_930] {strides = array<i32>} : memref<64x128xf32, #tpu.memory_space<vmem>>, vector<16xf32>,
        %max3A_932 = arith.maximumf %get3A_931, %get3A_928 : vector<16xf32>
        %swap3A_933 = arith.index_cast %reduce_sum3A_881 : i32 to index
        %swap3A_934 = arith.constant 64 : index
        %swap3A_935 = tpu.vector_load %arg7[%swap3A_933, %swap3A_934] {strides = array<i32>} : memref<64x128xf32, #tpu.memory_space<vmem>>, vector<16xf32>,
        tpu.vector_store %arg7[%swap3A_933, %swap3A_934], %max3A_932 {strides = array<i32>} : memref<64x128xf32, #tpu.memory_space<vmem>>, vector<16xf32>,
        %get3A_936 = arith.index_cast %add3A_885 : i32 to index
        %get3A_937 = arith.constant 80 : index
        %get3A_938 = tpu.vector_load %arg5[%get3A_936, %get3A_937] {strides = array<i32>} : memref<400x128xf32, #tpu.memory_space<vmem>>, vector<16xf32>,
        %get3A_939 = arith.index_cast %reduce_sum3A_881 : i32 to index
        %get3A_940 = arith.constant 80 : index
        %get3A_941 = tpu.vector_load %arg7[%get3A_939, %get3A_940] {strides = array<i32>} : memref<64x128xf32, #tpu.memory_space<vmem>>, vector<16xf32>,
        %max3A_942 = arith.maximumf %get3A_941, %get3A_938 : vector<16xf32>
        %swap3A_943 = arith.index_cast %reduce_sum3A_881 : i32 to index
        %swap3A_944 = arith.constant 80 : index
        %swap3A_945 = tpu.vector_load %arg7[%swap3A_943, %swap3A_944] {strides = array<i32>} : memref<64x128xf32, #tpu.memory_space<vmem>>, vector<16xf32>,
        tpu.vector_store %arg7[%swap3A_943, %swap3A_944], %max3A_942 {strides = array<i32>} : memref<64x128xf32, #tpu.memory_space<vmem>>, vector<16xf32>,
        %get3A_946 = arith.index_cast %add3A_885 : i32 to index
        %get3A_947 = arith.constant 96 : index
        %get3A_948 = tpu.vector_load %arg5[%get3A_946, %get3A_947] {strides = array<i32>} : memref<400x128xf32, #tpu.memory_space<vmem>>, vector<16xf32>,
        %get3A_949 = arith.index_cast %reduce_sum3A_881 : i32 to index
        %get3A_950 = arith.constant 96 : index
        %get3A_951 = tpu.vector_load %arg7[%get3A_949, %get3A_950] {strides = array<i32>} : memref<64x128xf32, #tpu.memory_space<vmem>>, vector<16xf32>,
        %max3A_952 = arith.maximumf %get3A_951, %get3A_948 : vector<16xf32>
        %swap3A_953 = arith.index_cast %reduce_sum3A_881 : i32 to index
        %swap3A_954 = arith.constant 96 : index
        %swap3A_955 = tpu.vector_load %arg7[%swap3A_953, %swap3A_954] {strides = array<i32>} : memref<64x128xf32, #tpu.memory_space<vmem>>, vector<16xf32>,
        tpu.vector_store %arg7[%swap3A_953, %swap3A_954], %max3A_952 {strides = array<i32>} : memref<64x128xf32, #tpu.memory_space<vmem>>, vector<16xf32>,
        %get3A_956 = arith.index_cast %add3A_885 : i32 to index
        %get3A_957 = arith.constant 112 : index
        %get3A_958 = tpu.vector_load %arg5[%get3A_956, %get3A_957] {strides = array<i32>} : memref<400x128xf32, #tpu.memory_space<vmem>>, vector<16xf32>,
        %get3A_959 = arith.index_cast %reduce_sum3A_881 : i32 to index
        %get3A_960 = arith.constant 112 : index
        %get3A_961 = tpu.vector_load %arg7[%get3A_959, %get3A_960] {strides = array<i32>} : memref<64x128xf32, #tpu.memory_space<vmem>>, vector<16xf32>,
        %max3A_962 = arith.maximumf %get3A_961, %get3A_958 : vector<16xf32>
        %swap3A_963 = arith.index_cast %reduce_sum3A_881 : i32 to index
        %swap3A_964 = arith.constant 112 : index
        %swap3A_965 = tpu.vector_load %arg7[%swap3A_963, %swap3A_964] {strides = array<i32>} : memref<64x128xf32, #tpu.memory_space<vmem>>, vector<16xf32>,
        tpu.vector_store %arg7[%swap3A_963, %swap3A_964], %max3A_962 {strides = array<i32>} : memref<64x128xf32, #tpu.memory_space<vmem>>, vector<16xf32>,
        %eq3A_966 = arith.constant 10 : i32
        %eq3A_967 = vector.broadcast %eq3A_966 : i32 to vector<16xi32>
        %eq3A_968 = arith.cmpi eq, %iota3A, %eq3A_967 : vector<16xi32>
        %jit3A_969 = arith.constant 0 : i32
        %broadcast_in_dim3A_970 = vector.broadcast %jit3A_969 : i32 to vector<16xi32>
        %select_n3A_971 = arith.select %eq3A_968, %get3A_32, %broadcast_in_dim3A_970 : vector<16xi1>, vector<16xi32>
        %reduce_sum3A_972 = arith.constant true
        %reduce_sum3A_973 = vector.broadcast %reduce_sum3A_972 : i1 to vector<16xi1>
        %reduce_sum3A_974 = tpu.scan <sum>, %select_n3A_971 masked %reduce_sum3A_973 : vector<16xi32>, vector<16xi1> -> vector<16xi32>
        %reduce_sum3A_975 = vector.extract %reduce_sum3A_974[15] : i32 from vector<16xi32>
        %mul3A_976 = arith.constant 16 : i32
        %mul3A_977 = arith.muli %add3A_29, %mul3A_976 : i32
        %add3A_978 = arith.constant 10 : i32
        %add3A_979 = arith.addi %mul3A_977, %add3A_978 : i32
        %get3A_980 = arith.index_cast %add3A_979 : i32 to index
        %get3A_981 = arith.constant 0 : index
        %get3A_982 = tpu.vector_load %arg5[%get3A_980, %get3A_981] {strides = array<i32>} : memref<400x128xf32, #tpu.memory_space<vmem>>, vector<16xf32>,
        %get3A_983 = arith.index_cast %reduce_sum3A_975 : i32 to index
        %get3A_984 = arith.constant 0 : index
        %get3A_985 = tpu.vector_load %arg7[%get3A_983, %get3A_984] {strides = array<i32>} : memref<64x128xf32, #tpu.memory_space<vmem>>, vector<16xf32>,
        %max3A_986 = arith.maximumf %get3A_985, %get3A_982 : vector<16xf32>
        %swap3A_987 = arith.index_cast %reduce_sum3A_975 : i32 to index
        %swap3A_988 = arith.constant 0 : index
        %swap3A_989 = tpu.vector_load %arg7[%swap3A_987, %swap3A_988] {strides = array<i32>} : memref<64x128xf32, #tpu.memory_space<vmem>>, vector<16xf32>,
        tpu.vector_store %arg7[%swap3A_987, %swap3A_988], %max3A_986 {strides = array<i32>} : memref<64x128xf32, #tpu.memory_space<vmem>>, vector<16xf32>,
        %get3A_990 = arith.index_cast %add3A_979 : i32 to index
        %get3A_991 = arith.constant 16 : index
        %get3A_992 = tpu.vector_load %arg5[%get3A_990, %get3A_991] {strides = array<i32>} : memref<400x128xf32, #tpu.memory_space<vmem>>, vector<16xf32>,
        %get3A_993 = arith.index_cast %reduce_sum3A_975 : i32 to index
        %get3A_994 = arith.constant 16 : index
        %get3A_995 = tpu.vector_load %arg7[%get3A_993, %get3A_994] {strides = array<i32>} : memref<64x128xf32, #tpu.memory_space<vmem>>, vector<16xf32>,
        %max3A_996 = arith.maximumf %get3A_995, %get3A_992 : vector<16xf32>
        %swap3A_997 = arith.index_cast %reduce_sum3A_975 : i32 to index
        %swap3A_998 = arith.constant 16 : index
        %swap3A_999 = tpu.vector_load %arg7[%swap3A_997, %swap3A_998] {strides = array<i32>} : memref<64x128xf32, #tpu.memory_space<vmem>>, vector<16xf32>,
        tpu.vector_store %arg7[%swap3A_997, %swap3A_998], %max3A_996 {strides = array<i32>} : memref<64x128xf32, #tpu.memory_space<vmem>>, vector<16xf32>,
        %get3A_1000 = arith.index_cast %add3A_979 : i32 to index
        %get3A_1001 = arith.constant 32 : index
        %get3A_1002 = tpu.vector_load %arg5[%get3A_1000, %get3A_1001] {strides = array<i32>} : memref<400x128xf32, #tpu.memory_space<vmem>>, vector<16xf32>,
        %get3A_1003 = arith.index_cast %reduce_sum3A_975 : i32 to index
        %get3A_1004 = arith.constant 32 : index
        %get3A_1005 = tpu.vector_load %arg7[%get3A_1003, %get3A_1004] {strides = array<i32>} : memref<64x128xf32, #tpu.memory_space<vmem>>, vector<16xf32>,
        %max3A_1006 = arith.maximumf %get3A_1005, %get3A_1002 : vector<16xf32>
        %swap3A_1007 = arith.index_cast %reduce_sum3A_975 : i32 to index
        %swap3A_1008 = arith.constant 32 : index
        %swap3A_1009 = tpu.vector_load %arg7[%swap3A_1007, %swap3A_1008] {strides = array<i32>} : memref<64x128xf32, #tpu.memory_space<vmem>>, vector<16xf32>,
        tpu.vector_store %arg7[%swap3A_1007, %swap3A_1008], %max3A_1006 {strides = array<i32>} : memref<64x128xf32, #tpu.memory_space<vmem>>, vector<16xf32>,
        %get3A_1010 = arith.index_cast %add3A_979 : i32 to index
        %get3A_1011 = arith.constant 48 : index
        %get3A_1012 = tpu.vector_load %arg5[%get3A_1010, %get3A_1011] {strides = array<i32>} : memref<400x128xf32, #tpu.memory_space<vmem>>, vector<16xf32>,
        %get3A_1013 = arith.index_cast %reduce_sum3A_975 : i32 to index
        %get3A_1014 = arith.constant 48 : index
        %get3A_1015 = tpu.vector_load %arg7[%get3A_1013, %get3A_1014] {strides = array<i32>} : memref<64x128xf32, #tpu.memory_space<vmem>>, vector<16xf32>,
        %max3A_1016 = arith.maximumf %get3A_1015, %get3A_1012 : vector<16xf32>
        %swap3A_1017 = arith.index_cast %reduce_sum3A_975 : i32 to index
        %swap3A_1018 = arith.constant 48 : index
        %swap3A_1019 = tpu.vector_load %arg7[%swap3A_1017, %swap3A_1018] {strides = array<i32>} : memref<64x128xf32, #tpu.memory_space<vmem>>, vector<16xf32>,
        tpu.vector_store %arg7[%swap3A_1017, %swap3A_1018], %max3A_1016 {strides = array<i32>} : memref<64x128xf32, #tpu.memory_space<vmem>>, vector<16xf32>,
        %get3A_1020 = arith.index_cast %add3A_979 : i32 to index
        %get3A_1021 = arith.constant 64 : index
        %get3A_1022 = tpu.vector_load %arg5[%get3A_1020, %get3A_1021] {strides = array<i32>} : memref<400x128xf32, #tpu.memory_space<vmem>>, vector<16xf32>,
        %get3A_1023 = arith.index_cast %reduce_sum3A_975 : i32 to index
        %get3A_1024 = arith.constant 64 : index
        %get3A_1025 = tpu.vector_load %arg7[%get3A_1023, %get3A_1024] {strides = array<i32>} : memref<64x128xf32, #tpu.memory_space<vmem>>, vector<16xf32>,
        %max3A_1026 = arith.maximumf %get3A_1025, %get3A_1022 : vector<16xf32>
        %swap3A_1027 = arith.index_cast %reduce_sum3A_975 : i32 to index
        %swap3A_1028 = arith.constant 64 : index
        %swap3A_1029 = tpu.vector_load %arg7[%swap3A_1027, %swap3A_1028] {strides = array<i32>} : memref<64x128xf32, #tpu.memory_space<vmem>>, vector<16xf32>,
        tpu.vector_store %arg7[%swap3A_1027, %swap3A_1028], %max3A_1026 {strides = array<i32>} : memref<64x128xf32, #tpu.memory_space<vmem>>, vector<16xf32>,
        %get3A_1030 = arith.index_cast %add3A_979 : i32 to index
        %get3A_1031 = arith.constant 80 : index
        %get3A_1032 = tpu.vector_load %arg5[%get3A_1030, %get3A_1031] {strides = array<i32>} : memref<400x128xf32, #tpu.memory_space<vmem>>, vector<16xf32>,
        %get3A_1033 = arith.index_cast %reduce_sum3A_975 : i32 to index
        %get3A_1034 = arith.constant 80 : index
        %get3A_1035 = tpu.vector_load %arg7[%get3A_1033, %get3A_1034] {strides = array<i32>} : memref<64x128xf32, #tpu.memory_space<vmem>>, vector<16xf32>,
        %max3A_1036 = arith.maximumf %get3A_1035, %get3A_1032 : vector<16xf32>
        %swap3A_1037 = arith.index_cast %reduce_sum3A_975 : i32 to index
        %swap3A_1038 = arith.constant 80 : index
        %swap3A_1039 = tpu.vector_load %arg7[%swap3A_1037, %swap3A_1038] {strides = array<i32>} : memref<64x128xf32, #tpu.memory_space<vmem>>, vector<16xf32>,
        tpu.vector_store %arg7[%swap3A_1037, %swap3A_1038], %max3A_1036 {strides = array<i32>} : memref<64x128xf32, #tpu.memory_space<vmem>>, vector<16xf32>,
        %get3A_1040 = arith.index_cast %add3A_979 : i32 to index
        %get3A_1041 = arith.constant 96 : index
        %get3A_1042 = tpu.vector_load %arg5[%get3A_1040, %get3A_1041] {strides = array<i32>} : memref<400x128xf32, #tpu.memory_space<vmem>>, vector<16xf32>,
        %get3A_1043 = arith.index_cast %reduce_sum3A_975 : i32 to index
        %get3A_1044 = arith.constant 96 : index
        %get3A_1045 = tpu.vector_load %arg7[%get3A_1043, %get3A_1044] {strides = array<i32>} : memref<64x128xf32, #tpu.memory_space<vmem>>, vector<16xf32>,
        %max3A_1046 = arith.maximumf %get3A_1045, %get3A_1042 : vector<16xf32>
        %swap3A_1047 = arith.index_cast %reduce_sum3A_975 : i32 to index
        %swap3A_1048 = arith.constant 96 : index
        %swap3A_1049 = tpu.vector_load %arg7[%swap3A_1047, %swap3A_1048] {strides = array<i32>} : memref<64x128xf32, #tpu.memory_space<vmem>>, vector<16xf32>,
        tpu.vector_store %arg7[%swap3A_1047, %swap3A_1048], %max3A_1046 {strides = array<i32>} : memref<64x128xf32, #tpu.memory_space<vmem>>, vector<16xf32>,
        %get3A_1050 = arith.index_cast %add3A_979 : i32 to index
        %get3A_1051 = arith.constant 112 : index
        %get3A_1052 = tpu.vector_load %arg5[%get3A_1050, %get3A_1051] {strides = array<i32>} : memref<400x128xf32, #tpu.memory_space<vmem>>, vector<16xf32>,
        %get3A_1053 = arith.index_cast %reduce_sum3A_975 : i32 to index
        %get3A_1054 = arith.constant 112 : index
        %get3A_1055 = tpu.vector_load %arg7[%get3A_1053, %get3A_1054] {strides = array<i32>} : memref<64x128xf32, #tpu.memory_space<vmem>>, vector<16xf32>,
        %max3A_1056 = arith.maximumf %get3A_1055, %get3A_1052 : vector<16xf32>
        %swap3A_1057 = arith.index_cast %reduce_sum3A_975 : i32 to index
        %swap3A_1058 = arith.constant 112 : index
        %swap3A_1059 = tpu.vector_load %arg7[%swap3A_1057, %swap3A_1058] {strides = array<i32>} : memref<64x128xf32, #tpu.memory_space<vmem>>, vector<16xf32>,
        tpu.vector_store %arg7[%swap3A_1057, %swap3A_1058], %max3A_1056 {strides = array<i32>} : memref<64x128xf32, #tpu.memory_space<vmem>>, vector<16xf32>,
        %eq3A_1060 = arith.constant 11 : i32
        %eq3A_1061 = vector.broadcast %eq3A_1060 : i32 to vector<16xi32>
        %eq3A_1062 = arith.cmpi eq, %iota3A, %eq3A_1061 : vector<16xi32>
        %jit3A_1063 = arith.constant 0 : i32
        %broadcast_in_dim3A_1064 = vector.broadcast %jit3A_1063 : i32 to vector<16xi32>
        %select_n3A_1065 = arith.select %eq3A_1062, %get3A_32, %broadcast_in_dim3A_1064 : vector<16xi1>, vector<16xi32>
        %reduce_sum3A_1066 = arith.constant true
        %reduce_sum3A_1067 = vector.broadcast %reduce_sum3A_1066 : i1 to vector<16xi1>
        %reduce_sum3A_1068 = tpu.scan <sum>, %select_n3A_1065 masked %reduce_sum3A_1067 : vector<16xi32>, vector<16xi1> -> vector<16xi32>
        %reduce_sum3A_1069 = vector.extract %reduce_sum3A_1068[15] : i32 from vector<16xi32>
        %mul3A_1070 = arith.constant 16 : i32
        %mul3A_1071 = arith.muli %add3A_29, %mul3A_1070 : i32
        %add3A_1072 = arith.constant 11 : i32
        %add3A_1073 = arith.addi %mul3A_1071, %add3A_1072 : i32
        %get3A_1074 = arith.index_cast %add3A_1073 : i32 to index
        %get3A_1075 = arith.constant 0 : index
        %get3A_1076 = tpu.vector_load %arg5[%get3A_1074, %get3A_1075] {strides = array<i32>} : memref<400x128xf32, #tpu.memory_space<vmem>>, vector<16xf32>,
        %get3A_1077 = arith.index_cast %reduce_sum3A_1069 : i32 to index
        %get3A_1078 = arith.constant 0 : index
        %get3A_1079 = tpu.vector_load %arg7[%get3A_1077, %get3A_1078] {strides = array<i32>} : memref<64x128xf32, #tpu.memory_space<vmem>>, vector<16xf32>,
        %max3A_1080 = arith.maximumf %get3A_1079, %get3A_1076 : vector<16xf32>
        %swap3A_1081 = arith.index_cast %reduce_sum3A_1069 : i32 to index
        %swap3A_1082 = arith.constant 0 : index
        %swap3A_1083 = tpu.vector_load %arg7[%swap3A_1081, %swap3A_1082] {strides = array<i32>} : memref<64x128xf32, #tpu.memory_space<vmem>>, vector<16xf32>,
        tpu.vector_store %arg7[%swap3A_1081, %swap3A_1082], %max3A_1080 {strides = array<i32>} : memref<64x128xf32, #tpu.memory_space<vmem>>, vector<16xf32>,
        %get3A_1084 = arith.index_cast %add3A_1073 : i32 to index
        %get3A_1085 = arith.constant 16 : index
        %get3A_1086 = tpu.vector_load %arg5[%get3A_1084, %get3A_1085] {strides = array<i32>} : memref<400x128xf32, #tpu.memory_space<vmem>>, vector<16xf32>,
        %get3A_1087 = arith.index_cast %reduce_sum3A_1069 : i32 to index
        %get3A_1088 = arith.constant 16 : index
        %get3A_1089 = tpu.vector_load %arg7[%get3A_1087, %get3A_1088] {strides = array<i32>} : memref<64x128xf32, #tpu.memory_space<vmem>>, vector<16xf32>,
        %max3A_1090 = arith.maximumf %get3A_1089, %get3A_1086 : vector<16xf32>
        %swap3A_1091 = arith.index_cast %reduce_sum3A_1069 : i32 to index
        %swap3A_1092 = arith.constant 16 : index
        %swap3A_1093 = tpu.vector_load %arg7[%swap3A_1091, %swap3A_1092] {strides = array<i32>} : memref<64x128xf32, #tpu.memory_space<vmem>>, vector<16xf32>,
        tpu.vector_store %arg7[%swap3A_1091, %swap3A_1092], %max3A_1090 {strides = array<i32>} : memref<64x128xf32, #tpu.memory_space<vmem>>, vector<16xf32>,
        %get3A_1094 = arith.index_cast %add3A_1073 : i32 to index
        %get3A_1095 = arith.constant 32 : index
        %get3A_1096 = tpu.vector_load %arg5[%get3A_1094, %get3A_1095] {strides = array<i32>} : memref<400x128xf32, #tpu.memory_space<vmem>>, vector<16xf32>,
        %get3A_1097 = arith.index_cast %reduce_sum3A_1069 : i32 to index
        %get3A_1098 = arith.constant 32 : index
        %get3A_1099 = tpu.vector_load %arg7[%get3A_1097, %get3A_1098] {strides = array<i32>} : memref<64x128xf32, #tpu.memory_space<vmem>>, vector<16xf32>,
        %max3A_1100 = arith.maximumf %get3A_1099, %get3A_1096 : vector<16xf32>
        %swap3A_1101 = arith.index_cast %reduce_sum3A_1069 : i32 to index
        %swap3A_1102 = arith.constant 32 : index
        %swap3A_1103 = tpu.vector_load %arg7[%swap3A_1101, %swap3A_1102] {strides = array<i32>} : memref<64x128xf32, #tpu.memory_space<vmem>>, vector<16xf32>,
        tpu.vector_store %arg7[%swap3A_1101, %swap3A_1102], %max3A_1100 {strides = array<i32>} : memref<64x128xf32, #tpu.memory_space<vmem>>, vector<16xf32>,
        %get3A_1104 = arith.index_cast %add3A_1073 : i32 to index
        %get3A_1105 = arith.constant 48 : index
        %get3A_1106 = tpu.vector_load %arg5[%get3A_1104, %get3A_1105] {strides = array<i32>} : memref<400x128xf32, #tpu.memory_space<vmem>>, vector<16xf32>,
        %get3A_1107 = arith.index_cast %reduce_sum3A_1069 : i32 to index
        %get3A_1108 = arith.constant 48 : index
        %get3A_1109 = tpu.vector_load %arg7[%get3A_1107, %get3A_1108] {strides = array<i32>} : memref<64x128xf32, #tpu.memory_space<vmem>>, vector<16xf32>,
        %max3A_1110 = arith.maximumf %get3A_1109, %get3A_1106 : vector<16xf32>
        %swap3A_1111 = arith.index_cast %reduce_sum3A_1069 : i32 to index
        %swap3A_1112 = arith.constant 48 : index
        %swap3A_1113 = tpu.vector_load %arg7[%swap3A_1111, %swap3A_1112] {strides = array<i32>} : memref<64x128xf32, #tpu.memory_space<vmem>>, vector<16xf32>,
        tpu.vector_store %arg7[%swap3A_1111, %swap3A_1112], %max3A_1110 {strides = array<i32>} : memref<64x128xf32, #tpu.memory_space<vmem>>, vector<16xf32>,
        %get3A_1114 = arith.index_cast %add3A_1073 : i32 to index
        %get3A_1115 = arith.constant 64 : index
        %get3A_1116 = tpu.vector_load %arg5[%get3A_1114, %get3A_1115] {strides = array<i32>} : memref<400x128xf32, #tpu.memory_space<vmem>>, vector<16xf32>,
        %get3A_1117 = arith.index_cast %reduce_sum3A_1069 : i32 to index
        %get3A_1118 = arith.constant 64 : index
        %get3A_1119 = tpu.vector_load %arg7[%get3A_1117, %get3A_1118] {strides = array<i32>} : memref<64x128xf32, #tpu.memory_space<vmem>>, vector<16xf32>,
        %max3A_1120 = arith.maximumf %get3A_1119, %get3A_1116 : vector<16xf32>
        %swap3A_1121 = arith.index_cast %reduce_sum3A_1069 : i32 to index
        %swap3A_1122 = arith.constant 64 : index
        %swap3A_1123 = tpu.vector_load %arg7[%swap3A_1121, %swap3A_1122] {strides = array<i32>} : memref<64x128xf32, #tpu.memory_space<vmem>>, vector<16xf32>,
        tpu.vector_store %arg7[%swap3A_1121, %swap3A_1122], %max3A_1120 {strides = array<i32>} : memref<64x128xf32, #tpu.memory_space<vmem>>, vector<16xf32>,
        %get3A_1124 = arith.index_cast %add3A_1073 : i32 to index
        %get3A_1125 = arith.constant 80 : index
        %get3A_1126 = tpu.vector_load %arg5[%get3A_1124, %get3A_1125] {strides = array<i32>} : memref<400x128xf32, #tpu.memory_space<vmem>>, vector<16xf32>,
        %get3A_1127 = arith.index_cast %reduce_sum3A_1069 : i32 to index
        %get3A_1128 = arith.constant 80 : index
        %get3A_1129 = tpu.vector_load %arg7[%get3A_1127, %get3A_1128] {strides = array<i32>} : memref<64x128xf32, #tpu.memory_space<vmem>>, vector<16xf32>,
        %max3A_1130 = arith.maximumf %get3A_1129, %get3A_1126 : vector<16xf32>
        %swap3A_1131 = arith.index_cast %reduce_sum3A_1069 : i32 to index
        %swap3A_1132 = arith.constant 80 : index
        %swap3A_1133 = tpu.vector_load %arg7[%swap3A_1131, %swap3A_1132] {strides = array<i32>} : memref<64x128xf32, #tpu.memory_space<vmem>>, vector<16xf32>,
        tpu.vector_store %arg7[%swap3A_1131, %swap3A_1132], %max3A_1130 {strides = array<i32>} : memref<64x128xf32, #tpu.memory_space<vmem>>, vector<16xf32>,
        %get3A_1134 = arith.index_cast %add3A_1073 : i32 to index
        %get3A_1135 = arith.constant 96 : index
        %get3A_1136 = tpu.vector_load %arg5[%get3A_1134, %get3A_1135] {strides = array<i32>} : memref<400x128xf32, #tpu.memory_space<vmem>>, vector<16xf32>,
        %get3A_1137 = arith.index_cast %reduce_sum3A_1069 : i32 to index
        %get3A_1138 = arith.constant 96 : index
        %get3A_1139 = tpu.vector_load %arg7[%get3A_1137, %get3A_1138] {strides = array<i32>} : memref<64x128xf32, #tpu.memory_space<vmem>>, vector<16xf32>,
        %max3A_1140 = arith.maximumf %get3A_1139, %get3A_1136 : vector<16xf32>
        %swap3A_1141 = arith.index_cast %reduce_sum3A_1069 : i32 to index
        %swap3A_1142 = arith.constant 96 : index
        %swap3A_1143 = tpu.vector_load %arg7[%swap3A_1141, %swap3A_1142] {strides = array<i32>} : memref<64x128xf32, #tpu.memory_space<vmem>>, vector<16xf32>,
        tpu.vector_store %arg7[%swap3A_1141, %swap3A_1142], %max3A_1140 {strides = array<i32>} : memref<64x128xf32, #tpu.memory_space<vmem>>, vector<16xf32>,
        %get3A_1144 = arith.index_cast %add3A_1073 : i32 to index
        %get3A_1145 = arith.constant 112 : index
        %get3A_1146 = tpu.vector_load %arg5[%get3A_1144, %get3A_1145] {strides = array<i32>} : memref<400x128xf32, #tpu.memory_space<vmem>>, vector<16xf32>,
        %get3A_1147 = arith.index_cast %reduce_sum3A_1069 : i32 to index
        %get3A_1148 = arith.constant 112 : index
        %get3A_1149 = tpu.vector_load %arg7[%get3A_1147, %get3A_1148] {strides = array<i32>} : memref<64x128xf32, #tpu.memory_space<vmem>>, vector<16xf32>,
        %max3A_1150 = arith.maximumf %get3A_1149, %get3A_1146 : vector<16xf32>
        %swap3A_1151 = arith.index_cast %reduce_sum3A_1069 : i32 to index
        %swap3A_1152 = arith.constant 112 : index
        %swap3A_1153 = tpu.vector_load %arg7[%swap3A_1151, %swap3A_1152] {strides = array<i32>} : memref<64x128xf32, #tpu.memory_space<vmem>>, vector<16xf32>,
        tpu.vector_store %arg7[%swap3A_1151, %swap3A_1152], %max3A_1150 {strides = array<i32>} : memref<64x128xf32, #tpu.memory_space<vmem>>, vector<16xf32>,
        %eq3A_1154 = arith.constant 12 : i32
        %eq3A_1155 = vector.broadcast %eq3A_1154 : i32 to vector<16xi32>
        %eq3A_1156 = arith.cmpi eq, %iota3A, %eq3A_1155 : vector<16xi32>
        %jit3A_1157 = arith.constant 0 : i32
        %broadcast_in_dim3A_1158 = vector.broadcast %jit3A_1157 : i32 to vector<16xi32>
        %select_n3A_1159 = arith.select %eq3A_1156, %get3A_32, %broadcast_in_dim3A_1158 : vector<16xi1>, vector<16xi32>
        %reduce_sum3A_1160 = arith.constant true
        %reduce_sum3A_1161 = vector.broadcast %reduce_sum3A_1160 : i1 to vector<16xi1>
        %reduce_sum3A_1162 = tpu.scan <sum>, %select_n3A_1159 masked %reduce_sum3A_1161 : vector<16xi32>, vector<16xi1> -> vector<16xi32>
        %reduce_sum3A_1163 = vector.extract %reduce_sum3A_1162[15] : i32 from vector<16xi32>
        %mul3A_1164 = arith.constant 16 : i32
        %mul3A_1165 = arith.muli %add3A_29, %mul3A_1164 : i32
        %add3A_1166 = arith.constant 12 : i32
        %add3A_1167 = arith.addi %mul3A_1165, %add3A_1166 : i32
        %get3A_1168 = arith.index_cast %add3A_1167 : i32 to index
        %get3A_1169 = arith.constant 0 : index
        %get3A_1170 = tpu.vector_load %arg5[%get3A_1168, %get3A_1169] {strides = array<i32>} : memref<400x128xf32, #tpu.memory_space<vmem>>, vector<16xf32>,
        %get3A_1171 = arith.index_cast %reduce_sum3A_1163 : i32 to index
        %get3A_1172 = arith.constant 0 : index
        %get3A_1173 = tpu.vector_load %arg7[%get3A_1171, %get3A_1172] {strides = array<i32>} : memref<64x128xf32, #tpu.memory_space<vmem>>, vector<16xf32>,
        %max3A_1174 = arith.maximumf %get3A_1173, %get3A_1170 : vector<16xf32>
        %swap3A_1175 = arith.index_cast %reduce_sum3A_1163 : i32 to index
        %swap3A_1176 = arith.constant 0 : index
        %swap3A_1177 = tpu.vector_load %arg7[%swap3A_1175, %swap3A_1176] {strides = array<i32>} : memref<64x128xf32, #tpu.memory_space<vmem>>, vector<16xf32>,
        tpu.vector_store %arg7[%swap3A_1175, %swap3A_1176], %max3A_1174 {strides = array<i32>} : memref<64x128xf32, #tpu.memory_space<vmem>>, vector<16xf32>,
        %get3A_1178 = arith.index_cast %add3A_1167 : i32 to index
        %get3A_1179 = arith.constant 16 : index
        %get3A_1180 = tpu.vector_load %arg5[%get3A_1178, %get3A_1179] {strides = array<i32>} : memref<400x128xf32, #tpu.memory_space<vmem>>, vector<16xf32>,
        %get3A_1181 = arith.index_cast %reduce_sum3A_1163 : i32 to index
        %get3A_1182 = arith.constant 16 : index
        %get3A_1183 = tpu.vector_load %arg7[%get3A_1181, %get3A_1182] {strides = array<i32>} : memref<64x128xf32, #tpu.memory_space<vmem>>, vector<16xf32>,
        %max3A_1184 = arith.maximumf %get3A_1183, %get3A_1180 : vector<16xf32>
        %swap3A_1185 = arith.index_cast %reduce_sum3A_1163 : i32 to index
        %swap3A_1186 = arith.constant 16 : index
        %swap3A_1187 = tpu.vector_load %arg7[%swap3A_1185, %swap3A_1186] {strides = array<i32>} : memref<64x128xf32, #tpu.memory_space<vmem>>, vector<16xf32>,
        tpu.vector_store %arg7[%swap3A_1185, %swap3A_1186], %max3A_1184 {strides = array<i32>} : memref<64x128xf32, #tpu.memory_space<vmem>>, vector<16xf32>,
        %get3A_1188 = arith.index_cast %add3A_1167 : i32 to index
        %get3A_1189 = arith.constant 32 : index
        %get3A_1190 = tpu.vector_load %arg5[%get3A_1188, %get3A_1189] {strides = array<i32>} : memref<400x128xf32, #tpu.memory_space<vmem>>, vector<16xf32>,
        %get3A_1191 = arith.index_cast %reduce_sum3A_1163 : i32 to index
        %get3A_1192 = arith.constant 32 : index
        %get3A_1193 = tpu.vector_load %arg7[%get3A_1191, %get3A_1192] {strides = array<i32>} : memref<64x128xf32, #tpu.memory_space<vmem>>, vector<16xf32>,
        %max3A_1194 = arith.maximumf %get3A_1193, %get3A_1190 : vector<16xf32>
        %swap3A_1195 = arith.index_cast %reduce_sum3A_1163 : i32 to index
        %swap3A_1196 = arith.constant 32 : index
        %swap3A_1197 = tpu.vector_load %arg7[%swap3A_1195, %swap3A_1196] {strides = array<i32>} : memref<64x128xf32, #tpu.memory_space<vmem>>, vector<16xf32>,
        tpu.vector_store %arg7[%swap3A_1195, %swap3A_1196], %max3A_1194 {strides = array<i32>} : memref<64x128xf32, #tpu.memory_space<vmem>>, vector<16xf32>,
        %get3A_1198 = arith.index_cast %add3A_1167 : i32 to index
        %get3A_1199 = arith.constant 48 : index
        %get3A_1200 = tpu.vector_load %arg5[%get3A_1198, %get3A_1199] {strides = array<i32>} : memref<400x128xf32, #tpu.memory_space<vmem>>, vector<16xf32>,
        %get3A_1201 = arith.index_cast %reduce_sum3A_1163 : i32 to index
        %get3A_1202 = arith.constant 48 : index
        %get3A_1203 = tpu.vector_load %arg7[%get3A_1201, %get3A_1202] {strides = array<i32>} : memref<64x128xf32, #tpu.memory_space<vmem>>, vector<16xf32>,
        %max3A_1204 = arith.maximumf %get3A_1203, %get3A_1200 : vector<16xf32>
        %swap3A_1205 = arith.index_cast %reduce_sum3A_1163 : i32 to index
        %swap3A_1206 = arith.constant 48 : index
        %swap3A_1207 = tpu.vector_load %arg7[%swap3A_1205, %swap3A_1206] {strides = array<i32>} : memref<64x128xf32, #tpu.memory_space<vmem>>, vector<16xf32>,
        tpu.vector_store %arg7[%swap3A_1205, %swap3A_1206], %max3A_1204 {strides = array<i32>} : memref<64x128xf32, #tpu.memory_space<vmem>>, vector<16xf32>,
        %get3A_1208 = arith.index_cast %add3A_1167 : i32 to index
        %get3A_1209 = arith.constant 64 : index
        %get3A_1210 = tpu.vector_load %arg5[%get3A_1208, %get3A_1209] {strides = array<i32>} : memref<400x128xf32, #tpu.memory_space<vmem>>, vector<16xf32>,
        %get3A_1211 = arith.index_cast %reduce_sum3A_1163 : i32 to index
        %get3A_1212 = arith.constant 64 : index
        %get3A_1213 = tpu.vector_load %arg7[%get3A_1211, %get3A_1212] {strides = array<i32>} : memref<64x128xf32, #tpu.memory_space<vmem>>, vector<16xf32>,
        %max3A_1214 = arith.maximumf %get3A_1213, %get3A_1210 : vector<16xf32>
        %swap3A_1215 = arith.index_cast %reduce_sum3A_1163 : i32 to index
        %swap3A_1216 = arith.constant 64 : index
        %swap3A_1217 = tpu.vector_load %arg7[%swap3A_1215, %swap3A_1216] {strides = array<i32>} : memref<64x128xf32, #tpu.memory_space<vmem>>, vector<16xf32>,
        tpu.vector_store %arg7[%swap3A_1215, %swap3A_1216], %max3A_1214 {strides = array<i32>} : memref<64x128xf32, #tpu.memory_space<vmem>>, vector<16xf32>,
        %get3A_1218 = arith.index_cast %add3A_1167 : i32 to index
        %get3A_1219 = arith.constant 80 : index
        %get3A_1220 = tpu.vector_load %arg5[%get3A_1218, %get3A_1219] {strides = array<i32>} : memref<400x128xf32, #tpu.memory_space<vmem>>, vector<16xf32>,
        %get3A_1221 = arith.index_cast %reduce_sum3A_1163 : i32 to index
        %get3A_1222 = arith.constant 80 : index
        %get3A_1223 = tpu.vector_load %arg7[%get3A_1221, %get3A_1222] {strides = array<i32>} : memref<64x128xf32, #tpu.memory_space<vmem>>, vector<16xf32>,
        %max3A_1224 = arith.maximumf %get3A_1223, %get3A_1220 : vector<16xf32>
        %swap3A_1225 = arith.index_cast %reduce_sum3A_1163 : i32 to index
        %swap3A_1226 = arith.constant 80 : index
        %swap3A_1227 = tpu.vector_load %arg7[%swap3A_1225, %swap3A_1226] {strides = array<i32>} : memref<64x128xf32, #tpu.memory_space<vmem>>, vector<16xf32>,
        tpu.vector_store %arg7[%swap3A_1225, %swap3A_1226], %max3A_1224 {strides = array<i32>} : memref<64x128xf32, #tpu.memory_space<vmem>>, vector<16xf32>,
        %get3A_1228 = arith.index_cast %add3A_1167 : i32 to index
        %get3A_1229 = arith.constant 96 : index
        %get3A_1230 = tpu.vector_load %arg5[%get3A_1228, %get3A_1229] {strides = array<i32>} : memref<400x128xf32, #tpu.memory_space<vmem>>, vector<16xf32>,
        %get3A_1231 = arith.index_cast %reduce_sum3A_1163 : i32 to index
        %get3A_1232 = arith.constant 96 : index
        %get3A_1233 = tpu.vector_load %arg7[%get3A_1231, %get3A_1232] {strides = array<i32>} : memref<64x128xf32, #tpu.memory_space<vmem>>, vector<16xf32>,
        %max3A_1234 = arith.maximumf %get3A_1233, %get3A_1230 : vector<16xf32>
        %swap3A_1235 = arith.index_cast %reduce_sum3A_1163 : i32 to index
        %swap3A_1236 = arith.constant 96 : index
        %swap3A_1237 = tpu.vector_load %arg7[%swap3A_1235, %swap3A_1236] {strides = array<i32>} : memref<64x128xf32, #tpu.memory_space<vmem>>, vector<16xf32>,
        tpu.vector_store %arg7[%swap3A_1235, %swap3A_1236], %max3A_1234 {strides = array<i32>} : memref<64x128xf32, #tpu.memory_space<vmem>>, vector<16xf32>,
        %get3A_1238 = arith.index_cast %add3A_1167 : i32 to index
        %get3A_1239 = arith.constant 112 : index
        %get3A_1240 = tpu.vector_load %arg5[%get3A_1238, %get3A_1239] {strides = array<i32>} : memref<400x128xf32, #tpu.memory_space<vmem>>, vector<16xf32>,
        %get3A_1241 = arith.index_cast %reduce_sum3A_1163 : i32 to index
        %get3A_1242 = arith.constant 112 : index
        %get3A_1243 = tpu.vector_load %arg7[%get3A_1241, %get3A_1242] {strides = array<i32>} : memref<64x128xf32, #tpu.memory_space<vmem>>, vector<16xf32>,
        %max3A_1244 = arith.maximumf %get3A_1243, %get3A_1240 : vector<16xf32>
        %swap3A_1245 = arith.index_cast %reduce_sum3A_1163 : i32 to index
        %swap3A_1246 = arith.constant 112 : index
        %swap3A_1247 = tpu.vector_load %arg7[%swap3A_1245, %swap3A_1246] {strides = array<i32>} : memref<64x128xf32, #tpu.memory_space<vmem>>, vector<16xf32>,
        tpu.vector_store %arg7[%swap3A_1245, %swap3A_1246], %max3A_1244 {strides = array<i32>} : memref<64x128xf32, #tpu.memory_space<vmem>>, vector<16xf32>,
        %eq3A_1248 = arith.constant 13 : i32
        %eq3A_1249 = vector.broadcast %eq3A_1248 : i32 to vector<16xi32>
        %eq3A_1250 = arith.cmpi eq, %iota3A, %eq3A_1249 : vector<16xi32>
        %jit3A_1251 = arith.constant 0 : i32
        %broadcast_in_dim3A_1252 = vector.broadcast %jit3A_1251 : i32 to vector<16xi32>
        %select_n3A_1253 = arith.select %eq3A_1250, %get3A_32, %broadcast_in_dim3A_1252 : vector<16xi1>, vector<16xi32>
        %reduce_sum3A_1254 = arith.constant true
        %reduce_sum3A_1255 = vector.broadcast %reduce_sum3A_1254 : i1 to vector<16xi1>
        %reduce_sum3A_1256 = tpu.scan <sum>, %select_n3A_1253 masked %reduce_sum3A_1255 : vector<16xi32>, vector<16xi1> -> vector<16xi32>
        %reduce_sum3A_1257 = vector.extract %reduce_sum3A_1256[15] : i32 from vector<16xi32>
        %mul3A_1258 = arith.constant 16 : i32
        %mul3A_1259 = arith.muli %add3A_29, %mul3A_1258 : i32
        %add3A_1260 = arith.constant 13 : i32
        %add3A_1261 = arith.addi %mul3A_1259, %add3A_1260 : i32
        %get3A_1262 = arith.index_cast %add3A_1261 : i32 to index
        %get3A_1263 = arith.constant 0 : index
        %get3A_1264 = tpu.vector_load %arg5[%get3A_1262, %get3A_1263] {strides = array<i32>} : memref<400x128xf32, #tpu.memory_space<vmem>>, vector<16xf32>,
        %get3A_1265 = arith.index_cast %reduce_sum3A_1257 : i32 to index
        %get3A_1266 = arith.constant 0 : index
        %get3A_1267 = tpu.vector_load %arg7[%get3A_1265, %get3A_1266] {strides = array<i32>} : memref<64x128xf32, #tpu.memory_space<vmem>>, vector<16xf32>,
        %max3A_1268 = arith.maximumf %get3A_1267, %get3A_1264 : vector<16xf32>
        %swap3A_1269 = arith.index_cast %reduce_sum3A_1257 : i32 to index
        %swap3A_1270 = arith.constant 0 : index
        %swap3A_1271 = tpu.vector_load %arg7[%swap3A_1269, %swap3A_1270] {strides = array<i32>} : memref<64x128xf32, #tpu.memory_space<vmem>>, vector<16xf32>,
        tpu.vector_store %arg7[%swap3A_1269, %swap3A_1270], %max3A_1268 {strides = array<i32>} : memref<64x128xf32, #tpu.memory_space<vmem>>, vector<16xf32>,
        %get3A_1272 = arith.index_cast %add3A_1261 : i32 to index
        %get3A_1273 = arith.constant 16 : index
        %get3A_1274 = tpu.vector_load %arg5[%get3A_1272, %get3A_1273] {strides = array<i32>} : memref<400x128xf32, #tpu.memory_space<vmem>>, vector<16xf32>,
        %get3A_1275 = arith.index_cast %reduce_sum3A_1257 : i32 to index
        %get3A_1276 = arith.constant 16 : index
        %get3A_1277 = tpu.vector_load %arg7[%get3A_1275, %get3A_1276] {strides = array<i32>} : memref<64x128xf32, #tpu.memory_space<vmem>>, vector<16xf32>,
        %max3A_1278 = arith.maximumf %get3A_1277, %get3A_1274 : vector<16xf32>
        %swap3A_1279 = arith.index_cast %reduce_sum3A_1257 : i32 to index
        %swap3A_1280 = arith.constant 16 : index
        %swap3A_1281 = tpu.vector_load %arg7[%swap3A_1279, %swap3A_1280] {strides = array<i32>} : memref<64x128xf32, #tpu.memory_space<vmem>>, vector<16xf32>,
        tpu.vector_store %arg7[%swap3A_1279, %swap3A_1280], %max3A_1278 {strides = array<i32>} : memref<64x128xf32, #tpu.memory_space<vmem>>, vector<16xf32>,
        %get3A_1282 = arith.index_cast %add3A_1261 : i32 to index
        %get3A_1283 = arith.constant 32 : index
        %get3A_1284 = tpu.vector_load %arg5[%get3A_1282, %get3A_1283] {strides = array<i32>} : memref<400x128xf32, #tpu.memory_space<vmem>>, vector<16xf32>,
        %get3A_1285 = arith.index_cast %reduce_sum3A_1257 : i32 to index
        %get3A_1286 = arith.constant 32 : index
        %get3A_1287 = tpu.vector_load %arg7[%get3A_1285, %get3A_1286] {strides = array<i32>} : memref<64x128xf32, #tpu.memory_space<vmem>>, vector<16xf32>,
        %max3A_1288 = arith.maximumf %get3A_1287, %get3A_1284 : vector<16xf32>
        %swap3A_1289 = arith.index_cast %reduce_sum3A_1257 : i32 to index
        %swap3A_1290 = arith.constant 32 : index
        %swap3A_1291 = tpu.vector_load %arg7[%swap3A_1289, %swap3A_1290] {strides = array<i32>} : memref<64x128xf32, #tpu.memory_space<vmem>>, vector<16xf32>,
        tpu.vector_store %arg7[%swap3A_1289, %swap3A_1290], %max3A_1288 {strides = array<i32>} : memref<64x128xf32, #tpu.memory_space<vmem>>, vector<16xf32>,
        %get3A_1292 = arith.index_cast %add3A_1261 : i32 to index
        %get3A_1293 = arith.constant 48 : index
        %get3A_1294 = tpu.vector_load %arg5[%get3A_1292, %get3A_1293] {strides = array<i32>} : memref<400x128xf32, #tpu.memory_space<vmem>>, vector<16xf32>,
        %get3A_1295 = arith.index_cast %reduce_sum3A_1257 : i32 to index
        %get3A_1296 = arith.constant 48 : index
        %get3A_1297 = tpu.vector_load %arg7[%get3A_1295, %get3A_1296] {strides = array<i32>} : memref<64x128xf32, #tpu.memory_space<vmem>>, vector<16xf32>,
        %max3A_1298 = arith.maximumf %get3A_1297, %get3A_1294 : vector<16xf32>
        %swap3A_1299 = arith.index_cast %reduce_sum3A_1257 : i32 to index
        %swap3A_1300 = arith.constant 48 : index
        %swap3A_1301 = tpu.vector_load %arg7[%swap3A_1299, %swap3A_1300] {strides = array<i32>} : memref<64x128xf32, #tpu.memory_space<vmem>>, vector<16xf32>,
        tpu.vector_store %arg7[%swap3A_1299, %swap3A_1300], %max3A_1298 {strides = array<i32>} : memref<64x128xf32, #tpu.memory_space<vmem>>, vector<16xf32>,
        %get3A_1302 = arith.index_cast %add3A_1261 : i32 to index
        %get3A_1303 = arith.constant 64 : index
        %get3A_1304 = tpu.vector_load %arg5[%get3A_1302, %get3A_1303] {strides = array<i32>} : memref<400x128xf32, #tpu.memory_space<vmem>>, vector<16xf32>,
        %get3A_1305 = arith.index_cast %reduce_sum3A_1257 : i32 to index
        %get3A_1306 = arith.constant 64 : index
        %get3A_1307 = tpu.vector_load %arg7[%get3A_1305, %get3A_1306] {strides = array<i32>} : memref<64x128xf32, #tpu.memory_space<vmem>>, vector<16xf32>,
        %max3A_1308 = arith.maximumf %get3A_1307, %get3A_1304 : vector<16xf32>
        %swap3A_1309 = arith.index_cast %reduce_sum3A_1257 : i32 to index
        %swap3A_1310 = arith.constant 64 : index
        %swap3A_1311 = tpu.vector_load %arg7[%swap3A_1309, %swap3A_1310] {strides = array<i32>} : memref<64x128xf32, #tpu.memory_space<vmem>>, vector<16xf32>,
        tpu.vector_store %arg7[%swap3A_1309, %swap3A_1310], %max3A_1308 {strides = array<i32>} : memref<64x128xf32, #tpu.memory_space<vmem>>, vector<16xf32>,
        %get3A_1312 = arith.index_cast %add3A_1261 : i32 to index
        %get3A_1313 = arith.constant 80 : index
        %get3A_1314 = tpu.vector_load %arg5[%get3A_1312, %get3A_1313] {strides = array<i32>} : memref<400x128xf32, #tpu.memory_space<vmem>>, vector<16xf32>,
        %get3A_1315 = arith.index_cast %reduce_sum3A_1257 : i32 to index
        %get3A_1316 = arith.constant 80 : index
        %get3A_1317 = tpu.vector_load %arg7[%get3A_1315, %get3A_1316] {strides = array<i32>} : memref<64x128xf32, #tpu.memory_space<vmem>>, vector<16xf32>,
        %max3A_1318 = arith.maximumf %get3A_1317, %get3A_1314 : vector<16xf32>
        %swap3A_1319 = arith.index_cast %reduce_sum3A_1257 : i32 to index
        %swap3A_1320 = arith.constant 80 : index
        %swap3A_1321 = tpu.vector_load %arg7[%swap3A_1319, %swap3A_1320] {strides = array<i32>} : memref<64x128xf32, #tpu.memory_space<vmem>>, vector<16xf32>,
        tpu.vector_store %arg7[%swap3A_1319, %swap3A_1320], %max3A_1318 {strides = array<i32>} : memref<64x128xf32, #tpu.memory_space<vmem>>, vector<16xf32>,
        %get3A_1322 = arith.index_cast %add3A_1261 : i32 to index
        %get3A_1323 = arith.constant 96 : index
        %get3A_1324 = tpu.vector_load %arg5[%get3A_1322, %get3A_1323] {strides = array<i32>} : memref<400x128xf32, #tpu.memory_space<vmem>>, vector<16xf32>,
        %get3A_1325 = arith.index_cast %reduce_sum3A_1257 : i32 to index
        %get3A_1326 = arith.constant 96 : index
        %get3A_1327 = tpu.vector_load %arg7[%get3A_1325, %get3A_1326] {strides = array<i32>} : memref<64x128xf32, #tpu.memory_space<vmem>>, vector<16xf32>,
        %max3A_1328 = arith.maximumf %get3A_1327, %get3A_1324 : vector<16xf32>
        %swap3A_1329 = arith.index_cast %reduce_sum3A_1257 : i32 to index
        %swap3A_1330 = arith.constant 96 : index
        %swap3A_1331 = tpu.vector_load %arg7[%swap3A_1329, %swap3A_1330] {strides = array<i32>} : memref<64x128xf32, #tpu.memory_space<vmem>>, vector<16xf32>,
        tpu.vector_store %arg7[%swap3A_1329, %swap3A_1330], %max3A_1328 {strides = array<i32>} : memref<64x128xf32, #tpu.memory_space<vmem>>, vector<16xf32>,
        %get3A_1332 = arith.index_cast %add3A_1261 : i32 to index
        %get3A_1333 = arith.constant 112 : index
        %get3A_1334 = tpu.vector_load %arg5[%get3A_1332, %get3A_1333] {strides = array<i32>} : memref<400x128xf32, #tpu.memory_space<vmem>>, vector<16xf32>,
        %get3A_1335 = arith.index_cast %reduce_sum3A_1257 : i32 to index
        %get3A_1336 = arith.constant 112 : index
        %get3A_1337 = tpu.vector_load %arg7[%get3A_1335, %get3A_1336] {strides = array<i32>} : memref<64x128xf32, #tpu.memory_space<vmem>>, vector<16xf32>,
        %max3A_1338 = arith.maximumf %get3A_1337, %get3A_1334 : vector<16xf32>
        %swap3A_1339 = arith.index_cast %reduce_sum3A_1257 : i32 to index
        %swap3A_1340 = arith.constant 112 : index
        %swap3A_1341 = tpu.vector_load %arg7[%swap3A_1339, %swap3A_1340] {strides = array<i32>} : memref<64x128xf32, #tpu.memory_space<vmem>>, vector<16xf32>,
        tpu.vector_store %arg7[%swap3A_1339, %swap3A_1340], %max3A_1338 {strides = array<i32>} : memref<64x128xf32, #tpu.memory_space<vmem>>, vector<16xf32>,
        %eq3A_1342 = arith.constant 14 : i32
        %eq3A_1343 = vector.broadcast %eq3A_1342 : i32 to vector<16xi32>
        %eq3A_1344 = arith.cmpi eq, %iota3A, %eq3A_1343 : vector<16xi32>
        %jit3A_1345 = arith.constant 0 : i32
        %broadcast_in_dim3A_1346 = vector.broadcast %jit3A_1345 : i32 to vector<16xi32>
        %select_n3A_1347 = arith.select %eq3A_1344, %get3A_32, %broadcast_in_dim3A_1346 : vector<16xi1>, vector<16xi32>
        %reduce_sum3A_1348 = arith.constant true
        %reduce_sum3A_1349 = vector.broadcast %reduce_sum3A_1348 : i1 to vector<16xi1>
        %reduce_sum3A_1350 = tpu.scan <sum>, %select_n3A_1347 masked %reduce_sum3A_1349 : vector<16xi32>, vector<16xi1> -> vector<16xi32>
        %reduce_sum3A_1351 = vector.extract %reduce_sum3A_1350[15] : i32 from vector<16xi32>
        %mul3A_1352 = arith.constant 16 : i32
        %mul3A_1353 = arith.muli %add3A_29, %mul3A_1352 : i32
        %add3A_1354 = arith.constant 14 : i32
        %add3A_1355 = arith.addi %mul3A_1353, %add3A_1354 : i32
        %get3A_1356 = arith.index_cast %add3A_1355 : i32 to index
        %get3A_1357 = arith.constant 0 : index
        %get3A_1358 = tpu.vector_load %arg5[%get3A_1356, %get3A_1357] {strides = array<i32>} : memref<400x128xf32, #tpu.memory_space<vmem>>, vector<16xf32>,
        %get3A_1359 = arith.index_cast %reduce_sum3A_1351 : i32 to index
        %get3A_1360 = arith.constant 0 : index
        %get3A_1361 = tpu.vector_load %arg7[%get3A_1359, %get3A_1360] {strides = array<i32>} : memref<64x128xf32, #tpu.memory_space<vmem>>, vector<16xf32>,
        %max3A_1362 = arith.maximumf %get3A_1361, %get3A_1358 : vector<16xf32>
        %swap3A_1363 = arith.index_cast %reduce_sum3A_1351 : i32 to index
        %swap3A_1364 = arith.constant 0 : index
        %swap3A_1365 = tpu.vector_load %arg7[%swap3A_1363, %swap3A_1364] {strides = array<i32>} : memref<64x128xf32, #tpu.memory_space<vmem>>, vector<16xf32>,
        tpu.vector_store %arg7[%swap3A_1363, %swap3A_1364], %max3A_1362 {strides = array<i32>} : memref<64x128xf32, #tpu.memory_space<vmem>>, vector<16xf32>,
        %get3A_1366 = arith.index_cast %add3A_1355 : i32 to index
        %get3A_1367 = arith.constant 16 : index
        %get3A_1368 = tpu.vector_load %arg5[%get3A_1366, %get3A_1367] {strides = array<i32>} : memref<400x128xf32, #tpu.memory_space<vmem>>, vector<16xf32>,
        %get3A_1369 = arith.index_cast %reduce_sum3A_1351 : i32 to index
        %get3A_1370 = arith.constant 16 : index
        %get3A_1371 = tpu.vector_load %arg7[%get3A_1369, %get3A_1370] {strides = array<i32>} : memref<64x128xf32, #tpu.memory_space<vmem>>, vector<16xf32>,
        %max3A_1372 = arith.maximumf %get3A_1371, %get3A_1368 : vector<16xf32>
        %swap3A_1373 = arith.index_cast %reduce_sum3A_1351 : i32 to index
        %swap3A_1374 = arith.constant 16 : index
        %swap3A_1375 = tpu.vector_load %arg7[%swap3A_1373, %swap3A_1374] {strides = array<i32>} : memref<64x128xf32, #tpu.memory_space<vmem>>, vector<16xf32>,
        tpu.vector_store %arg7[%swap3A_1373, %swap3A_1374], %max3A_1372 {strides = array<i32>} : memref<64x128xf32, #tpu.memory_space<vmem>>, vector<16xf32>,
        %get3A_1376 = arith.index_cast %add3A_1355 : i32 to index
        %get3A_1377 = arith.constant 32 : index
        %get3A_1378 = tpu.vector_load %arg5[%get3A_1376, %get3A_1377] {strides = array<i32>} : memref<400x128xf32, #tpu.memory_space<vmem>>, vector<16xf32>,
        %get3A_1379 = arith.index_cast %reduce_sum3A_1351 : i32 to index
        %get3A_1380 = arith.constant 32 : index
        %get3A_1381 = tpu.vector_load %arg7[%get3A_1379, %get3A_1380] {strides = array<i32>} : memref<64x128xf32, #tpu.memory_space<vmem>>, vector<16xf32>,
        %max3A_1382 = arith.maximumf %get3A_1381, %get3A_1378 : vector<16xf32>
        %swap3A_1383 = arith.index_cast %reduce_sum3A_1351 : i32 to index
        %swap3A_1384 = arith.constant 32 : index
        %swap3A_1385 = tpu.vector_load %arg7[%swap3A_1383, %swap3A_1384] {strides = array<i32>} : memref<64x128xf32, #tpu.memory_space<vmem>>, vector<16xf32>,
        tpu.vector_store %arg7[%swap3A_1383, %swap3A_1384], %max3A_1382 {strides = array<i32>} : memref<64x128xf32, #tpu.memory_space<vmem>>, vector<16xf32>,
        %get3A_1386 = arith.index_cast %add3A_1355 : i32 to index
        %get3A_1387 = arith.constant 48 : index
        %get3A_1388 = tpu.vector_load %arg5[%get3A_1386, %get3A_1387] {strides = array<i32>} : memref<400x128xf32, #tpu.memory_space<vmem>>, vector<16xf32>,
        %get3A_1389 = arith.index_cast %reduce_sum3A_1351 : i32 to index
        %get3A_1390 = arith.constant 48 : index
        %get3A_1391 = tpu.vector_load %arg7[%get3A_1389, %get3A_1390] {strides = array<i32>} : memref<64x128xf32, #tpu.memory_space<vmem>>, vector<16xf32>,
        %max3A_1392 = arith.maximumf %get3A_1391, %get3A_1388 : vector<16xf32>
        %swap3A_1393 = arith.index_cast %reduce_sum3A_1351 : i32 to index
        %swap3A_1394 = arith.constant 48 : index
        %swap3A_1395 = tpu.vector_load %arg7[%swap3A_1393, %swap3A_1394] {strides = array<i32>} : memref<64x128xf32, #tpu.memory_space<vmem>>, vector<16xf32>,
        tpu.vector_store %arg7[%swap3A_1393, %swap3A_1394], %max3A_1392 {strides = array<i32>} : memref<64x128xf32, #tpu.memory_space<vmem>>, vector<16xf32>,
        %get3A_1396 = arith.index_cast %add3A_1355 : i32 to index
        %get3A_1397 = arith.constant 64 : index
        %get3A_1398 = tpu.vector_load %arg5[%get3A_1396, %get3A_1397] {strides = array<i32>} : memref<400x128xf32, #tpu.memory_space<vmem>>, vector<16xf32>,
        %get3A_1399 = arith.index_cast %reduce_sum3A_1351 : i32 to index
        %get3A_1400 = arith.constant 64 : index
        %get3A_1401 = tpu.vector_load %arg7[%get3A_1399, %get3A_1400] {strides = array<i32>} : memref<64x128xf32, #tpu.memory_space<vmem>>, vector<16xf32>,
        %max3A_1402 = arith.maximumf %get3A_1401, %get3A_1398 : vector<16xf32>
        %swap3A_1403 = arith.index_cast %reduce_sum3A_1351 : i32 to index
        %swap3A_1404 = arith.constant 64 : index
        %swap3A_1405 = tpu.vector_load %arg7[%swap3A_1403, %swap3A_1404] {strides = array<i32>} : memref<64x128xf32, #tpu.memory_space<vmem>>, vector<16xf32>,
        tpu.vector_store %arg7[%swap3A_1403, %swap3A_1404], %max3A_1402 {strides = array<i32>} : memref<64x128xf32, #tpu.memory_space<vmem>>, vector<16xf32>,
        %get3A_1406 = arith.index_cast %add3A_1355 : i32 to index
        %get3A_1407 = arith.constant 80 : index
        %get3A_1408 = tpu.vector_load %arg5[%get3A_1406, %get3A_1407] {strides = array<i32>} : memref<400x128xf32, #tpu.memory_space<vmem>>, vector<16xf32>,
        %get3A_1409 = arith.index_cast %reduce_sum3A_1351 : i32 to index
        %get3A_1410 = arith.constant 80 : index
        %get3A_1411 = tpu.vector_load %arg7[%get3A_1409, %get3A_1410] {strides = array<i32>} : memref<64x128xf32, #tpu.memory_space<vmem>>, vector<16xf32>,
        %max3A_1412 = arith.maximumf %get3A_1411, %get3A_1408 : vector<16xf32>
        %swap3A_1413 = arith.index_cast %reduce_sum3A_1351 : i32 to index
        %swap3A_1414 = arith.constant 80 : index
        %swap3A_1415 = tpu.vector_load %arg7[%swap3A_1413, %swap3A_1414] {strides = array<i32>} : memref<64x128xf32, #tpu.memory_space<vmem>>, vector<16xf32>,
        tpu.vector_store %arg7[%swap3A_1413, %swap3A_1414], %max3A_1412 {strides = array<i32>} : memref<64x128xf32, #tpu.memory_space<vmem>>, vector<16xf32>,
        %get3A_1416 = arith.index_cast %add3A_1355 : i32 to index
        %get3A_1417 = arith.constant 96 : index
        %get3A_1418 = tpu.vector_load %arg5[%get3A_1416, %get3A_1417] {strides = array<i32>} : memref<400x128xf32, #tpu.memory_space<vmem>>, vector<16xf32>,
        %get3A_1419 = arith.index_cast %reduce_sum3A_1351 : i32 to index
        %get3A_1420 = arith.constant 96 : index
        %get3A_1421 = tpu.vector_load %arg7[%get3A_1419, %get3A_1420] {strides = array<i32>} : memref<64x128xf32, #tpu.memory_space<vmem>>, vector<16xf32>,
        %max3A_1422 = arith.maximumf %get3A_1421, %get3A_1418 : vector<16xf32>
        %swap3A_1423 = arith.index_cast %reduce_sum3A_1351 : i32 to index
        %swap3A_1424 = arith.constant 96 : index
        %swap3A_1425 = tpu.vector_load %arg7[%swap3A_1423, %swap3A_1424] {strides = array<i32>} : memref<64x128xf32, #tpu.memory_space<vmem>>, vector<16xf32>,
        tpu.vector_store %arg7[%swap3A_1423, %swap3A_1424], %max3A_1422 {strides = array<i32>} : memref<64x128xf32, #tpu.memory_space<vmem>>, vector<16xf32>,
        %get3A_1426 = arith.index_cast %add3A_1355 : i32 to index
        %get3A_1427 = arith.constant 112 : index
        %get3A_1428 = tpu.vector_load %arg5[%get3A_1426, %get3A_1427] {strides = array<i32>} : memref<400x128xf32, #tpu.memory_space<vmem>>, vector<16xf32>,
        %get3A_1429 = arith.index_cast %reduce_sum3A_1351 : i32 to index
        %get3A_1430 = arith.constant 112 : index
        %get3A_1431 = tpu.vector_load %arg7[%get3A_1429, %get3A_1430] {strides = array<i32>} : memref<64x128xf32, #tpu.memory_space<vmem>>, vector<16xf32>,
        %max3A_1432 = arith.maximumf %get3A_1431, %get3A_1428 : vector<16xf32>
        %swap3A_1433 = arith.index_cast %reduce_sum3A_1351 : i32 to index
        %swap3A_1434 = arith.constant 112 : index
        %swap3A_1435 = tpu.vector_load %arg7[%swap3A_1433, %swap3A_1434] {strides = array<i32>} : memref<64x128xf32, #tpu.memory_space<vmem>>, vector<16xf32>,
        tpu.vector_store %arg7[%swap3A_1433, %swap3A_1434], %max3A_1432 {strides = array<i32>} : memref<64x128xf32, #tpu.memory_space<vmem>>, vector<16xf32>,
        %eq3A_1436 = arith.constant 15 : i32
        %eq3A_1437 = vector.broadcast %eq3A_1436 : i32 to vector<16xi32>
        %eq3A_1438 = arith.cmpi eq, %iota3A, %eq3A_1437 : vector<16xi32>
        %jit3A_1439 = arith.constant 0 : i32
        %broadcast_in_dim3A_1440 = vector.broadcast %jit3A_1439 : i32 to vector<16xi32>
        %select_n3A_1441 = arith.select %eq3A_1438, %get3A_32, %broadcast_in_dim3A_1440 : vector<16xi1>, vector<16xi32>
        %reduce_sum3A_1442 = arith.constant true
        %reduce_sum3A_1443 = vector.broadcast %reduce_sum3A_1442 : i1 to vector<16xi1>
        %reduce_sum3A_1444 = tpu.scan <sum>, %select_n3A_1441 masked %reduce_sum3A_1443 : vector<16xi32>, vector<16xi1> -> vector<16xi32>
        %reduce_sum3A_1445 = vector.extract %reduce_sum3A_1444[15] : i32 from vector<16xi32>
        %mul3A_1446 = arith.constant 16 : i32
        %mul3A_1447 = arith.muli %add3A_29, %mul3A_1446 : i32
        %add3A_1448 = arith.constant 15 : i32
        %add3A_1449 = arith.addi %mul3A_1447, %add3A_1448 : i32
        %get3A_1450 = arith.index_cast %add3A_1449 : i32 to index
        %get3A_1451 = arith.constant 0 : index
        %get3A_1452 = tpu.vector_load %arg5[%get3A_1450, %get3A_1451] {strides = array<i32>} : memref<400x128xf32, #tpu.memory_space<vmem>>, vector<16xf32>,
        %get3A_1453 = arith.index_cast %reduce_sum3A_1445 : i32 to index
        %get3A_1454 = arith.constant 0 : index
        %get3A_1455 = tpu.vector_load %arg7[%get3A_1453, %get3A_1454] {strides = array<i32>} : memref<64x128xf32, #tpu.memory_space<vmem>>, vector<16xf32>,
        %max3A_1456 = arith.maximumf %get3A_1455, %get3A_1452 : vector<16xf32>
        %swap3A_1457 = arith.index_cast %reduce_sum3A_1445 : i32 to index
        %swap3A_1458 = arith.constant 0 : index
        %swap3A_1459 = tpu.vector_load %arg7[%swap3A_1457, %swap3A_1458] {strides = array<i32>} : memref<64x128xf32, #tpu.memory_space<vmem>>, vector<16xf32>,
        tpu.vector_store %arg7[%swap3A_1457, %swap3A_1458], %max3A_1456 {strides = array<i32>} : memref<64x128xf32, #tpu.memory_space<vmem>>, vector<16xf32>,
        %get3A_1460 = arith.index_cast %add3A_1449 : i32 to index
        %get3A_1461 = arith.constant 16 : index
        %get3A_1462 = tpu.vector_load %arg5[%get3A_1460, %get3A_1461] {strides = array<i32>} : memref<400x128xf32, #tpu.memory_space<vmem>>, vector<16xf32>,
        %get3A_1463 = arith.index_cast %reduce_sum3A_1445 : i32 to index
        %get3A_1464 = arith.constant 16 : index
        %get3A_1465 = tpu.vector_load %arg7[%get3A_1463, %get3A_1464] {strides = array<i32>} : memref<64x128xf32, #tpu.memory_space<vmem>>, vector<16xf32>,
        %max3A_1466 = arith.maximumf %get3A_1465, %get3A_1462 : vector<16xf32>
        %swap3A_1467 = arith.index_cast %reduce_sum3A_1445 : i32 to index
        %swap3A_1468 = arith.constant 16 : index
        %swap3A_1469 = tpu.vector_load %arg7[%swap3A_1467, %swap3A_1468] {strides = array<i32>} : memref<64x128xf32, #tpu.memory_space<vmem>>, vector<16xf32>,
        tpu.vector_store %arg7[%swap3A_1467, %swap3A_1468], %max3A_1466 {strides = array<i32>} : memref<64x128xf32, #tpu.memory_space<vmem>>, vector<16xf32>,
        %get3A_1470 = arith.index_cast %add3A_1449 : i32 to index
        %get3A_1471 = arith.constant 32 : index
        %get3A_1472 = tpu.vector_load %arg5[%get3A_1470, %get3A_1471] {strides = array<i32>} : memref<400x128xf32, #tpu.memory_space<vmem>>, vector<16xf32>,
        %get3A_1473 = arith.index_cast %reduce_sum3A_1445 : i32 to index
        %get3A_1474 = arith.constant 32 : index
        %get3A_1475 = tpu.vector_load %arg7[%get3A_1473, %get3A_1474] {strides = array<i32>} : memref<64x128xf32, #tpu.memory_space<vmem>>, vector<16xf32>,
        %max3A_1476 = arith.maximumf %get3A_1475, %get3A_1472 : vector<16xf32>
        %swap3A_1477 = arith.index_cast %reduce_sum3A_1445 : i32 to index
        %swap3A_1478 = arith.constant 32 : index
        %swap3A_1479 = tpu.vector_load %arg7[%swap3A_1477, %swap3A_1478] {strides = array<i32>} : memref<64x128xf32, #tpu.memory_space<vmem>>, vector<16xf32>,
        tpu.vector_store %arg7[%swap3A_1477, %swap3A_1478], %max3A_1476 {strides = array<i32>} : memref<64x128xf32, #tpu.memory_space<vmem>>, vector<16xf32>,
        %get3A_1480 = arith.index_cast %add3A_1449 : i32 to index
        %get3A_1481 = arith.constant 48 : index
        %get3A_1482 = tpu.vector_load %arg5[%get3A_1480, %get3A_1481] {strides = array<i32>} : memref<400x128xf32, #tpu.memory_space<vmem>>, vector<16xf32>,
        %get3A_1483 = arith.index_cast %reduce_sum3A_1445 : i32 to index
        %get3A_1484 = arith.constant 48 : index
        %get3A_1485 = tpu.vector_load %arg7[%get3A_1483, %get3A_1484] {strides = array<i32>} : memref<64x128xf32, #tpu.memory_space<vmem>>, vector<16xf32>,
        %max3A_1486 = arith.maximumf %get3A_1485, %get3A_1482 : vector<16xf32>
        %swap3A_1487 = arith.index_cast %reduce_sum3A_1445 : i32 to index
        %swap3A_1488 = arith.constant 48 : index
        %swap3A_1489 = tpu.vector_load %arg7[%swap3A_1487, %swap3A_1488] {strides = array<i32>} : memref<64x128xf32, #tpu.memory_space<vmem>>, vector<16xf32>,
        tpu.vector_store %arg7[%swap3A_1487, %swap3A_1488], %max3A_1486 {strides = array<i32>} : memref<64x128xf32, #tpu.memory_space<vmem>>, vector<16xf32>,
        %get3A_1490 = arith.index_cast %add3A_1449 : i32 to index
        %get3A_1491 = arith.constant 64 : index
        %get3A_1492 = tpu.vector_load %arg5[%get3A_1490, %get3A_1491] {strides = array<i32>} : memref<400x128xf32, #tpu.memory_space<vmem>>, vector<16xf32>,
        %get3A_1493 = arith.index_cast %reduce_sum3A_1445 : i32 to index
        %get3A_1494 = arith.constant 64 : index
        %get3A_1495 = tpu.vector_load %arg7[%get3A_1493, %get3A_1494] {strides = array<i32>} : memref<64x128xf32, #tpu.memory_space<vmem>>, vector<16xf32>,
        %max3A_1496 = arith.maximumf %get3A_1495, %get3A_1492 : vector<16xf32>
        %swap3A_1497 = arith.index_cast %reduce_sum3A_1445 : i32 to index
        %swap3A_1498 = arith.constant 64 : index
        %swap3A_1499 = tpu.vector_load %arg7[%swap3A_1497, %swap3A_1498] {strides = array<i32>} : memref<64x128xf32, #tpu.memory_space<vmem>>, vector<16xf32>,
        tpu.vector_store %arg7[%swap3A_1497, %swap3A_1498], %max3A_1496 {strides = array<i32>} : memref<64x128xf32, #tpu.memory_space<vmem>>, vector<16xf32>,
        %get3A_1500 = arith.index_cast %add3A_1449 : i32 to index
        %get3A_1501 = arith.constant 80 : index
        %get3A_1502 = tpu.vector_load %arg5[%get3A_1500, %get3A_1501] {strides = array<i32>} : memref<400x128xf32, #tpu.memory_space<vmem>>, vector<16xf32>,
        %get3A_1503 = arith.index_cast %reduce_sum3A_1445 : i32 to index
        %get3A_1504 = arith.constant 80 : index
        %get3A_1505 = tpu.vector_load %arg7[%get3A_1503, %get3A_1504] {strides = array<i32>} : memref<64x128xf32, #tpu.memory_space<vmem>>, vector<16xf32>,
        %max3A_1506 = arith.maximumf %get3A_1505, %get3A_1502 : vector<16xf32>
        %swap3A_1507 = arith.index_cast %reduce_sum3A_1445 : i32 to index
        %swap3A_1508 = arith.constant 80 : index
        %swap3A_1509 = tpu.vector_load %arg7[%swap3A_1507, %swap3A_1508] {strides = array<i32>} : memref<64x128xf32, #tpu.memory_space<vmem>>, vector<16xf32>,
        tpu.vector_store %arg7[%swap3A_1507, %swap3A_1508], %max3A_1506 {strides = array<i32>} : memref<64x128xf32, #tpu.memory_space<vmem>>, vector<16xf32>,
        %get3A_1510 = arith.index_cast %add3A_1449 : i32 to index
        %get3A_1511 = arith.constant 96 : index
        %get3A_1512 = tpu.vector_load %arg5[%get3A_1510, %get3A_1511] {strides = array<i32>} : memref<400x128xf32, #tpu.memory_space<vmem>>, vector<16xf32>,
        %get3A_1513 = arith.index_cast %reduce_sum3A_1445 : i32 to index
        %get3A_1514 = arith.constant 96 : index
        %get3A_1515 = tpu.vector_load %arg7[%get3A_1513, %get3A_1514] {strides = array<i32>} : memref<64x128xf32, #tpu.memory_space<vmem>>, vector<16xf32>,
        %max3A_1516 = arith.maximumf %get3A_1515, %get3A_1512 : vector<16xf32>
        %swap3A_1517 = arith.index_cast %reduce_sum3A_1445 : i32 to index
        %swap3A_1518 = arith.constant 96 : index
        %swap3A_1519 = tpu.vector_load %arg7[%swap3A_1517, %swap3A_1518] {strides = array<i32>} : memref<64x128xf32, #tpu.memory_space<vmem>>, vector<16xf32>,
        tpu.vector_store %arg7[%swap3A_1517, %swap3A_1518], %max3A_1516 {strides = array<i32>} : memref<64x128xf32, #tpu.memory_space<vmem>>, vector<16xf32>,
        %get3A_1520 = arith.index_cast %add3A_1449 : i32 to index
        %get3A_1521 = arith.constant 112 : index
        %get3A_1522 = tpu.vector_load %arg5[%get3A_1520, %get3A_1521] {strides = array<i32>} : memref<400x128xf32, #tpu.memory_space<vmem>>, vector<16xf32>,
        %get3A_1523 = arith.index_cast %reduce_sum3A_1445 : i32 to index
        %get3A_1524 = arith.constant 112 : index
        %get3A_1525 = tpu.vector_load %arg7[%get3A_1523, %get3A_1524] {strides = array<i32>} : memref<64x128xf32, #tpu.memory_space<vmem>>, vector<16xf32>,
        %max3A_1526 = arith.maximumf %get3A_1525, %get3A_1522 : vector<16xf32>
        %swap3A_1527 = arith.index_cast %reduce_sum3A_1445 : i32 to index
        %swap3A_1528 = arith.constant 112 : index
        %swap3A_1529 = tpu.vector_load %arg7[%swap3A_1527, %swap3A_1528] {strides = array<i32>} : memref<64x128xf32, #tpu.memory_space<vmem>>, vector<16xf32>,
        tpu.vector_store %arg7[%swap3A_1527, %swap3A_1528], %max3A_1526 {strides = array<i32>} : memref<64x128xf32, #tpu.memory_space<vmem>>, vector<16xf32>,
      }
      %scan3A_24 = arith.constant 25 : i32
    }
    %scan3A_11 = arith.constant 25 : i32
    "tpu.region"() ({
      %run_scoped3A = tpu.sem_alloc : memref<!tpu.dma_semaphore, #tpu.memory_space<semaphore_mem>>
      %dma_start3A = arith.constant 0 : i32
      %dma_start3A_12 = arith.constant 0 : i32
      %dma_start3A_13 = tpu.memref_slice %arg4[%add3A, %dma_start3A, %dma_start3A_12] : memref<32x64x128xf32, #tpu.memory_space<hbm>> -> memref<1x64x128xf32, #tpu.memory_space<hbm>>
      %dma_start3A_14 = tpu.memref_squeeze %dma_start3A_13 : memref<1x64x128xf32, #tpu.memory_space<hbm>> -> memref<64x128xf32, #tpu.memory_space<hbm>>
      %dma_start3A_15 = arith.constant 0 : i32
      %dma_start3A_16 = arith.constant 0 : i32
      %dma_start3A_17 = tpu.memref_slice %arg4[%add3A, %dma_start3A_15, %dma_start3A_16] : memref<32x64x128xf32, #tpu.memory_space<hbm>> -> memref<1x64x128xf32, #tpu.memory_space<hbm>>
      %dma_start3A_18 = tpu.memref_squeeze %dma_start3A_17 : memref<1x64x128xf32, #tpu.memory_space<hbm>> -> memref<64x128xf32, #tpu.memory_space<hbm>>
      tpu.enqueue_dma source(%arg7 : memref<64x128xf32, #tpu.memory_space<vmem>>) target(%dma_start3A_18 : memref<64x128xf32, #tpu.memory_space<hbm>>) target_semaphore(%run_scoped3A : memref<!tpu.dma_semaphore, #tpu.memory_space<semaphore_mem>>)
      %dma_wait3A = arith.constant 0 : i32
      %dma_wait3A_19 = arith.constant 0 : i32
      %dma_wait3A_20 = tpu.memref_slice %arg4[%add3A, %dma_wait3A, %dma_wait3A_19] : memref<32x64x128xf32, #tpu.memory_space<hbm>> -> memref<1x64x128xf32, #tpu.memory_space<hbm>>
      %dma_wait3A_21 = tpu.memref_squeeze %dma_wait3A_20 : memref<1x64x128xf32, #tpu.memory_space<hbm>> -> memref<64x128xf32, #tpu.memory_space<hbm>>
      %dma_wait3A_22 = arith.constant 0 : i32
      %dma_wait3A_23 = arith.constant 0 : i32
      %dma_wait3A_24 = tpu.memref_slice %arg4[%add3A, %dma_wait3A_22, %dma_wait3A_23] : memref<32x64x128xf32, #tpu.memory_space<hbm>> -> memref<1x64x128xf32, #tpu.memory_space<hbm>>
      %dma_wait3A_25 = tpu.memref_squeeze %dma_wait3A_24 : memref<1x64x128xf32, #tpu.memory_space<hbm>> -> memref<64x128xf32, #tpu.memory_space<hbm>>
      tpu.wait_dma2 semaphore(%run_scoped3A : memref<!tpu.dma_semaphore, #tpu.memory_space<semaphore_mem>>) src(%arg7 : memref<64x128xf32, #tpu.memory_space<vmem>>) dst(%dma_wait3A_25 : memref<64x128xf32, #tpu.memory_space<hbm>>)
      tpu.yield
    }) : () -> ()
    return
  }
}

module attributes {stable_mosaic.version = 14 : i64} {
  func.func @_stage_e_body(%arg0: memref<32x64x128xf32, #tpu.memory_space<vmem>>, %arg1: memref<128x128xf32, #tpu.memory_space<vmem>>, %arg2: memref<1x128xf32, #tpu.memory_space<vmem>>, %arg3: memref<128x128xf32, #tpu.memory_space<vmem>>, %arg4: memref<1x128xf32, #tpu.memory_space<vmem>>, %arg5: memref<64x128xf32, #tpu.memory_space<vmem>>) attributes {dimension_semantics = [], scalar_prefetch = 0 : i64, scratch_operands = 0 : i64, tpu.core_type = #tpu.core_type<tc>} {
    %get3A = arith.constant 0 : index
    %get3A_0 = arith.constant 0 : index
    %get3A_1 = arith.constant 0 : index
    %get3A_2 = vector.load %arg0[%get3A, %get3A_0, %get3A_1] : memref<32x64x128xf32, #tpu.memory_space<vmem>>, vector<32x64x128xf32>
    %reduce_max3A = arith.constant dense<0xFF800000> : vector<64x128xf32>
    %reduce_max3A_3 = vector.multi_reduction <maximumf>, %get3A_2, %reduce_max3A [0] : vector<32x64x128xf32> to vector<64x128xf32>
    %get3A_4 = arith.constant 0 : index
    %get3A_5 = arith.constant 0 : index
    %get3A_6 = vector.load %arg1[%get3A_4, %get3A_5] : memref<128x128xf32, #tpu.memory_space<vmem>>, vector<128x128xf32>
    %dot_general3A = arith.constant dense<0.000000e+00> : vector<64x128xf32>
    %dot_general3A_7 = tpu.matmul %reduce_max3A_3, %get3A_6, %dot_general3A {dimension_numbers = #tpu.dot_dimension_numbers<[1], [0], [0], [1], [0, 0, 1, 1], [], []>, transpose_lhs_hint = false} : vector<64x128xf32>, vector<128x128xf32>, vector<64x128xf32> -> vector<64x128xf32>
    %get3A_8 = arith.constant 0 : index
    %get3A_9 = arith.constant 0 : index
    %get3A_10 = vector.load %arg2[%get3A_8, %get3A_9] : memref<1x128xf32, #tpu.memory_space<vmem>>, vector<1x128xf32>
    %add3A = vector.broadcast %get3A_10 : vector<1x128xf32> to vector<64x128xf32>
    %add3A_11 = arith.addf %dot_general3A_7, %add3A : vector<64x128xf32>
    %max3A = arith.constant 0.000000e+00 : f32
    %max3A_12 = vector.broadcast %max3A : f32 to vector<64x128xf32>
    %max3A_13 = arith.maximumf %add3A_11, %max3A_12 : vector<64x128xf32>
    %get3A_14 = arith.constant 0 : index
    %get3A_15 = arith.constant 0 : index
    %get3A_16 = vector.load %arg3[%get3A_14, %get3A_15] : memref<128x128xf32, #tpu.memory_space<vmem>>, vector<128x128xf32>
    %dot_general3A_17 = arith.constant dense<0.000000e+00> : vector<64x128xf32>
    %dot_general3A_18 = tpu.matmul %max3A_13, %get3A_16, %dot_general3A_17 {dimension_numbers = #tpu.dot_dimension_numbers<[1], [0], [0], [1], [0, 0, 1, 1], [], []>, transpose_lhs_hint = false} : vector<64x128xf32>, vector<128x128xf32>, vector<64x128xf32> -> vector<64x128xf32>
    %get3A_19 = arith.constant 0 : index
    %get3A_20 = arith.constant 0 : index
    %get3A_21 = vector.load %arg4[%get3A_19, %get3A_20] : memref<1x128xf32, #tpu.memory_space<vmem>>, vector<1x128xf32>
    %add3A_22 = vector.broadcast %get3A_21 : vector<1x128xf32> to vector<64x128xf32>
    %add3A_23 = arith.addf %dot_general3A_18, %add3A_22 : vector<64x128xf32>
    %mul3A = arith.mulf %add3A_23, %add3A_23 : vector<64x128xf32>
    %reduce_sum3A = arith.constant dense<0.000000e+00> : vector<64xf32>
    %reduce_sum3A_24 = vector.multi_reduction <add>, %mul3A, %reduce_sum3A [1] : vector<64x128xf32> to vector<64xf32>
    %broadcast_in_dim3A = vector.shape_cast %reduce_sum3A_24 : vector<64xf32> to vector<64x1xf32>
    %sqrt3A = math.sqrt %broadcast_in_dim3A : vector<64x1xf32>
    %add3A_25 = arith.constant 9.99999996E-13 : f32
    %add3A_26 = vector.broadcast %add3A_25 : f32 to vector<64x1xf32>
    %add3A_27 = arith.addf %sqrt3A, %add3A_26 : vector<64x1xf32>
    %div3A = vector.broadcast %add3A_27 : vector<64x1xf32> to vector<64x128xf32>
    %div3A_28 = arith.divf %add3A_23, %div3A : vector<64x128xf32>
    %swap3A = arith.constant 0 : index
    %swap3A_29 = arith.constant 0 : index
    %swap3A_30 = vector.load %arg5[%swap3A, %swap3A_29] : memref<64x128xf32, #tpu.memory_space<vmem>>, vector<64x128xf32>
    tpu.vector_store %arg5[%swap3A, %swap3A_29], %div3A_28 {strides = array<i32>} : memref<64x128xf32, #tpu.memory_space<vmem>>, vector<64x128xf32>,
    return
  }
}

module attributes {stable_mosaic.version = 14 : i64} {
  func.func @_stage_a_body(%arg0: i32, %arg1: memref<400x128xf32, #tpu.memory_space<vmem>>, %arg2: memref<128x128xf32, #tpu.memory_space<vmem>>, %arg3: memref<128x128xf32, #tpu.memory_space<vmem>>, %arg4: memref<1x128xf32, #tpu.memory_space<vmem>>, %arg5: memref<400x128xf32, #tpu.memory_space<vmem>>, %arg6: memref<400x128xf32, #tpu.memory_space<vmem>>) attributes {dimension_semantics = [#tpu.dimension_semantics<arbitrary>], iteration_bounds = array<i64: 25>, scalar_prefetch = 0 : i64, scratch_operands = 0 : i64, tpu.core_type = #tpu.core_type<tc>, window_params = [{transform_indices = @transform_0, window_bounds = array<i64: 400, 128>}, {pipeline_mode = #tpu.pipeline_mode<synchronous>, transform_indices = @transform_1, window_bounds = array<i64: 128, 128>}, {pipeline_mode = #tpu.pipeline_mode<synchronous>, transform_indices = @transform_2, window_bounds = array<i64: 128, 128>}, {pipeline_mode = #tpu.pipeline_mode<synchronous>, transform_indices = @transform_3, window_bounds = array<i64: 1, 128>}, {transform_indices = @transform_4, window_bounds = array<i64: 400, 128>}, {transform_indices = @transform_5, window_bounds = array<i64: 400, 128>}]} {
    %get3A = arith.constant 0 : index
    %get3A_0 = arith.constant 0 : index
    %get3A_1 = vector.load %arg1[%get3A, %get3A_0] : memref<400x128xf32, #tpu.memory_space<vmem>>, vector<400x128xf32>
    %mul3A = arith.mulf %get3A_1, %get3A_1 : vector<400x128xf32>
    %reduce_sum3A = arith.constant dense<0.000000e+00> : vector<400xf32>
    %reduce_sum3A_2 = vector.multi_reduction <add>, %mul3A, %reduce_sum3A [1] : vector<400x128xf32> to vector<400xf32>
    %broadcast_in_dim3A = vector.shape_cast %reduce_sum3A_2 : vector<400xf32> to vector<400x1xf32>
    %sqrt3A = math.sqrt %broadcast_in_dim3A : vector<400x1xf32>
    %add3A = arith.constant 9.99999996E-13 : f32
    %add3A_3 = vector.broadcast %add3A : f32 to vector<400x1xf32>
    %add3A_4 = arith.addf %sqrt3A, %add3A_3 : vector<400x1xf32>
    %div3A = vector.broadcast %add3A_4 : vector<400x1xf32> to vector<400x128xf32>
    %div3A_5 = arith.divf %get3A_1, %div3A : vector<400x128xf32>
    %get3A_6 = arith.constant 0 : index
    %get3A_7 = arith.constant 0 : index
    %get3A_8 = vector.load %arg2[%get3A_6, %get3A_7] : memref<128x128xf32, #tpu.memory_space<vmem>>, vector<128x128xf32>
    %dot_general3A = arith.constant dense<0.000000e+00> : vector<400x128xf32>
    %dot_general3A_9 = tpu.matmul %div3A_5, %get3A_8, %dot_general3A {dimension_numbers = #tpu.dot_dimension_numbers<[1], [0], [0], [1], [0, 0, 1, 1], [], []>, transpose_lhs_hint = false} : vector<400x128xf32>, vector<128x128xf32>, vector<400x128xf32> -> vector<400x128xf32>
    %get3A_10 = arith.constant 0 : index
    %get3A_11 = arith.constant 0 : index
    %get3A_12 = vector.load %arg4[%get3A_10, %get3A_11] : memref<1x128xf32, #tpu.memory_space<vmem>>, vector<1x128xf32>
    %add3A_13 = vector.broadcast %get3A_12 : vector<1x128xf32> to vector<400x128xf32>
    %add3A_14 = arith.addf %dot_general3A_9, %add3A_13 : vector<400x128xf32>
    %swap3A = arith.constant 0 : index
    %swap3A_15 = arith.constant 0 : index
    %swap3A_16 = vector.load %arg5[%swap3A, %swap3A_15] : memref<400x128xf32, #tpu.memory_space<vmem>>, vector<400x128xf32>
    tpu.vector_store %arg5[%swap3A, %swap3A_15], %add3A_14 {strides = array<i32>} : memref<400x128xf32, #tpu.memory_space<vmem>>, vector<400x128xf32>,
    %get3A_17 = arith.constant 0 : index
    %get3A_18 = arith.constant 0 : index
    %get3A_19 = vector.load %arg3[%get3A_17, %get3A_18] : memref<128x128xf32, #tpu.memory_space<vmem>>, vector<128x128xf32>
    %dot_general3A_20 = arith.constant dense<0.000000e+00> : vector<400x128xf32>
    %dot_general3A_21 = tpu.matmul %div3A_5, %get3A_19, %dot_general3A_20 {dimension_numbers = #tpu.dot_dimension_numbers<[1], [0], [0], [1], [0, 0, 1, 1], [], []>, transpose_lhs_hint = false} : vector<400x128xf32>, vector<128x128xf32>, vector<400x128xf32> -> vector<400x128xf32>
    %swap3A_22 = arith.constant 0 : index
    %swap3A_23 = arith.constant 0 : index
    %swap3A_24 = vector.load %arg6[%swap3A_22, %swap3A_23] : memref<400x128xf32, #tpu.memory_space<vmem>>, vector<400x128xf32>
    tpu.vector_store %arg6[%swap3A_22, %swap3A_23], %dot_general3A_21 {strides = array<i32>} : memref<400x128xf32, #tpu.memory_space<vmem>>, vector<400x128xf32>,
    return
  }
  func.func @transform_0(%arg0: i32) -> (i32, i32) {
    %c0_i32 = arith.constant 0 : i32
    %c0_i32_0 = arith.constant 0 : i32
    return %arg0, %c0_i32 : i32, i32
  }
  func.func @transform_1(%arg0: i32) -> (i32, i32) {
    %c0_i32 = arith.constant 0 : i32
    %c0_i32_0 = arith.constant 0 : i32
    %c0_i32_1 = arith.constant 0 : i32
    return %c0_i32, %c0_i32_0 : i32, i32
  }
  func.func @transform_2(%arg0: i32) -> (i32, i32) {
    %c0_i32 = arith.constant 0 : i32
    %c0_i32_0 = arith.constant 0 : i32
    %c0_i32_1 = arith.constant 0 : i32
    return %c0_i32, %c0_i32_0 : i32, i32
  }
  func.func @transform_3(%arg0: i32) -> (i32, i32) {
    %c0_i32 = arith.constant 0 : i32
    %c0_i32_0 = arith.constant 0 : i32
    %c0_i32_1 = arith.constant 0 : i32
    return %c0_i32, %c0_i32_0 : i32, i32
  }
  func.func @transform_4(%arg0: i32) -> (i32, i32) {
    %c0_i32 = arith.constant 0 : i32
    %c0_i32_0 = arith.constant 0 : i32
    return %arg0, %c0_i32 : i32, i32
  }
  func.func @transform_5(%arg0: i32) -> (i32, i32) {
    %c0_i32 = arith.constant 0 : i32
    %c0_i32_0 = arith.constant 0 : i32
    return %arg0, %c0_i32 : i32, i32
  }
}

module attributes {stable_mosaic.version = 14 : i64} {
  func.func @_stage_c_body(%arg0: i32, %arg1: memref<2000x128xf32, #tpu.memory_space<vmem>>, %arg2: memref<128x128xf32, #tpu.memory_space<vmem>>, %arg3: memref<1x128xf32, #tpu.memory_space<vmem>>, %arg4: memref<2000x128xf32, #tpu.memory_space<vmem>>) attributes {dimension_semantics = [#tpu.dimension_semantics<arbitrary>], iteration_bounds = array<i64: 160>, scalar_prefetch = 0 : i64, scratch_operands = 0 : i64, tpu.core_type = #tpu.core_type<tc>, window_params = [{transform_indices = @transform_0, window_bounds = array<i64: 2000, 128>}, {pipeline_mode = #tpu.pipeline_mode<synchronous>, transform_indices = @transform_1, window_bounds = array<i64: 128, 128>}, {pipeline_mode = #tpu.pipeline_mode<synchronous>, transform_indices = @transform_2, window_bounds = array<i64: 1, 128>}, {transform_indices = @transform_3, window_bounds = array<i64: 2000, 128>}]} {
    %get3A = arith.constant 0 : index
    %get3A_0 = arith.constant 0 : index
    %get3A_1 = vector.load %arg1[%get3A, %get3A_0] : memref<2000x128xf32, #tpu.memory_space<vmem>>, vector<2000x128xf32>
    %get3A_2 = arith.constant 0 : index
    %get3A_3 = arith.constant 0 : index
    %get3A_4 = vector.load %arg2[%get3A_2, %get3A_3] : memref<128x128xf32, #tpu.memory_space<vmem>>, vector<128x128xf32>
    %dot_general3A = arith.constant dense<0.000000e+00> : vector<2000x128xf32>
    %dot_general3A_5 = tpu.matmul %get3A_1, %get3A_4, %dot_general3A {dimension_numbers = #tpu.dot_dimension_numbers<[1], [0], [0], [1], [0, 0, 1, 1], [], []>, transpose_lhs_hint = false} : vector<2000x128xf32>, vector<128x128xf32>, vector<2000x128xf32> -> vector<2000x128xf32>
    %get3A_6 = arith.constant 0 : index
    %get3A_7 = arith.constant 0 : index
    %get3A_8 = vector.load %arg3[%get3A_6, %get3A_7] : memref<1x128xf32, #tpu.memory_space<vmem>>, vector<1x128xf32>
    %add3A = vector.broadcast %get3A_8 : vector<1x128xf32> to vector<2000x128xf32>
    %add3A_9 = arith.addf %dot_general3A_5, %add3A : vector<2000x128xf32>
    %max3A = arith.constant 0.000000e+00 : f32
    %max3A_10 = vector.broadcast %max3A : f32 to vector<2000x128xf32>
    %max3A_11 = arith.maximumf %add3A_9, %max3A_10 : vector<2000x128xf32>
    %swap3A = arith.constant 0 : index
    %swap3A_12 = arith.constant 0 : index
    %swap3A_13 = vector.load %arg4[%swap3A, %swap3A_12] : memref<2000x128xf32, #tpu.memory_space<vmem>>, vector<2000x128xf32>
    tpu.vector_store %arg4[%swap3A, %swap3A_12], %max3A_11 {strides = array<i32>} : memref<2000x128xf32, #tpu.memory_space<vmem>>, vector<2000x128xf32>,
    return
  }
  func.func @transform_0(%arg0: i32) -> (i32, i32) {
    %c0_i32 = arith.constant 0 : i32
    %c0_i32_0 = arith.constant 0 : i32
    return %arg0, %c0_i32 : i32, i32
  }
  func.func @transform_1(%arg0: i32) -> (i32, i32) {
    %c0_i32 = arith.constant 0 : i32
    %c0_i32_0 = arith.constant 0 : i32
    %c0_i32_1 = arith.constant 0 : i32
    return %c0_i32, %c0_i32_0 : i32, i32
  }
  func.func @transform_2(%arg0: i32) -> (i32, i32) {
    %c0_i32 = arith.constant 0 : i32
    %c0_i32_0 = arith.constant 0 : i32
    %c0_i32_1 = arith.constant 0 : i32
    return %c0_i32, %c0_i32_0 : i32, i32
  }
  func.func @transform_3(%arg0: i32) -> (i32, i32) {
    %c0_i32 = arith.constant 0 : i32
    %c0_i32_0 = arith.constant 0 : i32
    return %arg0, %c0_i32 : i32, i32
  }
}

</mosaic_0001>

<sc_bundles>
// kernel: kernel.10.cloned.1.call-start
scs
__scs_entry_jumppad:
0x0: {  	(pc) =	sbr.rel $0x88, $3  }
0x1: {  	(tag) =	ssettag $0x0;
	lr =	simm.s32 $0x1  }
0x2: {  	[smem:$0x3F92] =	sst lr;
	_ =	strace $0xD0000000  }
0x3: {  	_ = 	snop  }
0x4: {  	_ = 	snop  }
0x5: {  	_ = 	snop  }
0x6: {  	_ = 	snop  }
0x7: {  	_ = 	snop  }
__scs_overlays_trampoline_lowered:
0x8: {  	[smem:$0x3FA1] =	sst s0  }
0x9: {  	[smem:$0x3FA2] =	sst s1  }
0xa: {  	[smem:$0x3FA3] =	sst s2  }
0xb: {  	[smem:$0x3FA4] =	sst s3  }
0xc: {  	[smem:$0x3FA5] =	sst s4  }
0xd: {  	[smem:$0x3FA6] =	sst s5  }
0xe: {  	[smem:$0x3FA7] =	sst s6  }
0xf: {  	[smem:$0x3FA8] =	sst s7  }
0x10: {  	[smem:$0x3FA9] =	sst s8  }
0x11: {  	[smem:$0x3FAA] =	sst s9;
	s0 =	simm.s32 @!p0 $0x0  }
0x12: {  	s1 =	sld [smem:$0x3F90];
	s0 =	simm.s32 @p0 $0x1  }
0x13: {  	[smem:$0x3FAB] =	sst s0;
	s0 =	simm.s32 @!p1 $0x0  }
0x14: {  	s2 =	sld [smem:$0x3F8F];
	s0 =	simm.s32 @p1 $0x1  }
0x15: {  	[smem:$0x3FAC] =	sst s0;
	s0 =	simm.s32 @!p2 $0x0  }
0x16: {  	s3 =	sld [smem:$0x3FDB];
	s0 =	simm.s32 @p2 $0x1  }
0x17: {  	s4 =	simm.s32 $0x1BF5;
	[smem:$0x3FAE] =	sst s0  }
0x18: {  	s0 =	sld [smem:$0x3F91];
	_ =	swait.ge [sflag:s4], $0x0  }
0x19: {  	s7 =	sld [smem:$0x3F92]  }
0x1a: {  	s8 =	sadd.s32 $0xFFFFE003, lr  }
0x1b: {  	s9 =	sadd.s32 $0xFFFFFEF7, lr;
	s5 =	simm.s32 $0xFFFFFFFF;
	p2 =	slt.u32 s8, $0xFFFFF086  }
0x1c: {  	p1 =	slt.u32 s9, $0xF7A;
	s5 =	simm.s32 @!p2 $0x0  }
0x1d: {  	s5 =	simm.s32 @p1 $0x1;
	p0 =	seq.s32 s7, s2  }
0x1e: {  	s7 =	smul.u32 @!p0 $0xF7A, s2;
	p2 =	seq.s32 @!p0 s5, $0x0  }
0x1f: {  	s9 =	smul.u32 $0xF7A, s1;
	s8 =	simm.s32 @!p0 $0x1BF5;
	p2 =	por !p2, p0  }
0x20: {  	[sflag:s8] =	ssyncset.s32 @!p0 $0xFFFFF086;
	s6 =	sadd.s32 @!p0 s3, s7;
	s7 =	simm.s32 @!p0 $0x108  }
0x21: {  	s3 =	sadd.s32 s3, s9;
	s6 =	sadd.s32 @!p0 $0x88, s6;
	s7 =	simm.s32 @p2 $0x1082  }
0x22: {  	[simem:s7], [sflag:s8] =	dma.local @!p0 [hbm:s6], $0xF7A  }
0x23: {  	s9 =	sor.u32 $0xD0000000, s2;
	s6 =	simm.s32 $0x108;
	_ =	swait.ge @!p0 [sflag:s8], $0x0  }
0x24: {  	s3 =	sadd.s32 $0x88, s3;
	s6 =	simm.s32 @!p1 $0x1082;
	[sflag:s4] =	ssyncset.s32 $0xFFFFF086  }
0x25: {  	[simem:s6], [sflag:s4] =	dma.local [hbm:s3], $0xF7A  }
0x26: {  	[smem:$0x3F92] =	sst s1;
	(tag) =	ssettag s2;
	_ =	strace s9  }
0x27: {  	s1 =	sld [smem:$0x3FA2]  }
0x28: {  	s2 =	sld [smem:$0x3FA3]  }
0x29: {  	s4 =	sld [smem:$0x3FA5]  }
0x2a: {  	p0 =	seq.s32 s5, $0x0;
	s5 =	sld [smem:$0x3FA6]  }
0x2b: {  	s6 =	sld [smem:$0x3FA7]  }
0x2c: {  	s7 =	sld [smem:$0x3FA8]  }
0x2d: {  	s3 =	simm.s32 $0x108;
	s8 =	sld [smem:$0x3FA9]  }
0x2e: {  	s3 =	simm.s32 @!p0 $0x1082;
	s9 =	sld [smem:$0x3FAA]  }
0x2f: {  	lr =	sadd.s32 s0, s3;
	s0 =	sld [smem:$0x3FA1]  }
0x30: {  	s3 =	sld [smem:$0x3FA4]  }
0x31: {  	[smem:$0x3FAD] =	sst s10  }
0x32: {  	s10 =	sld [smem:$0x3FAB];
	_ =	sdelay $0x3  }
0x33: {  	p0 =	seq.s32 s10, $0x1;
	s10 =	sld [smem:$0x3FAD];
	_ =	sdelay $0x3  }
0x34: {  	[smem:$0x3FAD] =	sst s10  }
0x35: {  	s10 =	sld [smem:$0x3FAC];
	_ =	sdelay $0x3  }
0x36: {  	p1 =	seq.s32 s10, $0x1;
	s10 =	sld [smem:$0x3FAD];
	_ =	sdelay $0x3  }
0x37: {  	[smem:$0x3FAD] =	sst s10  }
0x38: {  	s10 =	sld [smem:$0x3FAE]  }
0x39: {  	_ = 	snop;
	(pc) =	sbr.ind lr, $3  }
0x3a: {  	_ = 	snop  }
0x3b: {  	_ = 	snop  }
0x3c: {  	p2 =	seq.s32 s10, $0x1;
	s10 =	sld [smem:$0x3FAD]  }
0x3d: {  	_ =	shalt  }
0x3e: {  	_ =	shalt  }
0x3f: {  	_ =	shalt  }
0x40: {  	_ =	shalt  }
0x41: {  	_ =	shalt  }
0x42: {  	_ =	shalt  }
0x43: {  	_ =	shalt  }
0x44: {  	_ =	shalt  }
0x45: {  	_ =	shalt  }
0x46: {  	_ =	shalt  }
0x47: {  	_ =	shalt  }
0x48: {  	_ =	shalt  }
0x49: {  	_ =	shalt  }
0x4a: {  	_ =	shalt  }
0x4b: {  	_ =	shalt  }
0x4c: {  	_ =	shalt  }
0x4d: {  	_ =	shalt  }
0x4e: {  	_ =	shalt  }
0x4f: {  	_ =	shalt  }
0x50: {  	_ =	shalt  }
0x51: {  	_ =	shalt  }
0x52: {  	_ =	shalt  }
0x53: {  	_ =	shalt  }
0x54: {  	_ =	shalt  }
0x55: {  	_ =	shalt  }
0x56: {  	_ =	shalt  }
0x57: {  	_ =	shalt  }
0x58: {  	_ =	shalt  }
0x59: {  	_ =	shalt  }
0x5a: {  	_ =	shalt  }
0x5b: {  	_ =	shalt  }
0x5c: {  	_ =	shalt  }
0x5d: {  	_ =	shalt  }
0x5e: {  	_ =	shalt  }
0x5f: {  	_ =	shalt  }
0x60: {  	_ =	shalt  }
0x61: {  	_ =	shalt  }
0x62: {  	_ =	shalt  }
0x63: {  	_ =	shalt  }
0x64: {  	_ =	shalt  }
0x65: {  	_ =	shalt  }
0x66: {  	_ =	shalt  }
0x67: {  	_ =	shalt  }
0x68: {  	_ =	shalt  }
0x69: {  	_ =	shalt  }
0x6a: {  	_ =	shalt  }
0x6b: {  	_ =	shalt  }
0x6c: {  	_ =	shalt  }
0x6d: {  	_ =	shalt  }
0x6e: {  	_ =	shalt  }
0x6f: {  	_ =	shalt  }
0x70: {  	_ =	shalt  }
0x71: {  	_ =	shalt  }
0x72: {  	_ =	shalt  }
0x73: {  	_ =	shalt  }
0x74: {  	_ =	shalt  }
0x75: {  	_ =	shalt  }
0x76: {  	_ =	shalt  }
0x77: {  	_ =	shalt  }
0x78: {  	_ =	shalt  }
0x79: {  	_ =	shalt  }
0x7a: {  	_ =	shalt  }
0x7b: {  	_ =	shalt  }
0x7c: {  	_ =	shalt  }
0x7d: {  	_ =	shalt  }
0x7e: {  	_ =	shalt  }
0x7f: {  	_ =	shalt  }
0x80: {  	_ =	shalt  }
0x81: {  	_ =	shalt  }
0x82: {  	_ =	shalt  }
0x83: {  	_ =	shalt  }
0x84: {  	_ =	shalt  }
0x85: {  	_ =	shalt  }
0x86: {  	_ =	shalt  }
0x87: {  	_ =	shalt  }
.Lfunc_end0:
.L_simem_size_0:
called_computation.1_lowered:
.L_overlay_start_0:
0x88: {  	s2 =	sld [smem:$0x3FD9]  }
0x89: {  	s3 =	sld [smem:$0x3FFE];
	_ =	sdelay $0x1  }
0x8a: {  	s1 =	srdreg.scid  }
0x8b: {  	s0 =	sand.u32 $0x1, s1  }
0x8c: {  	s16 =	sshll.u32 s0, $0xA;
	s2 =	sadd.s32 s3, s2  }
0x8d: {  	s2 =	sadd.s32 s2, s16  }
0x8e: {  	[smem:$0x3FB9] =	sst s2  }
0x8f: {  	_ = 	snop  }
0x90: {  	(tm) =	ssettm $0x1  }
0x91: {  	s17 =	sld [smem:$0x3FFB];
	_ =	sdelay $0x3  }
0x92: {  	_ =	strace s17  }
0x93: {  	s2 =	sld [smem:$0x3FFC];
	_ =	sdelay $0x3  }
0x94: {  	_ =	strace s2  }
0x95: {  	s2 =	sld [smem:$0x3FFD];
	_ =	sdelay $0x3  }
0x96: {  	_ =	strace s2  }
0x97: {  	_ =	strace $0x8FFFFFFF  }
0x98: {  	s18 =	sld [smem:$0x3FDB];
	_ =	sdelay $0x1  }
0x99: {  	s19 =	simm.s32 $_scs_section_size  }
0x9a: {  	s4 =	simm.s32 $_size__tile_overlayer_lowered;
	s5 =	simm.s32 $_tile_overlayer_lowered  }
0x9b: {  	s22 =	simm.s32 $0x1BFF;
	s21 =	sshll.u32 s5, $0x1;
	s2 =	sadd.s32 s19, s18  }
0x9c: {  	s6 =	simm.s32 $0x0;
	s20 =	sshll.u32 s4, $0x1;
	s4 =	sadd.s32 s21, s2  }
0x9d: {  	[timem:s6], [sflag:s22] =	dma.local [hbm:s4], s20  }
0x9e: {  	_ =	swait.ge [sflag:s22], s20  }
0x9f: {  	s3 =	ssub.s32 $0x0, s20;
	[sflag:s22] =	ssyncset.done $0x0  }
0xa0: {  	[sflag:s22] =	ssyncadd.s32 s3;
	_ =	sdelay $0x1  }
0xa1: {  	s23 =	simm.s32 $0x1B8B  }
0xa2: {  	_ =	swait.ge [sflag:s23], $0x1  }
0xa3: {  	[sflag:s23] =	ssyncset.done $0x0  }
0xa4: {  	s25 =	simm.s32 $0x1B8E;
	s24 =	sld [smem:$0x3FFE];
	[sflag:s23] =	ssyncadd.s32 $0xFFFFFFFF  }
0xa5: {  	s26 =	simm.s32 $execute0_lowered;
	[smem:$0x3FD2] =	sst s25  }
0xa6: {  	s4 =	sshll.u32 s26, $0x1;
	_ =	strace $0x80000049;
	[dreg:$0x1] =	wrdreg $0xFFFFFFFF  }
0xa7: {  	s28 =	simm.s32 $_size_execute0_lowered;
	s2 =	sadd.s32 s2, s4;
	[dreg:$0x0] =	wrdreg $0x0  }
0xa8: {  	s4 =	sshll.u32 s28, $0x1;
	[dreg:$0x2] =	wrdreg s2  }
0xa9: {  	[dreg:$0x3] =	wrdreg s4  }
0xaa: {  	[dreg:$0x4] =	wrdreg $0xC0  }
0xab: {  	_ =	task [dreg:s6], $0x5FFFF  }
0xac: {  	[dreg:$0x1] =	wrdreg $0xFFFFFFFF  }
0xad: {  	[dreg:$0x0] =	wrdreg $0x60  }
0xae: {  	[dreg:$0x2] =	wrdreg s24  }
0xaf: {  	[dreg:$0x3] =	wrdreg $0x9  }
0xb0: {  	_ =	task.clear_ibuf [dreg:s6], $0x4FFFF;
	_ =	strace $0x90000049  }
0xb1: {  	s29 =	simm.s32 $0x9;
	_ =	strace $0x8000004B  }
0xb2: {  	_ =	swait.ge [sflag:s29], $0x1  }
0xb3: {  	[sflag:s29] =	ssyncadd.s32 $0xFFFFFFFF  }
0xb4: {  	_ =	strace $0x9000004B  }
0xb5: {  	_ =	sfence  }
0xb6: {  	s30 =	sld [smem:$0x0];
	_ =	sdelay $0x2  }
0xb7: {  	s31 =	sshll.u32 s1, $0xD;
	s1 =	sshrl.u32 s1, $0x2  }
0xb8: {  	s3 =	sand.u32 $0x4000, s31;
	s1 =	sadd.s32 s1, s30  }
0xb9: {  	s0 =	sor.u32 s3, s0;
	s1 =	sshll.u32 s1, $0x11  }
0xba: {  	s0 =	sor.u32 s1, s0  }
0xbb: {  	s0 =	sadd.s32 $0x8F2B, s0  }
0xbc: {  	[sflag:s0] =	ssyncadd.remote.s32 $0x1  }
0xbd: {  	_ =	sfence.sel $0xFFFF  }
0xbe: {  	[dreg:$0x0] =	wrdreg $0xFFFFFFFF;
	(pc) =	sbr.abs _section_cstart, $3  }
0xbf: {  	[dreg:$0x1] =	wrdreg $0xFFFFFFFF  }
0xc0: {  	_ =	task.clear_ibuf [dreg:s6], $0x2FFFF;
	_ =	strace $0x9FFFFFFF  }
0xc1: {  	(tm) =	ssettm $0x7FFFFFFF  }
tec
execute0_lowered:
.L_overlay_start_1:
0x0: {  	(tag) =	ssettag $0x1  }
0x1: {  	s5 =	rddreg [dreg:$0x0]  }
0x2: {  	s0 =	rddreg [dreg:$0x1];
	s2 =	simm.s32 $0x0  }
0x3: {  	s3 =	srdreg.scid;
	s1 =	stileid.u32;
	s10 =	simm.s32 $0xCA00  }
0x4: {  	v0 =	vimm.f32 $0.0e+00;
	vm0 =	vmmov $0x1;
	s11 =	simm.s32 $0x0;
	s4 =	sand.u32 $0x1, s3;
	s6 =	sshll.u32 s1, $0x1  }
0x5: {  	vm1 =	vcmask $0x308;
	vm2 =	vcmask $0x70C;
	vm3 =	vcmask $0xB10;
	[smem:$0x7FF] =	sst s2;
	s3 =	sadd.s32 $0x550600, s5;
	s6 =	sor.u32 s4, s6  }
0x6: {  	vm4 =	vcmask $0xF14;
	vm5 =	vcmask $0x1318;
	vm6 =	vcmask $0x171C;
	_ =	strace $0x8000004A;
	s7 =	ssub.s32 $0x2, s4;
	s8 =	sshll.u32 s6, $0xA  }
0x7: {  	vm7 =	vcmask $0x1B20;
	vm8 =	vcmask $0x1F24;
	vm9 =	vcmask $0x2328;
	s4 =	sadd.s32 $0x546800, s5;
	s9 =	sshrl.u32 s7, $0x1;
	s8 =	sadd.s32 s8, s5  }
0x8: {  	vm10 =	vcmask $0x272C;
	vm11 =	vcmask $0x2B30;
	vm12 =	vcmask $0x2F34;
	s7 =	ssub.s32 s7, s9;
	s5 =	smul.u32 $0x2710, s6;
	s9 =	simm.s32 $0xC800  }
0x9: {  	vm13 =	vcmask $0x3338;
	vm14 =	vcmask $0x373C;
	vm15 =	vmmov $0x7fff;
	s6 =	sadd.s32 $0x2800, s8;
	s7 =	smax.u32 s7, $0x1;
	s8 =	simm.s32 $0x1  }
.LBB2_1:
0xa: {  	s13 =	simm.s32 $0x0;
	s12 =	simm.s32 $0x200  }
.LBB2_2:
0xb: {  	p0 =	sne.s32 s12, $0x7E00;
	[tilespmem:s13+$0xCA70] =	vst v0  }
0xc: {  	[tilespmem:s13+$0xCA00] =	vst v0  }
0xd: {  	[tilespmem:s13+$0xCA10] =	vst v0  }
.Ltmp0:
0xe: {  	[tilespmem:s13+$0xCA20] =	vst v0;
	(pc) =	sbr.rel @p0 .LBB2_2-.Ltmp0, $4  }
0xf: {  	[tilespmem:s13+$0xCA30] =	vst v0  }
0x10: {  	[tilespmem:s13+$0xCA40] =	vst v0  }
0x11: {  	[tilespmem:s13+$0xCA50] =	vst v0  }
0x12: {  	[tilespmem:s13+$0xCA60] =	vst v0;
	s13 =	sshra.s32 s12, $0x2;
	s12 =	sadd.s32 $0x200, s12  }
0x13: {  	[tilespmem:s13+$0xCA70] =	vst v0  }
0x14: {  	[tilespmem:s13+$0xCA00] =	vst v0  }
0x15: {  	[tilespmem:s13+$0xCA10] =	vst v0  }
0x16: {  	[tilespmem:s13+$0xCA20] =	vst v0  }
0x17: {  	[tilespmem:s13+$0xCA30] =	vst v0  }
0x18: {  	[tilespmem:s13+$0xCA40] =	vst v0  }
0x19: {  	[tilespmem:s13+$0xCA50] =	vst v0  }
0x1a: {  	s12 =	simm.s32 $0x0;
	[tilespmem:s13+$0xCA60] =	vst v0;
	s13 =	simm.s32 $0x0  }
.LBB2_4:
0x1b: {  	s14 =	smul.u32 $0x190, s13;
	_ =	sdelay $0x1  }
0x1c: {  	s14 =	sadd.s32 s5, s14  }
0x1d: {  	s15 =	sshll.u32 s14, $0x4  }
0x1e: {  	s15 =	sadd.s32 s3, s15  }
0x1f: {  	[tilespmem:s12], [sflag:$0x1] =	stream.linear.gather [hbm4b:s15+s12], $0xC800, $0x38;
	[tilespmem:$0xEA00] =	vst v63  }
0x20: {  	_ =	swait.ge [sflag:s8], $0xC800  }
0x21: {  	s14 =	sshrl.u32 s14, $0x3;
	[sflag:s8] =	ssyncset.done $0x0  }
0x22: {  	s14 =	sadd.s32 s4, s14;
	[sflag:s8] =	ssyncadd.s32 $0xFFFF3800  }
0x23: {  	[tilespmem:s9], [sflag:$0x1] =	stream.linear.gather [hbm4b:s14+s12], $0x190, $0x38;
	[tilespmem:$0xEA00] =	vst v63  }
0x24: {  	_ =	swait.ge [sflag:s8], $0x190  }
0x25: {  	[sflag:s8] =	ssyncset.done $0x0  }
0x26: {  	s15 =	simm.s32 $0x0;
	s14 =	simm.s32 $0x400;
	[sflag:s8] =	ssyncadd.s32 $0xFFFFFE70  }
.LBB2_5:
0x27: {  	s16 =	sshra.s32 s15, $0x2  }
0x28: {  	v1 =	vld [tilespmem:s16+$0xC800];
	_ =	sdelay $0x4  }
0x29: {  	v2 =	vnsel vm0, $0x0, v1  }
0x2a: {  	(xrf0) =	vadd.scan.msk.s32 $0xffff, v2;
	_ =	sdelay $0x5  }
0x2b: {  	v2, _, _ =	vpop (xrf0)  }
0x2c: {  	(v2sf) =	vpush v2, $0xF;
	_ =	sdelay $0xe  }
0x2d: {  	s29 =	spop (v2sf)  }
0x2e: {  	s16 =	sshll.u32 s29, $0x9  }
0x2f: {  	v2 =	vld [tilespmem:s14+$0xFFFFFC00];
	s16 =	sshra.s32 s16, $0x2  }
0x30: {  	v3 =	vld [tilespmem:s16+$0xCA00];
	_ =	sdelay $0x4  }
0x31: {  	v2 =	vmax.f32 v3, v2  }
0x32: {  	v3 =	vld [tilespmem:s16+$0xCA10];
	[tilespmem:s16+$0xCA00] =	vst v2  }
0x33: {  	v2 =	vld [tilespmem:s14+$0xFFFFFC10];
	_ =	sdelay $0x4  }
0x34: {  	v2 =	vmax.f32 v3, v2  }
0x35: {  	v3 =	vld [tilespmem:s16+$0xCA20];
	[tilespmem:s16+$0xCA10] =	vst v2  }
0x36: {  	v2 =	vld [tilespmem:s14+$0xFFFFFC20];
	_ =	sdelay $0x4  }
0x37: {  	v2 =	vmax.f32 v3, v2  }
0x38: {  	v3 =	vld [tilespmem:s16+$0xCA30];
	[tilespmem:s16+$0xCA20] =	vst v2  }
0x39: {  	v2 =	vld [tilespmem:s14+$0xFFFFFC30];
	_ =	sdelay $0x4  }
0x3a: {  	v2 =	vmax.f32 v3, v2  }
0x3b: {  	v3 =	vld [tilespmem:s16+$0xCA40];
	[tilespmem:s16+$0xCA30] =	vst v2  }
0x3c: {  	v2 =	vld [tilespmem:s14+$0xFFFFFC40];
	_ =	sdelay $0x4  }
0x3d: {  	v2 =	vmax.f32 v3, v2  }
0x3e: {  	[tilespmem:s16+$0xCA40] =	vst v2;
	v2 =	vsel vm1, $0x0, v1  }
0x3f: {  	v3 =	vld [tilespmem:s14+$0xFFFFFC50];
	(xrf0) =	vadd.scan.msk.s32 $0xffff, v2  }
0x40: {  	v2 =	vld [tilespmem:s16+$0xCA50];
	_ =	sdelay $0x4  }
0x41: {  	v2 =	vmax.f32 v2, v3;
	v3, _, _ =	vpop (xrf0)  }
0x42: {  	(v2sf) =	vpush v3, $0xF  }
0x43: {  	[tilespmem:s16+$0xCA50] =	vst v2  }
0x44: {  	v2 =	vld [tilespmem:s14+$0xFFFFFC60]  }
0x45: {  	v3 =	vld [tilespmem:s16+$0xCA60];
	_ =	sdelay $0x4  }
0x46: {  	v2 =	vmax.f32 v3, v2  }
0x47: {  	v3 =	vld [tilespmem:s16+$0xCA70];
	[tilespmem:s16+$0xCA60] =	vst v2  }
0x48: {  	v2 =	vld [tilespmem:s14+$0xFFFFFC70];
	_ =	sdelay $0x4  }
0x49: {  	v2 =	vmax.f32 v3, v2;
	s17 =	spop (v2sf)  }
0x4a: {  	[tilespmem:s16+$0xCA70] =	vst v2;
	s30 =	sshll.u32 s17, $0x9  }
0x4b: {  	v2 =	vld [tilespmem:s14+$0xFFFFFC80];
	s16 =	sshra.s32 s30, $0x2  }
0x4c: {  	v3 =	vld [tilespmem:s16+$0xCA00];
	_ =	sdelay $0x4  }
0x4d: {  	v2 =	vmax.f32 v3, v2  }
0x4e: {  	v3 =	vld [tilespmem:s16+$0xCA10];
	[tilespmem:s16+$0xCA00] =	vst v2  }
0x4f: {  	v2 =	vld [tilespmem:s14+$0xFFFFFC90];
	_ =	sdelay $0x4  }
0x50: {  	v2 =	vmax.f32 v3, v2  }
0x51: {  	v3 =	vld [tilespmem:s16+$0xCA20];
	[tilespmem:s16+$0xCA10] =	vst v2  }
0x52: {  	v2 =	vld [tilespmem:s14+$0xFFFFFCA0];
	_ =	sdelay $0x4  }
0x53: {  	v2 =	vmax.f32 v3, v2  }
0x54: {  	v3 =	vld [tilespmem:s16+$0xCA30];
	[tilespmem:s16+$0xCA20] =	vst v2  }
0x55: {  	v2 =	vld [tilespmem:s14+$0xFFFFFCB0];
	_ =	sdelay $0x4  }
0x56: {  	v2 =	vmax.f32 v3, v2  }
0x57: {  	v3 =	vld [tilespmem:s16+$0xCA40];
	[tilespmem:s16+$0xCA30] =	vst v2  }
0x58: {  	v2 =	vld [tilespmem:s14+$0xFFFFFCC0];
	_ =	sdelay $0x4  }
0x59: {  	v2 =	vmax.f32 v3, v2  }
0x5a: {  	[tilespmem:s16+$0xCA40] =	vst v2;
	v2 =	vsel vm2, $0x0, v1  }
0x5b: {  	v3 =	vld [tilespmem:s14+$0xFFFFFCD0];
	(xrf0) =	vadd.scan.msk.s32 $0xffff, v2  }
0x5c: {  	v2 =	vld [tilespmem:s16+$0xCA50];
	_ =	sdelay $0x4  }
0x5d: {  	v2 =	vmax.f32 v2, v3;
	v3, _, _ =	vpop (xrf0)  }
0x5e: {  	(v2sf) =	vpush v3, $0xF  }
0x5f: {  	[tilespmem:s16+$0xCA50] =	vst v2  }
0x60: {  	v2 =	vld [tilespmem:s14+$0xFFFFFCE0]  }
0x61: {  	v3 =	vld [tilespmem:s16+$0xCA60];
	_ =	sdelay $0x4  }
0x62: {  	v2 =	vmax.f32 v3, v2  }
0x63: {  	v3 =	vld [tilespmem:s16+$0xCA70];
	[tilespmem:s16+$0xCA60] =	vst v2  }
0x64: {  	v2 =	vld [tilespmem:s14+$0xFFFFFCF0];
	_ =	sdelay $0x4  }
0x65: {  	v2 =	vmax.f32 v3, v2;
	s31 =	spop (v2sf)  }
0x66: {  	[tilespmem:s16+$0xCA70] =	vst v2;
	s17 =	sshll.u32 s31, $0x9  }
0x67: {  	v2 =	vld [tilespmem:s14+$0xFFFFFD00];
	s16 =	sshra.s32 s17, $0x2  }
0x68: {  	v3 =	vld [tilespmem:s16+$0xCA00];
	_ =	sdelay $0x4  }
0x69: {  	v2 =	vmax.f32 v3, v2  }
0x6a: {  	v3 =	vld [tilespmem:s16+$0xCA10];
	[tilespmem:s16+$0xCA00] =	vst v2  }
0x6b: {  	v2 =	vld [tilespmem:s14+$0xFFFFFD10];
	_ =	sdelay $0x4  }
0x6c: {  	v2 =	vmax.f32 v3, v2  }
0x6d: {  	v3 =	vld [tilespmem:s16+$0xCA20];
	[tilespmem:s16+$0xCA10] =	vst v2  }
0x6e: {  	v2 =	vld [tilespmem:s14+$0xFFFFFD20];
	_ =	sdelay $0x4  }
0x6f: {  	v2 =	vmax.f32 v3, v2  }
0x70: {  	v3 =	vld [tilespmem:s16+$0xCA30];
	[tilespmem:s16+$0xCA20] =	vst v2  }
0x71: {  	v2 =	vld [tilespmem:s14+$0xFFFFFD30];
	_ =	sdelay $0x4  }
0x72: {  	v2 =	vmax.f32 v3, v2  }
0x73: {  	v3 =	vld [tilespmem:s16+$0xCA40];
	[tilespmem:s16+$0xCA30] =	vst v2  }
0x74: {  	v2 =	vld [tilespmem:s14+$0xFFFFFD40];
	_ =	sdelay $0x4  }
0x75: {  	v2 =	vmax.f32 v3, v2  }
0x76: {  	[tilespmem:s16+$0xCA40] =	vst v2;
	v2 =	vsel vm3, $0x0, v1  }
0x77: {  	v3 =	vld [tilespmem:s14+$0xFFFFFD50];
	(xrf0) =	vadd.scan.msk.s32 $0xffff, v2  }
0x78: {  	v2 =	vld [tilespmem:s16+$0xCA50];
	_ =	sdelay $0x4  }
0x79: {  	v2 =	vmax.f32 v2, v3;
	v3, _, _ =	vpop (xrf0)  }
0x7a: {  	(v2sf) =	vpush v3, $0xF  }
0x7b: {  	[tilespmem:s16+$0xCA50] =	vst v2  }
0x7c: {  	v2 =	vld [tilespmem:s14+$0xFFFFFD60]  }
0x7d: {  	v3 =	vld [tilespmem:s16+$0xCA60];
	_ =	sdelay $0x4  }
0x7e: {  	v2 =	vmax.f32 v3, v2  }
0x7f: {  	v3 =	vld [tilespmem:s16+$0xCA70];
	[tilespmem:s16+$0xCA60] =	vst v2  }
0x80: {  	v2 =	vld [tilespmem:s14+$0xFFFFFD70];
	_ =	sdelay $0x4  }
0x81: {  	v2 =	vmax.f32 v3, v2;
	s18 =	spop (v2sf)  }
0x82: {  	[tilespmem:s16+$0xCA70] =	vst v2;
	s19 =	sshll.u32 s18, $0x9  }
0x83: {  	v2 =	vld [tilespmem:s14+$0xFFFFFD80];
	s16 =	sshra.s32 s19, $0x2  }
0x84: {  	v3 =	vld [tilespmem:s16+$0xCA00];
	_ =	sdelay $0x4  }
0x85: {  	v2 =	vmax.f32 v3, v2  }
0x86: {  	v3 =	vld [tilespmem:s16+$0xCA10];
	[tilespmem:s16+$0xCA00] =	vst v2  }
0x87: {  	v2 =	vld [tilespmem:s14+$0xFFFFFD90];
	_ =	sdelay $0x4  }
0x88: {  	v2 =	vmax.f32 v3, v2  }
0x89: {  	v3 =	vld [tilespmem:s16+$0xCA20];
	[tilespmem:s16+$0xCA10] =	vst v2  }
0x8a: {  	v2 =	vld [tilespmem:s14+$0xFFFFFDA0];
	_ =	sdelay $0x4  }
0x8b: {  	v2 =	vmax.f32 v3, v2  }
0x8c: {  	v3 =	vld [tilespmem:s16+$0xCA30];
	[tilespmem:s16+$0xCA20] =	vst v2  }
0x8d: {  	v2 =	vld [tilespmem:s14+$0xFFFFFDB0];
	_ =	sdelay $0x4  }
0x8e: {  	v2 =	vmax.f32 v3, v2  }
0x8f: {  	v3 =	vld [tilespmem:s16+$0xCA40];
	[tilespmem:s16+$0xCA30] =	vst v2  }
0x90: {  	v2 =	vld [tilespmem:s14+$0xFFFFFDC0];
	_ =	sdelay $0x4  }
0x91: {  	v2 =	vmax.f32 v3, v2  }
0x92: {  	[tilespmem:s16+$0xCA40] =	vst v2;
	v2 =	vsel vm4, $0x0, v1  }
0x93: {  	v3 =	vld [tilespmem:s14+$0xFFFFFDD0];
	(xrf0) =	vadd.scan.msk.s32 $0xffff, v2  }
0x94: {  	v2 =	vld [tilespmem:s16+$0xCA50];
	_ =	sdelay $0x4  }
0x95: {  	v2 =	vmax.f32 v2, v3;
	v3, _, _ =	vpop (xrf0)  }
0x96: {  	(v2sf) =	vpush v3, $0xF  }
0x97: {  	[tilespmem:s16+$0xCA50] =	vst v2  }
0x98: {  	v2 =	vld [tilespmem:s14+$0xFFFFFDE0]  }
0x99: {  	v3 =	vld [tilespmem:s16+$0xCA60];
	_ =	sdelay $0x4  }
0x9a: {  	v2 =	vmax.f32 v3, v2  }
0x9b: {  	v3 =	vld [tilespmem:s16+$0xCA70];
	[tilespmem:s16+$0xCA60] =	vst v2  }
0x9c: {  	v2 =	vld [tilespmem:s14+$0xFFFFFDF0];
	_ =	sdelay $0x4  }
0x9d: {  	v2 =	vmax.f32 v3, v2;
	s20 =	spop (v2sf)  }
0x9e: {  	[tilespmem:s16+$0xCA70] =	vst v2;
	s21 =	sshll.u32 s20, $0x9  }
0x9f: {  	v2 =	vld [tilespmem:s14+$0xFFFFFE00];
	s16 =	sshra.s32 s21, $0x2  }
0xa0: {  	v3 =	vld [tilespmem:s16+$0xCA00];
	_ =	sdelay $0x4  }
0xa1: {  	v2 =	vmax.f32 v3, v2  }
0xa2: {  	v3 =	vld [tilespmem:s16+$0xCA10];
	[tilespmem:s16+$0xCA00] =	vst v2  }
0xa3: {  	v2 =	vld [tilespmem:s14+$0xFFFFFE10];
	_ =	sdelay $0x4  }
0xa4: {  	v2 =	vmax.f32 v3, v2  }
0xa5: {  	v3 =	vld [tilespmem:s16+$0xCA20];
	[tilespmem:s16+$0xCA10] =	vst v2  }
0xa6: {  	v2 =	vld [tilespmem:s14+$0xFFFFFE20];
	_ =	sdelay $0x4  }
0xa7: {  	v2 =	vmax.f32 v3, v2  }
0xa8: {  	v3 =	vld [tilespmem:s16+$0xCA30];
	[tilespmem:s16+$0xCA20] =	vst v2  }
0xa9: {  	v2 =	vld [tilespmem:s14+$0xFFFFFE30];
	_ =	sdelay $0x4  }
0xaa: {  	v2 =	vmax.f32 v3, v2  }
0xab: {  	v3 =	vld [tilespmem:s16+$0xCA40];
	[tilespmem:s16+$0xCA30] =	vst v2  }
0xac: {  	v2 =	vld [tilespmem:s14+$0xFFFFFE40];
	_ =	sdelay $0x4  }
0xad: {  	v2 =	vmax.f32 v3, v2  }
0xae: {  	[tilespmem:s16+$0xCA40] =	vst v2;
	v2 =	vsel vm5, $0x0, v1  }
0xaf: {  	v3 =	vld [tilespmem:s14+$0xFFFFFE50];
	(xrf0) =	vadd.scan.msk.s32 $0xffff, v2  }
0xb0: {  	v2 =	vld [tilespmem:s16+$0xCA50];
	_ =	sdelay $0x4  }
0xb1: {  	v2 =	vmax.f32 v2, v3;
	v3, _, _ =	vpop (xrf0)  }
0xb2: {  	(v2sf) =	vpush v3, $0xF  }
0xb3: {  	[tilespmem:s16+$0xCA50] =	vst v2  }
0xb4: {  	v2 =	vld [tilespmem:s14+$0xFFFFFE60]  }
0xb5: {  	v3 =	vld [tilespmem:s16+$0xCA60];
	_ =	sdelay $0x4  }
0xb6: {  	v2 =	vmax.f32 v3, v2  }
0xb7: {  	v3 =	vld [tilespmem:s16+$0xCA70];
	[tilespmem:s16+$0xCA60] =	vst v2  }
0xb8: {  	v2 =	vld [tilespmem:s14+$0xFFFFFE70];
	_ =	sdelay $0x4  }
0xb9: {  	v2 =	vmax.f32 v3, v2;
	s22 =	spop (v2sf)  }
0xba: {  	[tilespmem:s16+$0xCA70] =	vst v2;
	s23 =	sshll.u32 s22, $0x9  }
0xbb: {  	v2 =	vld [tilespmem:s14+$0xFFFFFE80];
	s16 =	sshra.s32 s23, $0x2  }
0xbc: {  	v3 =	vld [tilespmem:s16+$0xCA00];
	_ =	sdelay $0x4  }
0xbd: {  	v2 =	vmax.f32 v3, v2  }
0xbe: {  	v3 =	vld [tilespmem:s16+$0xCA10];
	[tilespmem:s16+$0xCA00] =	vst v2  }
0xbf: {  	v2 =	vld [tilespmem:s14+$0xFFFFFE90];
	_ =	sdelay $0x4  }
0xc0: {  	v2 =	vmax.f32 v3, v2  }
0xc1: {  	v3 =	vld [tilespmem:s16+$0xCA20];
	[tilespmem:s16+$0xCA10] =	vst v2  }
0xc2: {  	v2 =	vld [tilespmem:s14+$0xFFFFFEA0];
	_ =	sdelay $0x4  }
0xc3: {  	v2 =	vmax.f32 v3, v2  }
0xc4: {  	v3 =	vld [tilespmem:s16+$0xCA30];
	[tilespmem:s16+$0xCA20] =	vst v2  }
0xc5: {  	v2 =	vld [tilespmem:s14+$0xFFFFFEB0];
	_ =	sdelay $0x4  }
0xc6: {  	v2 =	vmax.f32 v3, v2  }
0xc7: {  	v3 =	vld [tilespmem:s16+$0xCA40];
	[tilespmem:s16+$0xCA30] =	vst v2  }
0xc8: {  	v2 =	vld [tilespmem:s14+$0xFFFFFEC0];
	_ =	sdelay $0x4  }
0xc9: {  	v2 =	vmax.f32 v3, v2  }
0xca: {  	[tilespmem:s16+$0xCA40] =	vst v2;
	v2 =	vsel vm6, $0x0, v1  }
0xcb: {  	v3 =	vld [tilespmem:s14+$0xFFFFFED0];
	(xrf0) =	vadd.scan.msk.s32 $0xffff, v2  }
0xcc: {  	v2 =	vld [tilespmem:s16+$0xCA50];
	_ =	sdelay $0x4  }
0xcd: {  	v2 =	vmax.f32 v2, v3;
	v3, _, _ =	vpop (xrf0)  }
0xce: {  	(v2sf) =	vpush v3, $0xF  }
0xcf: {  	[tilespmem:s16+$0xCA50] =	vst v2  }
0xd0: {  	v2 =	vld [tilespmem:s14+$0xFFFFFEE0]  }
0xd1: {  	v3 =	vld [tilespmem:s16+$0xCA60];
	_ =	sdelay $0x4  }
0xd2: {  	v2 =	vmax.f32 v3, v2  }
0xd3: {  	v3 =	vld [tilespmem:s16+$0xCA70];
	[tilespmem:s16+$0xCA60] =	vst v2  }
0xd4: {  	v2 =	vld [tilespmem:s14+$0xFFFFFEF0];
	_ =	sdelay $0x4  }
0xd5: {  	v2 =	vmax.f32 v3, v2;
	s24 =	spop (v2sf)  }
0xd6: {  	[tilespmem:s16+$0xCA70] =	vst v2;
	s25 =	sshll.u32 s24, $0x9  }
0xd7: {  	v2 =	vld [tilespmem:s14+$0xFFFFFF00];
	s16 =	sshra.s32 s25, $0x2  }
0xd8: {  	v3 =	vld [tilespmem:s16+$0xCA00];
	_ =	sdelay $0x4  }
0xd9: {  	v2 =	vmax.f32 v3, v2  }
0xda: {  	v3 =	vld [tilespmem:s16+$0xCA10];
	[tilespmem:s16+$0xCA00] =	vst v2  }
0xdb: {  	v2 =	vld [tilespmem:s14+$0xFFFFFF10];
	_ =	sdelay $0x4  }
0xdc: {  	v2 =	vmax.f32 v3, v2  }
0xdd: {  	v3 =	vld [tilespmem:s16+$0xCA20];
	[tilespmem:s16+$0xCA10] =	vst v2  }
0xde: {  	v2 =	vld [tilespmem:s14+$0xFFFFFF20];
	_ =	sdelay $0x4  }
0xdf: {  	v2 =	vmax.f32 v3, v2  }
0xe0: {  	v3 =	vld [tilespmem:s16+$0xCA30];
	[tilespmem:s16+$0xCA20] =	vst v2  }
0xe1: {  	v2 =	vld [tilespmem:s14+$0xFFFFFF30];
	_ =	sdelay $0x4  }
0xe2: {  	v2 =	vmax.f32 v3, v2  }
0xe3: {  	v3 =	vld [tilespmem:s16+$0xCA40];
	[tilespmem:s16+$0xCA30] =	vst v2  }
0xe4: {  	v2 =	vld [tilespmem:s14+$0xFFFFFF40];
	_ =	sdelay $0x4  }
0xe5: {  	v2 =	vmax.f32 v3, v2  }
0xe6: {  	[tilespmem:s16+$0xCA40] =	vst v2;
	v2 =	vsel vm7, $0x0, v1  }
0xe7: {  	v3 =	vld [tilespmem:s14+$0xFFFFFF50];
	(xrf0) =	vadd.scan.msk.s32 $0xffff, v2  }
0xe8: {  	v2 =	vld [tilespmem:s16+$0xCA50];
	_ =	sdelay $0x4  }
0xe9: {  	v2 =	vmax.f32 v2, v3;
	v3, _, _ =	vpop (xrf0)  }
0xea: {  	(v2sf) =	vpush v3, $0xF  }
0xeb: {  	[tilespmem:s16+$0xCA50] =	vst v2  }
0xec: {  	v2 =	vld [tilespmem:s14+$0xFFFFFF60]  }
0xed: {  	v3 =	vld [tilespmem:s16+$0xCA60];
	_ =	sdelay $0x4  }
0xee: {  	v2 =	vmax.f32 v3, v2  }
0xef: {  	v3 =	vld [tilespmem:s16+$0xCA70];
	[tilespmem:s16+$0xCA60] =	vst v2  }
0xf0: {  	v2 =	vld [tilespmem:s14+$0xFFFFFF70];
	_ =	sdelay $0x4  }
0xf1: {  	v2 =	vmax.f32 v3, v2;
	s26 =	spop (v2sf)  }
0xf2: {  	[tilespmem:s16+$0xCA70] =	vst v2;
	s28 =	sshll.u32 s26, $0x9  }
0xf3: {  	v2 =	vld [tilespmem:s14+$0xFFFFFF80];
	s16 =	sshra.s32 s28, $0x2  }
0xf4: {  	v3 =	vld [tilespmem:s16+$0xCA00];
	_ =	sdelay $0x4  }
0xf5: {  	v2 =	vmax.f32 v3, v2  }
0xf6: {  	v3 =	vld [tilespmem:s16+$0xCA10];
	[tilespmem:s16+$0xCA00] =	vst v2  }
0xf7: {  	v2 =	vld [tilespmem:s14+$0xFFFFFF90];
	_ =	sdelay $0x4  }
0xf8: {  	v2 =	vmax.f32 v3, v2  }
0xf9: {  	v3 =	vld [tilespmem:s16+$0xCA20];
	[tilespmem:s16+$0xCA10] =	vst v2  }
0xfa: {  	v2 =	vld [tilespmem:s14+$0xFFFFFFA0];
	_ =	sdelay $0x4  }
0xfb: {  	v2 =	vmax.f32 v3, v2  }
0xfc: {  	v3 =	vld [tilespmem:s16+$0xCA30];
	[tilespmem:s16+$0xCA20] =	vst v2  }
0xfd: {  	v2 =	vld [tilespmem:s14+$0xFFFFFFB0];
	_ =	sdelay $0x4  }
0xfe: {  	v2 =	vmax.f32 v3, v2  }
0xff: {  	v3 =	vld [tilespmem:s16+$0xCA40];
	[tilespmem:s16+$0xCA30] =	vst v2  }
0x100: {  	v2 =	vld [tilespmem:s14+$0xFFFFFFC0];
	_ =	sdelay $0x4  }
0x101: {  	v2 =	vmax.f32 v3, v2  }
0x102: {  	[tilespmem:s16+$0xCA40] =	vst v2;
	v2 =	vsel vm8, $0x0, v1  }
0x103: {  	v3 =	vld [tilespmem:s14+$0xFFFFFFD0];
	(xrf0) =	vadd.scan.msk.s32 $0xffff, v2  }
0x104: {  	v2 =	vld [tilespmem:s16+$0xCA50];
	_ =	sdelay $0x4  }
0x105: {  	v2 =	vmax.f32 v2, v3;
	v3, _, _ =	vpop (xrf0)  }
0x106: {  	(v2sf) =	vpush v3, $0xF  }
0x107: {  	[tilespmem:s16+$0xCA50] =	vst v2  }
0x108: {  	v2 =	vld [tilespmem:s14+$0xFFFFFFE0]  }
0x109: {  	v3 =	vld [tilespmem:s16+$0xCA60];
	_ =	sdelay $0x4  }
0x10a: {  	v2 =	vmax.f32 v3, v2  }
0x10b: {  	v3 =	vld [tilespmem:s16+$0xCA70];
	[tilespmem:s16+$0xCA60] =	vst v2  }
0x10c: {  	v2 =	vld [tilespmem:s14+$0xFFFFFFF0];
	_ =	sdelay $0x4  }
0x10d: {  	v2 =	vmax.f32 v3, v2;
	s29 =	spop (v2sf)  }
0x10e: {  	[tilespmem:s16+$0xCA70] =	vst v2;
	s30 =	sshll.u32 s29, $0x9  }
0x10f: {  	v2 =	vld [tilespmem:s14+$0x0];
	s16 =	sshra.s32 s30, $0x2  }
0x110: {  	v3 =	vld [tilespmem:s16+$0xCA00];
	_ =	sdelay $0x4  }
0x111: {  	v2 =	vmax.f32 v3, v2  }
0x112: {  	v3 =	vld [tilespmem:s16+$0xCA10];
	[tilespmem:s16+$0xCA00] =	vst v2  }
0x113: {  	v2 =	vld [tilespmem:s14+$0x10];
	_ =	sdelay $0x4  }
0x114: {  	v2 =	vmax.f32 v3, v2  }
0x115: {  	v3 =	vld [tilespmem:s16+$0xCA20];
	[tilespmem:s16+$0xCA10] =	vst v2  }
0x116: {  	v2 =	vld [tilespmem:s14+$0x20];
	_ =	sdelay $0x4  }
0x117: {  	v2 =	vmax.f32 v3, v2  }
0x118: {  	v3 =	vld [tilespmem:s16+$0xCA30];
	[tilespmem:s16+$0xCA20] =	vst v2  }
0x119: {  	v2 =	vld [tilespmem:s14+$0x30];
	_ =	sdelay $0x4  }
0x11a: {  	v2 =	vmax.f32 v3, v2  }
0x11b: {  	v3 =	vld [tilespmem:s16+$0xCA40];
	[tilespmem:s16+$0xCA30] =	vst v2  }
0x11c: {  	v2 =	vld [tilespmem:s14+$0x40];
	_ =	sdelay $0x4  }
0x11d: {  	v2 =	vmax.f32 v3, v2  }
0x11e: {  	[tilespmem:s16+$0xCA40] =	vst v2;
	v2 =	vsel vm9, $0x0, v1  }
0x11f: {  	v3 =	vld [tilespmem:s14+$0x50];
	(xrf0) =	vadd.scan.msk.s32 $0xffff, v2  }
0x120: {  	v2 =	vld [tilespmem:s16+$0xCA50];
	_ =	sdelay $0x4  }
0x121: {  	v2 =	vmax.f32 v2, v3;
	v3, _, _ =	vpop (xrf0)  }
0x122: {  	(v2sf) =	vpush v3, $0xF  }
0x123: {  	[tilespmem:s16+$0xCA50] =	vst v2  }
0x124: {  	v2 =	vld [tilespmem:s14+$0x60]  }
0x125: {  	v3 =	vld [tilespmem:s16+$0xCA60];
	_ =	sdelay $0x4  }
0x126: {  	v2 =	vmax.f32 v3, v2  }
0x127: {  	v3 =	vld [tilespmem:s16+$0xCA70];
	[tilespmem:s16+$0xCA60] =	vst v2  }
0x128: {  	v2 =	vld [tilespmem:s14+$0x70];
	_ =	sdelay $0x4  }
0x129: {  	v2 =	vmax.f32 v3, v2;
	s31 =	spop (v2sf)  }
0x12a: {  	[tilespmem:s16+$0xCA70] =	vst v2;
	s18 =	sshll.u32 s31, $0x9  }
0x12b: {  	v2 =	vld [tilespmem:s14+$0x80];
	s16 =	sshra.s32 s18, $0x2  }
0x12c: {  	v3 =	vld [tilespmem:s16+$0xCA00];
	_ =	sdelay $0x4  }
0x12d: {  	v2 =	vmax.f32 v3, v2  }
0x12e: {  	v3 =	vld [tilespmem:s16+$0xCA10];
	[tilespmem:s16+$0xCA00] =	vst v2  }
0x12f: {  	v2 =	vld [tilespmem:s14+$0x90];
	_ =	sdelay $0x4  }
0x130: {  	v2 =	vmax.f32 v3, v2  }
0x131: {  	v3 =	vld [tilespmem:s16+$0xCA20];
	[tilespmem:s16+$0xCA10] =	vst v2  }
0x132: {  	v2 =	vld [tilespmem:s14+$0xA0];
	_ =	sdelay $0x4  }
0x133: {  	v2 =	vmax.f32 v3, v2  }
0x134: {  	v3 =	vld [tilespmem:s16+$0xCA30];
	[tilespmem:s16+$0xCA20] =	vst v2  }
0x135: {  	v2 =	vld [tilespmem:s14+$0xB0];
	_ =	sdelay $0x4  }
0x136: {  	v2 =	vmax.f32 v3, v2  }
0x137: {  	v3 =	vld [tilespmem:s16+$0xCA40];
	[tilespmem:s16+$0xCA30] =	vst v2  }
0x138: {  	v2 =	vld [tilespmem:s14+$0xC0];
	_ =	sdelay $0x4  }
0x139: {  	v2 =	vmax.f32 v3, v2  }
0x13a: {  	[tilespmem:s16+$0xCA40] =	vst v2;
	v2 =	vsel vm10, $0x0, v1  }
0x13b: {  	v3 =	vld [tilespmem:s14+$0xD0];
	(xrf0) =	vadd.scan.msk.s32 $0xffff, v2  }
0x13c: {  	v2 =	vld [tilespmem:s16+$0xCA50];
	_ =	sdelay $0x4  }
0x13d: {  	v2 =	vmax.f32 v2, v3;
	v3, _, _ =	vpop (xrf0)  }
0x13e: {  	(v2sf) =	vpush v3, $0xF  }
0x13f: {  	[tilespmem:s16+$0xCA50] =	vst v2  }
0x140: {  	v2 =	vld [tilespmem:s14+$0xE0]  }
0x141: {  	v3 =	vld [tilespmem:s16+$0xCA60];
	_ =	sdelay $0x4  }
0x142: {  	v2 =	vmax.f32 v3, v2  }
0x143: {  	v3 =	vld [tilespmem:s16+$0xCA70];
	[tilespmem:s16+$0xCA60] =	vst v2  }
0x144: {  	v2 =	vld [tilespmem:s14+$0xF0];
	_ =	sdelay $0x4  }
0x145: {  	v2 =	vmax.f32 v3, v2;
	s19 =	spop (v2sf)  }
0x146: {  	[tilespmem:s16+$0xCA70] =	vst v2;
	s20 =	sshll.u32 s19, $0x9  }
0x147: {  	v2 =	vld [tilespmem:s14+$0x100];
	s16 =	sshra.s32 s20, $0x2  }
0x148: {  	v3 =	vld [tilespmem:s16+$0xCA00];
	_ =	sdelay $0x4  }
0x149: {  	v2 =	vmax.f32 v3, v2  }
0x14a: {  	v3 =	vld [tilespmem:s16+$0xCA10];
	[tilespmem:s16+$0xCA00] =	vst v2  }
0x14b: {  	v2 =	vld [tilespmem:s14+$0x110];
	_ =	sdelay $0x4  }
0x14c: {  	v2 =	vmax.f32 v3, v2  }
0x14d: {  	v3 =	vld [tilespmem:s16+$0xCA20];
	[tilespmem:s16+$0xCA10] =	vst v2  }
0x14e: {  	v2 =	vld [tilespmem:s14+$0x120];
	_ =	sdelay $0x4  }
0x14f: {  	v2 =	vmax.f32 v3, v2  }
0x150: {  	v3 =	vld [tilespmem:s16+$0xCA30];
	[tilespmem:s16+$0xCA20] =	vst v2  }
0x151: {  	v2 =	vld [tilespmem:s14+$0x130];
	_ =	sdelay $0x4  }
0x152: {  	v2 =	vmax.f32 v3, v2  }
0x153: {  	v3 =	vld [tilespmem:s16+$0xCA40];
	[tilespmem:s16+$0xCA30] =	vst v2  }
0x154: {  	v2 =	vld [tilespmem:s14+$0x140];
	_ =	sdelay $0x4  }
0x155: {  	v2 =	vmax.f32 v3, v2  }
0x156: {  	[tilespmem:s16+$0xCA40] =	vst v2;
	v2 =	vsel vm11, $0x0, v1  }
0x157: {  	v3 =	vld [tilespmem:s14+$0x150];
	(xrf0) =	vadd.scan.msk.s32 $0xffff, v2  }
0x158: {  	v2 =	vld [tilespmem:s16+$0xCA50];
	_ =	sdelay $0x4  }
0x159: {  	v2 =	vmax.f32 v2, v3;
	v3, _, _ =	vpop (xrf0)  }
0x15a: {  	(v2sf) =	vpush v3, $0xF  }
0x15b: {  	[tilespmem:s16+$0xCA50] =	vst v2  }
0x15c: {  	v2 =	vld [tilespmem:s14+$0x160]  }
0x15d: {  	v3 =	vld [tilespmem:s16+$0xCA60];
	_ =	sdelay $0x4  }
0x15e: {  	v2 =	vmax.f32 v3, v2  }
0x15f: {  	v3 =	vld [tilespmem:s16+$0xCA70];
	[tilespmem:s16+$0xCA60] =	vst v2  }
0x160: {  	v2 =	vld [tilespmem:s14+$0x170];
	_ =	sdelay $0x4  }
0x161: {  	v2 =	vmax.f32 v3, v2;
	s21 =	spop (v2sf)  }
0x162: {  	[tilespmem:s16+$0xCA70] =	vst v2;
	s22 =	sshll.u32 s21, $0x9  }
0x163: {  	v2 =	vld [tilespmem:s14+$0x180];
	s16 =	sshra.s32 s22, $0x2  }
0x164: {  	v3 =	vld [tilespmem:s16+$0xCA00];
	_ =	sdelay $0x4  }
0x165: {  	v2 =	vmax.f32 v3, v2  }
0x166: {  	v3 =	vld [tilespmem:s16+$0xCA10];
	[tilespmem:s16+$0xCA00] =	vst v2  }
0x167: {  	v2 =	vld [tilespmem:s14+$0x190];
	_ =	sdelay $0x4  }
0x168: {  	v2 =	vmax.f32 v3, v2  }
0x169: {  	v3 =	vld [tilespmem:s16+$0xCA20];
	[tilespmem:s16+$0xCA10] =	vst v2  }
0x16a: {  	v2 =	vld [tilespmem:s14+$0x1A0];
	_ =	sdelay $0x4  }
0x16b: {  	v2 =	vmax.f32 v3, v2  }
0x16c: {  	v3 =	vld [tilespmem:s16+$0xCA30];
	[tilespmem:s16+$0xCA20] =	vst v2  }
0x16d: {  	v2 =	vld [tilespmem:s14+$0x1B0];
	_ =	sdelay $0x4  }
0x16e: {  	v2 =	vmax.f32 v3, v2  }
0x16f: {  	v3 =	vld [tilespmem:s16+$0xCA40];
	[tilespmem:s16+$0xCA30] =	vst v2  }
0x170: {  	v2 =	vld [tilespmem:s14+$0x1C0];
	_ =	sdelay $0x4  }
0x171: {  	v2 =	vmax.f32 v3, v2  }
0x172: {  	[tilespmem:s16+$0xCA40] =	vst v2;
	v2 =	vsel vm12, $0x0, v1  }
0x173: {  	v3 =	vld [tilespmem:s14+$0x1D0];
	(xrf0) =	vadd.scan.msk.s32 $0xffff, v2  }
0x174: {  	v2 =	vld [tilespmem:s16+$0xCA50];
	_ =	sdelay $0x4  }
0x175: {  	v2 =	vmax.f32 v2, v3;
	v3, _, _ =	vpop (xrf0)  }
0x176: {  	(v2sf) =	vpush v3, $0xF  }
0x177: {  	[tilespmem:s16+$0xCA50] =	vst v2  }
0x178: {  	v2 =	vld [tilespmem:s14+$0x1E0]  }
0x179: {  	v3 =	vld [tilespmem:s16+$0xCA60];
	_ =	sdelay $0x4  }
0x17a: {  	v2 =	vmax.f32 v3, v2  }
0x17b: {  	v3 =	vld [tilespmem:s16+$0xCA70];
	[tilespmem:s16+$0xCA60] =	vst v2  }
0x17c: {  	v2 =	vld [tilespmem:s14+$0x1F0];
	_ =	sdelay $0x4  }
0x17d: {  	v2 =	vmax.f32 v3, v2;
	s23 =	spop (v2sf)  }
0x17e: {  	[tilespmem:s16+$0xCA70] =	vst v2;
	s24 =	sshll.u32 s23, $0x9  }
0x17f: {  	v2 =	vld [tilespmem:s14+$0x200];
	s16 =	sshra.s32 s24, $0x2  }
0x180: {  	v3 =	vld [tilespmem:s16+$0xCA00];
	_ =	sdelay $0x4  }
0x181: {  	v2 =	vmax.f32 v3, v2  }
0x182: {  	v3 =	vld [tilespmem:s16+$0xCA10];
	[tilespmem:s16+$0xCA00] =	vst v2  }
0x183: {  	v2 =	vld [tilespmem:s14+$0x210];
	_ =	sdelay $0x4  }
0x184: {  	v2 =	vmax.f32 v3, v2  }
0x185: {  	v3 =	vld [tilespmem:s16+$0xCA20];
	[tilespmem:s16+$0xCA10] =	vst v2  }
0x186: {  	v2 =	vld [tilespmem:s14+$0x220];
	_ =	sdelay $0x4  }
0x187: {  	v2 =	vmax.f32 v3, v2  }
0x188: {  	v3 =	vld [tilespmem:s16+$0xCA30];
	[tilespmem:s16+$0xCA20] =	vst v2  }
0x189: {  	v2 =	vld [tilespmem:s14+$0x230];
	_ =	sdelay $0x4  }
0x18a: {  	v2 =	vmax.f32 v3, v2  }
0x18b: {  	v3 =	vld [tilespmem:s16+$0xCA40];
	[tilespmem:s16+$0xCA30] =	vst v2  }
0x18c: {  	v2 =	vld [tilespmem:s14+$0x240];
	_ =	sdelay $0x4  }
0x18d: {  	v2 =	vmax.f32 v3, v2  }
0x18e: {  	[tilespmem:s16+$0xCA40] =	vst v2;
	v2 =	vsel vm13, $0x0, v1  }
0x18f: {  	v3 =	vld [tilespmem:s14+$0x250];
	(xrf0) =	vadd.scan.msk.s32 $0xffff, v2  }
0x190: {  	v2 =	vld [tilespmem:s16+$0xCA50];
	_ =	sdelay $0x4  }
0x191: {  	v2 =	vmax.f32 v2, v3;
	v3, _, _ =	vpop (xrf0)  }
0x192: {  	(v2sf) =	vpush v3, $0xF  }
0x193: {  	[tilespmem:s16+$0xCA50] =	vst v2  }
0x194: {  	v2 =	vld [tilespmem:s14+$0x260]  }
0x195: {  	v3 =	vld [tilespmem:s16+$0xCA60];
	_ =	sdelay $0x4  }
0x196: {  	v2 =	vmax.f32 v3, v2  }
0x197: {  	v3 =	vld [tilespmem:s16+$0xCA70];
	[tilespmem:s16+$0xCA60] =	vst v2  }
0x198: {  	v2 =	vld [tilespmem:s14+$0x270];
	_ =	sdelay $0x4  }
0x199: {  	v2 =	vmax.f32 v3, v2;
	s25 =	spop (v2sf)  }
0x19a: {  	[tilespmem:s16+$0xCA70] =	vst v2;
	s26 =	sshll.u32 s25, $0x9  }
0x19b: {  	v2 =	vld [tilespmem:s14+$0x280];
	s16 =	sshra.s32 s26, $0x2  }
0x19c: {  	v3 =	vld [tilespmem:s16+$0xCA00];
	_ =	sdelay $0x4  }
0x19d: {  	v2 =	vmax.f32 v3, v2  }
0x19e: {  	v3 =	vld [tilespmem:s16+$0xCA10];
	[tilespmem:s16+$0xCA00] =	vst v2  }
0x19f: {  	v2 =	vld [tilespmem:s14+$0x290];
	_ =	sdelay $0x4  }
0x1a0: {  	v2 =	vmax.f32 v3, v2  }
0x1a1: {  	v3 =	vld [tilespmem:s16+$0xCA20];
	[tilespmem:s16+$0xCA10] =	vst v2  }
0x1a2: {  	v2 =	vld [tilespmem:s14+$0x2A0];
	_ =	sdelay $0x4  }
0x1a3: {  	v2 =	vmax.f32 v3, v2  }
0x1a4: {  	v3 =	vld [tilespmem:s16+$0xCA30];
	[tilespmem:s16+$0xCA20] =	vst v2  }
0x1a5: {  	v2 =	vld [tilespmem:s14+$0x2B0];
	_ =	sdelay $0x4  }
0x1a6: {  	v2 =	vmax.f32 v3, v2  }
0x1a7: {  	v3 =	vld [tilespmem:s16+$0xCA40];
	[tilespmem:s16+$0xCA30] =	vst v2  }
0x1a8: {  	v2 =	vld [tilespmem:s14+$0x2C0];
	_ =	sdelay $0x4  }
0x1a9: {  	v2 =	vmax.f32 v3, v2  }
0x1aa: {  	[tilespmem:s16+$0xCA40] =	vst v2;
	v2 =	vsel vm14, $0x0, v1  }
0x1ab: {  	v3 =	vld [tilespmem:s14+$0x2D0];
	(xrf0) =	vadd.scan.msk.s32 $0xffff, v2  }
0x1ac: {  	v2 =	vld [tilespmem:s16+$0xCA50];
	_ =	sdelay $0x4  }
0x1ad: {  	v2 =	vmax.f32 v2, v3;
	v3, _, _ =	vpop (xrf0)  }
0x1ae: {  	(v2sf) =	vpush v3, $0xF  }
0x1af: {  	[tilespmem:s16+$0xCA50] =	vst v2  }
0x1b0: {  	v2 =	vld [tilespmem:s14+$0x2E0]  }
0x1b1: {  	v3 =	vld [tilespmem:s16+$0xCA60];
	_ =	sdelay $0x4  }
0x1b2: {  	v2 =	vmax.f32 v3, v2  }
0x1b3: {  	v3 =	vld [tilespmem:s16+$0xCA70];
	[tilespmem:s16+$0xCA60] =	vst v2  }
0x1b4: {  	v2 =	vld [tilespmem:s14+$0x2F0];
	_ =	sdelay $0x4  }
0x1b5: {  	v2 =	vmax.f32 v3, v2;
	s28 =	spop (v2sf)  }
0x1b6: {  	[tilespmem:s16+$0xCA70] =	vst v2;
	s29 =	sshll.u32 s28, $0x9  }
0x1b7: {  	v2 =	vld [tilespmem:s14+$0x300];
	s16 =	sshra.s32 s29, $0x2  }
0x1b8: {  	v3 =	vld [tilespmem:s16+$0xCA00];
	_ =	sdelay $0x4  }
0x1b9: {  	v2 =	vmax.f32 v3, v2  }
0x1ba: {  	v3 =	vld [tilespmem:s16+$0xCA10];
	[tilespmem:s16+$0xCA00] =	vst v2  }
0x1bb: {  	v2 =	vld [tilespmem:s14+$0x310];
	_ =	sdelay $0x4  }
0x1bc: {  	v2 =	vmax.f32 v3, v2  }
0x1bd: {  	v3 =	vld [tilespmem:s16+$0xCA20];
	[tilespmem:s16+$0xCA10] =	vst v2  }
0x1be: {  	v2 =	vld [tilespmem:s14+$0x320];
	_ =	sdelay $0x4  }
0x1bf: {  	v2 =	vmax.f32 v3, v2  }
0x1c0: {  	v3 =	vld [tilespmem:s16+$0xCA30];
	[tilespmem:s16+$0xCA20] =	vst v2  }
0x1c1: {  	v2 =	vld [tilespmem:s14+$0x330];
	_ =	sdelay $0x4  }
0x1c2: {  	v2 =	vmax.f32 v3, v2  }
0x1c3: {  	v3 =	vld [tilespmem:s16+$0xCA40];
	[tilespmem:s16+$0xCA30] =	vst v2  }
0x1c4: {  	v2 =	vld [tilespmem:s14+$0x340];
	_ =	sdelay $0x4  }
0x1c5: {  	v1 =	vsel vm15, $0x0, v1;
	v2 =	vmax.f32 v3, v2  }
0x1c6: {  	(xrf0) =	vadd.scan.msk.s32 $0xffff, v1;
	v1 =	vld [tilespmem:s16+$0xCA50];
	[tilespmem:s16+$0xCA40] =	vst v2  }
0x1c7: {  	v2 =	vld [tilespmem:s14+$0x350];
	_ =	sdelay $0x4  }
0x1c8: {  	v1 =	vmax.f32 v1, v2;
	v2, _, _ =	vpop (xrf0)  }
0x1c9: {  	(v2sf) =	vpush v2, $0xF;
	_ =	sdelay $0x1  }
0x1ca: {  	[tilespmem:s16+$0xCA50] =	vst v1;
	v2 =	vld [tilespmem:s16+$0xCA60]  }
0x1cb: {  	v1 =	vld [tilespmem:s14+$0x360];
	_ =	sdelay $0x4  }
0x1cc: {  	v1 =	vmax.f32 v2, v1  }
0x1cd: {  	v2 =	vld [tilespmem:s16+$0xCA70];
	[tilespmem:s16+$0xCA60] =	vst v1  }
0x1ce: {  	v1 =	vld [tilespmem:s14+$0x370];
	_ =	sdelay $0x4  }
0x1cf: {  	v1 =	vmax.f32 v2, v1;
	s30 =	spop (v2sf)  }
0x1d0: {  	[tilespmem:s16+$0xCA70] =	vst v1;
	s31 =	sshll.u32 s30, $0x9  }
0x1d1: {  	v1 =	vld [tilespmem:s14+$0x380];
	s16 =	sshra.s32 s31, $0x2  }
0x1d2: {  	v2 =	vld [tilespmem:s16+$0xCA00];
	_ =	sdelay $0x4  }
0x1d3: {  	v1 =	vmax.f32 v2, v1  }
0x1d4: {  	v2 =	vld [tilespmem:s16+$0xCA10];
	[tilespmem:s16+$0xCA00] =	vst v1  }
0x1d5: {  	v1 =	vld [tilespmem:s14+$0x390];
	_ =	sdelay $0x4  }
0x1d6: {  	v1 =	vmax.f32 v2, v1  }
0x1d7: {  	v2 =	vld [tilespmem:s16+$0xCA20];
	[tilespmem:s16+$0xCA10] =	vst v1  }
0x1d8: {  	v1 =	vld [tilespmem:s14+$0x3A0];
	_ =	sdelay $0x4  }
0x1d9: {  	v1 =	vmax.f32 v2, v1  }
0x1da: {  	v2 =	vld [tilespmem:s16+$0xCA30];
	[tilespmem:s16+$0xCA20] =	vst v1  }
0x1db: {  	v1 =	vld [tilespmem:s14+$0x3B0];
	_ =	sdelay $0x4  }
0x1dc: {  	v1 =	vmax.f32 v2, v1  }
0x1dd: {  	v2 =	vld [tilespmem:s16+$0xCA40];
	[tilespmem:s16+$0xCA30] =	vst v1  }
0x1de: {  	v1 =	vld [tilespmem:s14+$0x3C0];
	_ =	sdelay $0x4  }
0x1df: {  	v1 =	vmax.f32 v2, v1  }
0x1e0: {  	v2 =	vld [tilespmem:s16+$0xCA50];
	[tilespmem:s16+$0xCA40] =	vst v1  }
0x1e1: {  	v1 =	vld [tilespmem:s14+$0x3D0];
	_ =	sdelay $0x4  }
0x1e2: {  	v1 =	vmax.f32 v2, v1  }
0x1e3: {  	v2 =	vld [tilespmem:s16+$0xCA60];
	[tilespmem:s16+$0xCA50] =	vst v1  }
0x1e4: {  	v1 =	vld [tilespmem:s14+$0x3E0];
	_ =	sdelay $0x4  }
0x1e5: {  	v1 =	vmax.f32 v2, v1  }
0x1e6: {  	v2 =	vld [tilespmem:s16+$0xCA70];
	[tilespmem:s16+$0xCA60] =	vst v1  }
0x1e7: {  	v1 =	vld [tilespmem:s14+$0x3F0]  }
0x1e8: {  	p0 =	sne.s32 s15, $0x600  }
.Ltmp1:
0x1e9: {  	_ = 	snop;
	(pc) =	sbr.rel @p0 .LBB2_5-.Ltmp1, $3  }
0x1ea: {  	_ =	sdelay $0x1  }
0x1eb: {  	v1 =	vmax.f32 v2, v1  }
0x1ec: {  	s15 =	sadd.s32 $0x40, s15;
	s14 =	sadd.s32 $0x800, s14;
	[tilespmem:s16+$0xCA70] =	vst v1  }
0x1ed: {  	s13 =	sadd.s32 $0x1, s13  }
0x1ee: {  	p0 =	sne.s32 s13, $0x19  }
.Ltmp2:
0x1ef: {  	_ = 	snop;
	(pc) =	sbr.rel @p0 .LBB2_4-.Ltmp2, $1  }
0x1f0: {  	_ =	sdelay $0x3  }
0x1f1: {  	s11 =	sadd.s32 $0x1, s11  }
0x1f2: {  	p0 =	sne.s32 s11, s7  }
.Ltmp3:
0x1f3: {  	_ = 	snop;
	(pc) =	sbr.rel @p0 .LBB2_1-.Ltmp3, $4  }
0x1f4: {  	[hbm4b:s6+s2] =	stream.linear.scatter [tilespmem:s10], [sflag:$0x1], $0x2000, $0x38;
	[tilespmem:$0xEA00] =	vst v63  }
0x1f5: {  	_ =	swait.ge [sflag:s8], $0x2000  }
0x1f6: {  	[sflag:s8] =	ssyncset.done $0x0  }
0x1f7: {  	[sflag:s8] =	ssyncadd.s32 $0xFFFFE000  }
0x1f8: {  	_ =	sfence.sel $0x180000  }
0x1f9: {  	[bflag:$0x0] =	sbarrier.arrive $0xFFFF  }
0x1fa: {  	p0 =	sne.s32 s1, $0x0;
	_ =	strace $0x9000004A  }
0x1fb: {  	s0 =	sadd.s32 @!p0 $0x100000, s0;
	[bflag:$0x2] =	sbarrier.arrive $0xFFFF  }
0x1fc: {  	[sflag:s0] =	ssyncadd.tile.s32 @!p0 $0x1;
	_ =	shalt  }
.Lfunc_end2:
_tile_overlayer_lowered:
.L_overlay_start_2:
0x1fd: {  	(tag) =	ssettag $0x2  }
0x1fe: {  	s0 =	rddreg [dreg:$0x0];
	s2 =	stileid.u32  }
0x1ff: {  	s1 =	rddreg [dreg:$0x1];
	p0 =	sne.s32 s2, $0x0  }
0x200: {  	s3 =	rddreg [dreg:$0x2];
	[bflag:$0x3] =	sbarrier.arrive $0xFFFF;
	s2 =	simm.s32 @!p0 $0x1C01  }
0x201: {  	[timem:s3], [sflag:s2] =	dma.local @!p0 [hbm:s0], s1  }
0x202: {  	s0 =	simm.s32 @!p0 $0x1  }
0x203: {  	_ =	swait.ge @!p0 [sflag:s0], s1  }
0x204: {  	s1 =	ssub.s32 @!p0 $0x0, s1;
	[sflag:s0] =	ssyncset.done @!p0 $0x0  }
0x205: {  	[sflag:s0] =	ssyncadd.s32 @!p0 s1  }
0x206: {  	[bflag:$0x3] =	sbarrier.arrive $0xFFFF  }
0x207: {  	_ =	shalt  }

// kernel: kernel.7.cloned.1.call-start
scs
__scs_entry_jumppad:
0x0: {  	(pc) =	sbr.rel $0x88, $3  }
0x1: {  	(tag) =	ssettag $0x0;
	lr =	simm.s32 $0x1  }
0x2: {  	[smem:$0x3F92] =	sst lr;
	_ =	strace $0xD0000000  }
0x3: {  	_ = 	snop  }
0x4: {  	_ = 	snop  }
0x5: {  	_ = 	snop  }
0x6: {  	_ = 	snop  }
0x7: {  	_ = 	snop  }
__scs_overlays_trampoline_lowered:
0x8: {  	[smem:$0x3FA1] =	sst s0  }
0x9: {  	[smem:$0x3FA2] =	sst s1  }
0xa: {  	[smem:$0x3FA3] =	sst s2  }
0xb: {  	[smem:$0x3FA4] =	sst s3  }
0xc: {  	[smem:$0x3FA5] =	sst s4  }
0xd: {  	[smem:$0x3FA6] =	sst s5  }
0xe: {  	[smem:$0x3FA7] =	sst s6  }
0xf: {  	[smem:$0x3FA8] =	sst s7  }
0x10: {  	[smem:$0x3FA9] =	sst s8  }
0x11: {  	[smem:$0x3FAA] =	sst s9;
	s0 =	simm.s32 @!p0 $0x0  }
0x12: {  	s1 =	sld [smem:$0x3F90];
	s0 =	simm.s32 @p0 $0x1  }
0x13: {  	[smem:$0x3FAB] =	sst s0;
	s0 =	simm.s32 @!p1 $0x0  }
0x14: {  	s2 =	sld [smem:$0x3F8F];
	s0 =	simm.s32 @p1 $0x1  }
0x15: {  	[smem:$0x3FAC] =	sst s0;
	s0 =	simm.s32 @!p2 $0x0  }
0x16: {  	s3 =	sld [smem:$0x3FDB];
	s0 =	simm.s32 @p2 $0x1  }
0x17: {  	s4 =	simm.s32 $0x1BF5;
	[smem:$0x3FAE] =	sst s0  }
0x18: {  	s0 =	sld [smem:$0x3F91];
	_ =	swait.ge [sflag:s4], $0x0  }
0x19: {  	s7 =	sld [smem:$0x3F92]  }
0x1a: {  	s8 =	sadd.s32 $0xFFFFE003, lr  }
0x1b: {  	s9 =	sadd.s32 $0xFFFFFEF7, lr;
	s5 =	simm.s32 $0xFFFFFFFF;
	p2 =	slt.u32 s8, $0xFFFFF086  }
0x1c: {  	p1 =	slt.u32 s9, $0xF7A;
	s5 =	simm.s32 @!p2 $0x0  }
0x1d: {  	s5 =	simm.s32 @p1 $0x1;
	p0 =	seq.s32 s7, s2  }
0x1e: {  	s7 =	smul.u32 @!p0 $0xF7A, s2;
	p2 =	seq.s32 @!p0 s5, $0x0  }
0x1f: {  	s9 =	smul.u32 $0xF7A, s1;
	s8 =	simm.s32 @!p0 $0x1BF5;
	p2 =	por !p2, p0  }
0x20: {  	[sflag:s8] =	ssyncset.s32 @!p0 $0xFFFFF086;
	s6 =	sadd.s32 @!p0 s3, s7;
	s7 =	simm.s32 @!p0 $0x108  }
0x21: {  	s3 =	sadd.s32 s3, s9;
	s6 =	sadd.s32 @!p0 $0x88, s6;
	s7 =	simm.s32 @p2 $0x1082  }
0x22: {  	[simem:s7], [sflag:s8] =	dma.local @!p0 [hbm:s6], $0xF7A  }
0x23: {  	s9 =	sor.u32 $0xD0000000, s2;
	s6 =	simm.s32 $0x108;
	_ =	swait.ge @!p0 [sflag:s8], $0x0  }
0x24: {  	s3 =	sadd.s32 $0x88, s3;
	s6 =	simm.s32 @!p1 $0x1082;
	[sflag:s4] =	ssyncset.s32 $0xFFFFF086  }
0x25: {  	[simem:s6], [sflag:s4] =	dma.local [hbm:s3], $0xF7A  }
0x26: {  	[smem:$0x3F92] =	sst s1;
	(tag) =	ssettag s2;
	_ =	strace s9  }
0x27: {  	s1 =	sld [smem:$0x3FA2]  }
0x28: {  	s2 =	sld [smem:$0x3FA3]  }
0x29: {  	s4 =	sld [smem:$0x3FA5]  }
0x2a: {  	p0 =	seq.s32 s5, $0x0;
	s5 =	sld [smem:$0x3FA6]  }
0x2b: {  	s6 =	sld [smem:$0x3FA7]  }
0x2c: {  	s7 =	sld [smem:$0x3FA8]  }
0x2d: {  	s3 =	simm.s32 $0x108;
	s8 =	sld [smem:$0x3FA9]  }
0x2e: {  	s3 =	simm.s32 @!p0 $0x1082;
	s9 =	sld [smem:$0x3FAA]  }
0x2f: {  	lr =	sadd.s32 s0, s3;
	s0 =	sld [smem:$0x3FA1]  }
0x30: {  	s3 =	sld [smem:$0x3FA4]  }
0x31: {  	[smem:$0x3FAD] =	sst s10  }
0x32: {  	s10 =	sld [smem:$0x3FAB];
	_ =	sdelay $0x3  }
0x33: {  	p0 =	seq.s32 s10, $0x1;
	s10 =	sld [smem:$0x3FAD];
	_ =	sdelay $0x3  }
0x34: {  	[smem:$0x3FAD] =	sst s10  }
0x35: {  	s10 =	sld [smem:$0x3FAC];
	_ =	sdelay $0x3  }
0x36: {  	p1 =	seq.s32 s10, $0x1;
	s10 =	sld [smem:$0x3FAD];
	_ =	sdelay $0x3  }
0x37: {  	[smem:$0x3FAD] =	sst s10  }
0x38: {  	s10 =	sld [smem:$0x3FAE]  }
0x39: {  	_ = 	snop;
	(pc) =	sbr.ind lr, $3  }
0x3a: {  	_ = 	snop  }
0x3b: {  	_ = 	snop  }
0x3c: {  	p2 =	seq.s32 s10, $0x1;
	s10 =	sld [smem:$0x3FAD]  }
0x3d: {  	_ =	shalt  }
0x3e: {  	_ =	shalt  }
0x3f: {  	_ =	shalt  }
0x40: {  	_ =	shalt  }
0x41: {  	_ =	shalt  }
0x42: {  	_ =	shalt  }
0x43: {  	_ =	shalt  }
0x44: {  	_ =	shalt  }
0x45: {  	_ =	shalt  }
0x46: {  	_ =	shalt  }
0x47: {  	_ =	shalt  }
0x48: {  	_ =	shalt  }
0x49: {  	_ =	shalt  }
0x4a: {  	_ =	shalt  }
0x4b: {  	_ =	shalt  }
0x4c: {  	_ =	shalt  }
0x4d: {  	_ =	shalt  }
0x4e: {  	_ =	shalt  }
0x4f: {  	_ =	shalt  }
0x50: {  	_ =	shalt  }
0x51: {  	_ =	shalt  }
0x52: {  	_ =	shalt  }
0x53: {  	_ =	shalt  }
0x54: {  	_ =	shalt  }
0x55: {  	_ =	shalt  }
0x56: {  	_ =	shalt  }
0x57: {  	_ =	shalt  }
0x58: {  	_ =	shalt  }
0x59: {  	_ =	shalt  }
0x5a: {  	_ =	shalt  }
0x5b: {  	_ =	shalt  }
0x5c: {  	_ =	shalt  }
0x5d: {  	_ =	shalt  }
0x5e: {  	_ =	shalt  }
0x5f: {  	_ =	shalt  }
0x60: {  	_ =	shalt  }
0x61: {  	_ =	shalt  }
0x62: {  	_ =	shalt  }
0x63: {  	_ =	shalt  }
0x64: {  	_ =	shalt  }
0x65: {  	_ =	shalt  }
0x66: {  	_ =	shalt  }
0x67: {  	_ =	shalt  }
0x68: {  	_ =	shalt  }
0x69: {  	_ =	shalt  }
0x6a: {  	_ =	shalt  }
0x6b: {  	_ =	shalt  }
0x6c: {  	_ =	shalt  }
0x6d: {  	_ =	shalt  }
0x6e: {  	_ =	shalt  }
0x6f: {  	_ =	shalt  }
0x70: {  	_ =	shalt  }
0x71: {  	_ =	shalt  }
0x72: {  	_ =	shalt  }
0x73: {  	_ =	shalt  }
0x74: {  	_ =	shalt  }
0x75: {  	_ =	shalt  }
0x76: {  	_ =	shalt  }
0x77: {  	_ =	shalt  }
0x78: {  	_ =	shalt  }
0x79: {  	_ =	shalt  }
0x7a: {  	_ =	shalt  }
0x7b: {  	_ =	shalt  }
0x7c: {  	_ =	shalt  }
0x7d: {  	_ =	shalt  }
0x7e: {  	_ =	shalt  }
0x7f: {  	_ =	shalt  }
0x80: {  	_ =	shalt  }
0x81: {  	_ =	shalt  }
0x82: {  	_ =	shalt  }
0x83: {  	_ =	shalt  }
0x84: {  	_ =	shalt  }
0x85: {  	_ =	shalt  }
0x86: {  	_ =	shalt  }
0x87: {  	_ =	shalt  }
.Lfunc_end0:
.L_simem_size_0:
called_computation_lowered:
.L_overlay_start_0:
0x88: {  	s2 =	sld [smem:$0x3FD9]  }
0x89: {  	s3 =	sld [smem:$0x3FFE];
	_ =	sdelay $0x1  }
0x8a: {  	s1 =	srdreg.scid  }
0x8b: {  	s0 =	sand.u32 $0x1, s1  }
0x8c: {  	s17 =	sshll.u32 s0, $0xA;
	s2 =	sadd.s32 s3, s2  }
0x8d: {  	s2 =	sadd.s32 s2, s17  }
0x8e: {  	[smem:$0x3FB9] =	sst s2  }
0x8f: {  	_ = 	snop  }
0x90: {  	s2 =	sld [smem:$0x3FC7];
	(tm) =	ssettm $0x1  }
0x91: {  	s18 =	sld [smem:$0x3FFB];
	_ =	sdelay $0x3  }
0x92: {  	_ =	strace s18  }
0x93: {  	s3 =	sld [smem:$0x3FFC];
	_ =	sdelay $0x3  }
0x94: {  	_ =	strace s3  }
0x95: {  	s3 =	sld [smem:$0x3FFD];
	_ =	sdelay $0x3  }
0x96: {  	_ =	strace s3  }
0x97: {  	_ =	strace $0x8FFFFFFF  }
0x98: {  	s19 =	sld [smem:$0x3FDB];
	_ =	sdelay $0x1  }
0x99: {  	s4 =	simm.s32 $_scs_section_size  }
0x9a: {  	s5 =	simm.s32 $_size__tile_overlayer_lowered;
	s6 =	simm.s32 $_tile_overlayer_lowered  }
0x9b: {  	s22 =	simm.s32 $0x1BFF;
	s21 =	sshll.u32 s6, $0x1;
	s3 =	sadd.s32 s4, s19  }
0x9c: {  	s7 =	simm.s32 $0x0;
	s20 =	sshll.u32 s5, $0x1;
	s5 =	sadd.s32 s21, s3  }
0x9d: {  	[timem:s7], [sflag:s22] =	dma.local [hbm:s5], s20  }
0x9e: {  	_ =	swait.ge [sflag:s22], s20  }
0x9f: {  	s4 =	ssub.s32 $0x0, s20;
	[sflag:s22] =	ssyncset.done $0x0  }
0xa0: {  	[sflag:s22] =	ssyncadd.s32 s4;
	_ =	sdelay $0x1  }
0xa1: {  	s23 =	simm.s32 $0x1B8B  }
0xa2: {  	_ =	swait.ge [sflag:s23], $0x1  }
0xa3: {  	[sflag:s23] =	ssyncset.done $0x0  }
0xa4: {  	s25 =	simm.s32 $0x1B8E;
	s24 =	sld [smem:$0x3FFE];
	[sflag:s23] =	ssyncadd.s32 $0xFFFFFFFF  }
0xa5: {  	s26 =	simm.s32 $execute0_lowered;
	[smem:$0x3FD2] =	sst s25  }
0xa6: {  	s5 =	sshll.u32 s26, $0x1;
	_ =	strace $0x80000046;
	[dreg:$0x1] =	wrdreg $0xFFFFFFFF  }
0xa7: {  	s28 =	simm.s32 $_size_execute0_lowered;
	s3 =	sadd.s32 s3, s5;
	[dreg:$0x0] =	wrdreg $0x0  }
0xa8: {  	s5 =	sshll.u32 s28, $0x1;
	[dreg:$0x2] =	wrdreg s3  }
0xa9: {  	[dreg:$0x3] =	wrdreg s5  }
0xaa: {  	[dreg:$0x4] =	wrdreg $0xC0  }
0xab: {  	_ =	task [dreg:s7], $0x5FFFF  }
0xac: {  	[dreg:$0x1] =	wrdreg $0xFFFFFFFF  }
0xad: {  	[dreg:$0x0] =	wrdreg $0x60  }
0xae: {  	[dreg:$0x2] =	wrdreg s24  }
0xaf: {  	[dreg:$0x3] =	wrdreg s2  }
0xb0: {  	[dreg:$0x4] =	wrdreg $0x9  }
0xb1: {  	_ =	task.clear_ibuf [dreg:s7], $0x5FFFF;
	_ =	strace $0x90000046  }
0xb2: {  	s29 =	simm.s32 $0x9;
	_ =	strace $0x80000048  }
0xb3: {  	_ =	swait.ge [sflag:s29], $0x1  }
0xb4: {  	[sflag:s29] =	ssyncadd.s32 $0xFFFFFFFF  }
0xb5: {  	_ =	strace $0x90000048  }
0xb6: {  	_ =	sfence  }
0xb7: {  	s30 =	sld [smem:$0x0];
	_ =	sdelay $0x2  }
0xb8: {  	s31 =	sshll.u32 s1, $0xD;
	s1 =	sshrl.u32 s1, $0x2  }
0xb9: {  	s3 =	sand.u32 $0x4000, s31;
	s1 =	sadd.s32 s1, s30  }
0xba: {  	s0 =	sor.u32 s3, s0;
	s1 =	sshll.u32 s1, $0x11  }
0xbb: {  	s0 =	sor.u32 s1, s0  }
0xbc: {  	s0 =	sadd.s32 $0x8F2B, s0  }
0xbd: {  	[sflag:s0] =	ssyncadd.remote.s32 $0x1  }
0xbe: {  	_ =	sfence.sel $0xFFFF  }
0xbf: {  	[dreg:$0x0] =	wrdreg $0xFFFFFFFF;
	(pc) =	sbr.abs _section_cstart, $3  }
0xc0: {  	[dreg:$0x1] =	wrdreg $0xFFFFFFFF  }
0xc1: {  	_ =	task.clear_ibuf [dreg:s7], $0x2FFFF;
	_ =	strace $0x9FFFFFFF  }
0xc2: {  	(tm) =	ssettm $0x7FFFFFFF  }
0xc3: {  	_ =	shalt  }
tec
execute0_lowered:
.L_overlay_start_1:
0x0: {  	(tag) =	ssettag $0x1  }
0x1: {  	s8 =	rddreg [dreg:$0x0];
	s1 =	srdreg.scid  }
0x2: {  	s0 =	stileid.u32;
	s2 =	rddreg [dreg:$0x1]  }
0x3: {  	s3 =	simm.s32 $0x0;
	s13 =	simm.s32 $0x2780;
	s14 =	simm.s32 $0x50  }
0x4: {  	s15 =	simm.s32 $0x4F00;
	s16 =	simm.s32 $0x7700;
	s17 =	simm.s32 $0x9F00  }
0x5: {  	s18 =	simm.s32 $0x1;
	s7 =	sand.u32 $0x1, s1;
	s4 =	sshll.u32 s0, $0x1  }
0x6: {  	s19 =	simm.s32 $0x2;
	s20 =	simm.s32 $0x3;
	s4 =	sor.u32 s7, s4  }
0x7: {  	s21 =	simm.s32 $0x0;
	s1 =	rddreg [dreg:$0x2];
	s4 =	smul.u32 $0x2710, s4  }
0x8: {  	[smem:$0x7FF] =	sst s3;
	s5 =	sadd.s32 $0x16400, s8;
	s6 =	sadd.s32 $0x3D600, s8  }
0x9: {  	_ =	strace $0x80000047;
	s10 =	ssub.s32 $0x2, s7;
	s9 =	sshrl.u32 s4, $0x3  }
0xa: {  	s7 =	sadd.s32 $0x64800, s8;
	s31 =	sshrl.u32 s10, $0x1;
	s11 =	sadd.s32 s9, s8  }
0xb: {  	s12 =	ssub.s32 s10, s31;
	s8 =	sadd.s32 $0x546800, s8;
	s9 =	sadd.s32 $0xC600, s11  }
0xc: {  	s10 =	sadd.s32 $0x2800, s11;
	s11 =	smax.u32 s12, $0x1;
	s12 =	simm.s32 $0x4  }
.LBB2_1:
0xd: {  	[tilespmem:s3], [sflag:$0x4] =	stream.linear.gather [hbm4b:s9+s3], $0x2710, $0x38;
	[tilespmem:$0x9F80] =	vst v63  }
0xe: {  	_ =	swait.ge [sflag:s12], $0x2710  }
0xf: {  	[sflag:s12] =	ssyncset.done $0x0  }
0x10: {  	[sflag:s12] =	ssyncadd.s32 $0xFFFFD8F0  }
0x11: {  	[tilespmem:s13], [sflag:$0x4] =	stream.linear.gather [hbm4b:s10+s3], $0x2710, $0x38;
	[tilespmem:$0x9F80] =	vst v63  }
0x12: {  	_ =	swait.ge [sflag:s12], $0x2710  }
0x13: {  	[sflag:s12] =	ssyncset.done $0x0  }
0x14: {  	s22 =	simm.s32 $0x0;
	[sflag:s12] =	ssyncadd.s32 $0xFFFFD8F0  }
.LBB2_2:
0x15: {  	s23 =	smul.u32 $0x50, s22;
	_ =	sdelay $0x1  }
0x16: {  	[tilespmem:s15], [sflag:$0x1] =	stream.indirect.gather [hbm4b:s5+s14], $0x80, s23, s14, $0xb8;
	[tilespmem:$0x9F80] =	vst v63  }
0x17: {  	s24 =	sadd.s32 $0x2780, s23  }
0x18: {  	[tilespmem:s16], [sflag:$0x2] =	stream.indirect.gather [hbm4b:s6+s14], $0x80, s24, s14, $0xb8;
	[tilespmem:$0x9F80] =	vst v63  }
0x19: {  	_ = 	snop  }
0x1a: {  	[tilespmem:s17], [sflag:$0x3] =	stream.indirect.gather [hbm4b:s2+s14], $0x1, s23, s14, $0xb8;
	[tilespmem:$0x9F80] =	vst v63  }
0x1b: {  	_ =	swait.ge [sflag:s18], $0x2800  }
0x1c: {  	[sflag:s18] =	ssyncset.done $0x0  }
0x1d: {  	[sflag:s18] =	ssyncadd.s32 $0xFFFFD800  }
0x1e: {  	_ =	swait.ge [sflag:s19], $0x2800  }
0x1f: {  	[sflag:s19] =	ssyncset.done $0x0  }
0x20: {  	s24 =	simm.s32 $0x0;
	[sflag:s19] =	ssyncadd.s32 $0xFFFFD800  }
0x21: {  	v6 =	vld [tilespmem:s24+$0x7700]  }
0x22: {  	v11 =	vld [tilespmem:s24+$0x7710]  }
0x23: {  	v5 =	vld [tilespmem:s24+$0x7720]  }
0x24: {  	v4 =	vld [tilespmem:s24+$0x7730]  }
0x25: {  	v3 =	vld [tilespmem:s24+$0x7740]  }
0x26: {  	v2 =	vld [tilespmem:s24+$0x7750]  }
0x27: {  	v1 =	vld [tilespmem:s24+$0x7760]  }
0x28: {  	v0 =	vld [tilespmem:s24+$0x7770]  }
0x29: {  	v12 =	vld [tilespmem:s24+$0x4F00]  }
0x2a: {  	v13 =	vld [tilespmem:s24+$0x4F10]  }
0x2b: {  	v10 =	vld [tilespmem:s24+$0x4F20]  }
0x2c: {  	v9 =	vld [tilespmem:s24+$0x4F30]  }
0x2d: {  	v8 =	vld [tilespmem:s24+$0x4F40]  }
0x2e: {  	v7 =	vld [tilespmem:s24+$0x4F50];
	v12 =	vadd.f32 v6, v12  }
0x2f: {  	s25 =	simm.s32 $0x200;
	v11 =	vadd.f32 v11, v13;
	v6 =	vld [tilespmem:s24+$0x4F60]  }
.LBB2_3:
0x30: {  	s26 =	sshra.s32 s25, $0x2;
	p0 =	sne.s32 s25, $0x9E00;
	v12 =	vmax.f32 v12, $0.0e+00;
	v5 =	vadd.f32 v5, v10;
	v10 =	vld [tilespmem:s24+$0x4F70]  }
0x31: {  	v13 =	vld [tilespmem:s26+$0x7700];
	[tilespmem:s24+$0x4F00] =	vst v12;
	v11 =	vmax.f32 v11, $0.0e+00;
	v4 =	vadd.f32 v4, v9  }
0x32: {  	v14 =	vld [tilespmem:s26+$0x7710];
	[tilespmem:s24+$0x4F10] =	vst v11;
	v9 =	vmax.f32 v5, $0.0e+00;
	v3 =	vadd.f32 v3, v8  }
0x33: {  	v5 =	vld [tilespmem:s26+$0x7720];
	[tilespmem:s24+$0x4F20] =	vst v9;
	v8 =	vmax.f32 v4, $0.0e+00;
	v2 =	vadd.f32 v2, v7  }
0x34: {  	v4 =	vld [tilespmem:s26+$0x7730];
	[tilespmem:s24+$0x4F30] =	vst v8;
	v7 =	vmax.f32 v3, $0.0e+00;
	v1 =	vadd.f32 v1, v6  }
0x35: {  	v3 =	vld [tilespmem:s26+$0x7740];
	[tilespmem:s24+$0x4F40] =	vst v7;
	v6 =	vmax.f32 v2, $0.0e+00;
	v0 =	vadd.f32 v0, v10  }
0x36: {  	v2 =	vld [tilespmem:s26+$0x7750];
	[tilespmem:s24+$0x4F50] =	vst v6;
	v6 =	vmax.f32 v1, $0.0e+00  }
0x37: {  	v1 =	vld [tilespmem:s26+$0x7760];
	[tilespmem:s24+$0x4F60] =	vst v6;
	v6 =	vmax.f32 v0, $0.0e+00  }
0x38: {  	v0 =	vld [tilespmem:s26+$0x7770];
	[tilespmem:s24+$0x4F70] =	vst v6;
	s24 =	smov.u32 s26  }
0x39: {  	v6 =	vld [tilespmem:s24+$0x4F00]  }
0x3a: {  	v11 =	vld [tilespmem:s24+$0x4F10]  }
.Ltmp0:
0x3b: {  	v10 =	vld [tilespmem:s24+$0x4F20];
	(pc) =	sbr.rel @p0 .LBB2_3-.Ltmp0, $4  }
0x3c: {  	v9 =	vld [tilespmem:s24+$0x4F30]  }
0x3d: {  	v8 =	vld [tilespmem:s24+$0x4F40]  }
0x3e: {  	v12 =	vadd.f32 v13, v6;
	v7 =	vld [tilespmem:s24+$0x4F50]  }
0x3f: {  	s25 =	sadd.s32 $0x200, s25;
	v11 =	vadd.f32 v14, v11;
	v6 =	vld [tilespmem:s24+$0x4F60]  }
0x40: {  	v12 =	vmax.f32 v12, $0.0e+00;
	v5 =	vadd.f32 v5, v10;
	v63 =	vld [tilespmem:s24+$0x4F70]  }
0x41: {  	[tilespmem:s24+$0x4F00] =	vst v12;
	v11 =	vmax.f32 v11, $0.0e+00;
	v4 =	vadd.f32 v4, v9  }
0x42: {  	[tilespmem:s24+$0x4F10] =	vst v11;
	v5 =	vmax.f32 v5, $0.0e+00;
	v3 =	vadd.f32 v3, v8  }
0x43: {  	[tilespmem:s24+$0x4F20] =	vst v5;
	v4 =	vmax.f32 v4, $0.0e+00;
	v2 =	vadd.f32 v2, v7  }
0x44: {  	[tilespmem:s24+$0x4F30] =	vst v4;
	v3 =	vmax.f32 v3, $0.0e+00;
	v1 =	vadd.f32 v1, v6  }
0x45: {  	[tilespmem:s24+$0x4F40] =	vst v3;
	v2 =	vmax.f32 v2, $0.0e+00;
	v0 =	vadd.f32 v0, v63  }
0x46: {  	[tilespmem:s24+$0x4F50] =	vst v2;
	v1 =	vmax.f32 v1, $0.0e+00  }
0x47: {  	[tilespmem:s24+$0x4F60] =	vst v1;
	v0 =	vmax.f32 v0, $0.0e+00  }
0x48: {  	[tilespmem:s24+$0x4F70] =	vst v0  }
0x49: {  	s23 =	sadd.s32 s4, s23;
	_ =	swait.ge [sflag:s20], $0x50  }
0x4a: {  	s31 =	sshll.u32 s23, $0x4;
	[sflag:s20] =	ssyncset.done $0x0  }
0x4b: {  	s24 =	sadd.s32 s7, s31;
	[sflag:s20] =	ssyncadd.s32 $0xFFFFFFB0  }
0x4c: {  	[hbm4b:s24+s3] =	stream.linear.scatter [tilespmem:s15], [sflag:$0x4], $0x2800, $0x38;
	[tilespmem:$0x9F80] =	vst v63  }
0x4d: {  	s22 =	sadd.s32 $0x1, s22;
	_ =	swait.ge [sflag:s12], $0x2800  }
0x4e: {  	s23 =	sshrl.u32 s23, $0x3;
	p0 =	sne.s32 s22, $0x7D;
	[sflag:s12] =	ssyncset.done $0x0  }
.Ltmp1:
0x4f: {  	s23 =	sadd.s32 s8, s23;
	[sflag:s12] =	ssyncadd.s32 $0xFFFFD800;
	(pc) =	sbr.rel @p0 .LBB2_2-.Ltmp1, $4  }
0x50: {  	[hbm4b:s23+s3] =	stream.linear.scatter [tilespmem:s17], [sflag:$0x4], $0x50, $0x38;
	[tilespmem:$0x9F80] =	vst v63  }
0x51: {  	_ =	swait.ge [sflag:s12], $0x50  }
0x52: {  	[sflag:s12] =	ssyncset.done $0x0  }
0x53: {  	[sflag:s12] =	ssyncadd.s32 $0xFFFFFFB0  }
0x54: {  	s21 =	sadd.s32 $0x1, s21  }
0x55: {  	p0 =	sne.s32 s21, s11  }
.Ltmp2:
0x56: {  	_ = 	snop;
	(pc) =	sbr.rel @p0 .LBB2_1-.Ltmp2, $1  }
0x57: {  	_ =	sdelay $0x3  }
0x58: {  	_ =	sfence.sel $0x180000  }
0x59: {  	[bflag:$0x0] =	sbarrier.arrive $0xFFFF  }
0x5a: {  	p0 =	sne.s32 s0, $0x0;
	_ =	strace $0x90000047  }
0x5b: {  	s0 =	sadd.s32 @!p0 $0x100000, s1;
	[bflag:$0x2] =	sbarrier.arrive $0xFFFF  }
0x5c: {  	[sflag:s0] =	ssyncadd.tile.s32 @!p0 $0x1;
	_ =	shalt  }
.Lfunc_end2:
_tile_overlayer_lowered:
.L_overlay_start_2:
0x5d: {  	(tag) =	ssettag $0x2  }
0x5e: {  	s0 =	rddreg [dreg:$0x0];
	s2 =	stileid.u32  }
0x5f: {  	s1 =	rddreg [dreg:$0x1];
	p0 =	sne.s32 s2, $0x0  }
0x60: {  	s3 =	rddreg [dreg:$0x2];
	[bflag:$0x3] =	sbarrier.arrive $0xFFFF;
	s2 =	simm.s32 @!p0 $0x1C04  }
0x61: {  	[timem:s3], [sflag:s2] =	dma.local @!p0 [hbm:s0], s1  }
0x62: {  	s0 =	simm.s32 @!p0 $0x4  }
0x63: {  	_ =	swait.ge @!p0 [sflag:s0], s1  }
0x64: {  	s1 =	ssub.s32 @!p0 $0x0, s1;
	[sflag:s0] =	ssyncset.done @!p0 $0x0  }
0x65: {  	[sflag:s0] =	ssyncadd.s32 @!p0 s1  }
0x66: {  	[bflag:$0x3] =	sbarrier.arrive $0xFFFF  }
0x67: {  	_ =	shalt  }

</sc_bundles>
